<compile_context>
chip_gen: v7x
topology: tpu7x:2x2x1
jax: 0.10.2.dev20260603
libtpu: 0.0.44.dev20260713+nightly
codegen_flags: <defaults>
</compile_context>

<pallas_src>
import functools

import jax
import jax.numpy as jnp
from jax import lax
from jax.experimental import pallas as pl
from jax.experimental.pallas import tpu as pltpu
from jax.experimental.pallas import tpu_sc as plsc

N = 100000
D = 128
E = 200000

NC = 2
NS = 16
L = 16

R = 8192
NPASS = 7
NPAD = NC * NPASS * R
NDUM = 16
G = 128

EPT = 12800
EPAD = NS * EPT
CH_E = 3200
NCH_E = EPT // CH_E
IDXBUF = EPT + 3 * G

ROWS_PER_TILE = R // NS
BM = 2000


def _mm_body(x_ref, w_ref, b_ref, o_ref):
    o_ref[...] = (
        jnp.dot(x_ref[...], w_ref[...], preferred_element_type=jnp.float32)
        + b_ref[...]
    )


def _linear(x, w, b):
    n = x.shape[0]
    return pl.pallas_call(
        _mm_body,
        grid=(n // BM,),
        in_specs=[
            pl.BlockSpec((BM, D), lambda i: (i, 0)),
            pl.BlockSpec((D, D), lambda i: (0, 0)),
            pl.BlockSpec((1, D), lambda i: (0, 0)),
        ],
        out_specs=pl.BlockSpec((BM, D), lambda i: (i, 0)),
        out_shape=jax.ShapeDtypeStruct((n, D), jnp.float32),
        compiler_params=pltpu.CompilerParams(
            dimension_semantics=("parallel",)),
    )(x, w, b.reshape(1, D))


def _make_agg():
    mesh = plsc.VectorSubcoreMesh(core_axis_name="c", subcore_axis_name="s")
    scratch = [
        pltpu.VMEM((2, CH_E), jnp.int32),
        pltpu.VMEM((2, CH_E), jnp.int32),
        pltpu.VMEM((IDXBUF,), jnp.int32),
        pltpu.VMEM((2, G), jnp.int32),
        pltpu.VMEM((2, G), jnp.int32),
        pltpu.VMEM((G, D), jnp.float32),
        pltpu.VMEM((G, D), jnp.float32),
        pltpu.VMEM((16, D), jnp.float32),
        pltpu.VMEM_SHARED((R + NDUM, D), jnp.float32),
        pltpu.SemaphoreType.DMA,
        pltpu.SemaphoreType.DMA,
        pltpu.SemaphoreType.DMA,
        pltpu.SemaphoreType.DMA,
        pltpu.SemaphoreType.DMA,
        pltpu.SemaphoreType.DMA,
        pltpu.SemaphoreType.DMA,
    ]

    @functools.partial(
        pl.kernel,
        out_type=(jax.ShapeDtypeStruct((NPAD, D), jnp.float32),
                  jax.ShapeDtypeStruct((NPAD, D), jnp.float32)),
        mesh=mesh,
        scratch_types=scratch,
        compiler_params=pltpu.CompilerParams(needs_layout_passes=False),
    )
    def agg(*refs):
        ins = refs[:6]
        out_u, out_i = refs[6], refs[7]
        (eb0, eb1, gidx, gstage, sstage, rows0, rows1, zbuf, acc,
         gsem0, gsem1, esem0, esem1, zsem, osem0, osem1) = refs[8:]

        cid = lax.axis_index("c")
        sid = lax.axis_index("s")

        zvec = jnp.zeros((L,), jnp.float32)

        def zb(i, c):
            zbuf[i // 8, pl.ds((i % 8) * L, L)] = zvec
            return c
        lax.fori_loop(0, 16 * (D // L), zb, 0)

        iota = lax.iota(jnp.int32, L)
        pad_g = iota * 64 + sid * 1024
        pad_s = iota + R

        for out_hbm, etypes in ((out_u, (0, 1)), (out_i, (2,))):

            def do_pass(p, carry):
                lo = (p * NC + cid) * R
                hi = lo + R

                def zc(i, c):
                    pltpu.async_copy(
                        zbuf,
                        acc.at[pl.ds(sid * ROWS_PER_TILE + i * 16, 16)],
                        zsem)
                    return c
                lax.fori_loop(0, ROWS_PER_TILE // 16, zc, 0)

                for ti, t in enumerate(etypes):
                    wh_h = ins[2 * t]
                    e_h = ins[2 * t + 1]

                    n = jnp.int32(0)
                    if ti == 0:
                        def zw(i, c):
                            pltpu.make_async_copy(
                                zbuf,
                                acc.at[pl.ds(
                                    sid * ROWS_PER_TILE + i * 16, 16)],
                                zsem).wait()
                            return c
                        lax.fori_loop(0, ROWS_PER_TILE // 16, zw, 0)
                        plsc.subcore_barrier()

                    pad_packed = pad_g | (pad_s << 17)
                    for j in range(2 * G // L):
                        gidx[pl.ds(n + j * L, L)] = pad_packed

                    nch = (n + G - 1) // G

                    def unpack(x, par):
                        def ub(u, c):
                            pk = gidx[pl.ds(x * G + u * L, L)]
                            gs = jnp.minimum(pk & 0x1FFFF, N - 1)
                            ss = jnp.minimum(pk >> 17, R)
                            gstage[par, pl.ds(u * L, L)] = gs
                            sstage[par, pl.ds(u * L, L)] = ss
                            return c
                        lax.fori_loop(0, G // L, ub, 0, unroll=2)

                plsc.subcore_barrier()

                base = sid * ROWS_PER_TILE
                rbufs = (rows0, rows1)
                isems = (gsem0, gsem1)
                osems = (osem0, osem1)
                NW = ROWS_PER_TILE // G

                def cin(w, par):
                    return pltpu.async_copy(
                        acc.at[pl.ds(base + w * G, G)], rbufs[par],
                        isems[par])

                def cin_wait(w, par):
                    pltpu.make_async_copy(
                        acc.at[pl.ds(base + w * G, G)], rbufs[par],
                        isems[par]).wait()

                def cout(w, par):
                    return pltpu.async_copy(
                        rbufs[par], out_hbm.at[pl.ds(lo + base + w * G, G)],
                        osems[par])

                def cout_wait(w, par):
                    pltpu.make_async_copy(
                        rbufs[par], out_hbm.at[pl.ds(lo + base + w * G, G)],
                        osems[par]).wait()

                cin(0, 0)
                for w in range(NW):
                    par = w % 2
                    op = 1 - par
                    if w + 1 < NW:
                        if w >= 1:
                            cout_wait(w - 1, op)
                        cin(w + 1, op)
                    cin_wait(w, par)
                    rb = rbufs[par]

                    def relu_row(r, c):
                        for ccol in range(D // L):
                            v = rb[r, pl.ds(ccol * L, L)]
                            rb[r, pl.ds(ccol * L, L)] = jnp.maximum(v, 0.0)
                        return c
                    lax.fori_loop(0, G, relu_row, 0, unroll=2)
                    cout(w, par)
                cout_wait(NW - 2, 0)
                cout_wait(NW - 1, 1)
                return carry

            lax.fori_loop(0, NPASS, do_pass, 0)

    return agg


_agg = _make_agg()


def _pad_edges(e):
    k = EPAD - E
    ar = jnp.arange(k, dtype=jnp.int32)
    pad = jnp.stack([(ar * 97) % N, N + ar % (NPAD - N)])
    return jnp.concatenate([e, pad], axis=1)


def kernel(feat_user, feat_item, edge_index_follows, edge_index_rates,
           edge_index_rated_by, W_follows, b_follows, W_rates, b_rates,
           W_rated_by, b_rated_by):
    wh_follows = _linear(feat_user, W_follows, b_follows)
    wh_rates = _linear(feat_user, W_rates, b_rates)
    wh_rated_by = _linear(feat_item, W_rated_by, b_rated_by)

    ef = _pad_edges(edge_index_follows)
    er = _pad_edges(edge_index_rates)
    erb = _pad_edges(edge_index_rated_by)

    h_user, h_item = _agg(
        wh_follows, ef,
        wh_rated_by, erb,
        wh_rates, er,
    )
    return (h_user[:N], h_item[:N])

# --- scband reference (transcript-rebuilt; emitter-appended) ---
"""Pipeline reference for scband-hetero-gcnlayer-14259291423311 (READ-ONLY COPY).

The authoritative reference and input builder live on the scoring server;
editing this copy changes nothing except your own understanding.
"""

import jax, jax.numpy as jnp
import numpy as np

N_USER = 100000
N_ITEM = 100000
D_IN = 128
D_OUT = 128
E = 200000


def setup_inputs(seed: int = 0) -> dict:
    key = jax.random.key(seed)
    ks = jax.random.split(key, 12)
    feat_user = jax.random.normal(ks[0], (N_USER, D_IN), dtype=jnp.float32)
    feat_item = jax.random.normal(ks[1], (N_ITEM, D_IN), dtype=jnp.float32)
    edge_index_follows = jax.random.randint(ks[2], (2, E), 0, N_USER, dtype=jnp.int32)
    edge_index_rates = jax.random.randint(ks[3], (2, E), 0, N_USER, dtype=jnp.int32)  # src<N_USER, dst<N_ITEM (both 100000)
    edge_index_rated_by = jax.random.randint(ks[4], (2, E), 0, N_ITEM, dtype=jnp.int32)
    s = 1.0 / np.sqrt(D_IN)
    W_follows = jax.random.uniform(ks[5], (D_IN, D_OUT), dtype=jnp.float32, minval=-s, maxval=s)
    b_follows = jax.random.uniform(ks[6], (D_OUT,), dtype=jnp.float32, minval=-s, maxval=s)
    W_rates = jax.random.uniform(ks[7], (D_IN, D_OUT), dtype=jnp.float32, minval=-s, maxval=s)
    b_rates = jax.random.uniform(ks[8], (D_OUT,), dtype=jnp.float32, minval=-s, maxval=s)
    W_rated_by = jax.random.uniform(ks[9], (D_IN, D_OUT), dtype=jnp.float32, minval=-s, maxval=s)
    b_rated_by = jax.random.uniform(ks[10], (D_OUT,), dtype=jnp.float32, minval=-s, maxval=s)
    return {
        "feat_user": feat_user,
        "feat_item": feat_item,
        "edge_index_follows": edge_index_follows,
        "edge_index_rates": edge_index_rates,
        "edge_index_rated_by": edge_index_rated_by,
        "W_follows": W_follows, "b_follows": b_follows,
        "W_rates": W_rates, "b_rates": b_rates,
        "W_rated_by": W_rated_by, "b_rated_by": b_rated_by,
    }


def reference(feat_user, feat_item, edge_index_follows, edge_index_rates,
              edge_index_rated_by, W_follows, b_follows, W_rates, b_rates,
              W_rated_by, b_rated_by):
    # Per-etype linear transform of source-node features (fc[etype](feat_dict[srctype]))
    Wh_follows = feat_user @ W_follows + b_follows      # src=user -> dst=user
    Wh_rates = feat_user @ W_rates + b_rates            # src=user -> dst=item
    Wh_rated_by = feat_item @ W_rated_by + b_rated_by   # src=item -> dst=user

    # Message passing: gather Wh at edge src, sum-reduce into dst (mailbox sum),
    # then DGL cross_reducer 'sum' across etypes targeting the same dst ntype.
    h_user = jax.ops.segment_sum(Wh_follows[edge_index_follows[0]],
                                 edge_index_follows[1], num_segments=N_USER)
    h_user = h_user + jax.ops.segment_sum(Wh_rated_by[edge_index_rated_by[0]],
                                          edge_index_rated_by[1], num_segments=N_USER)
    h_item = jax.ops.segment_sum(Wh_rates[edge_index_rates[0]],
                                 edge_index_rates[1], num_segments=N_ITEM)

    # use_relu=True
    h_user = jax.nn.relu(h_user)
    h_item = jax.nn.relu(h_item)
    return (h_user, h_item)

if __name__ == "__main__":
    import jax
    _d = setup_inputs()
    print(jax.jit(kernel)(*tuple(_d.values())))

</pallas_src>

<mosaic_0001>
#map = affine_map<(d0, d1) -> (0, 0)>
module attributes {stable_mosaic.version = 14 : i64} {
  func.func @agg(%arg0: i32, %arg1: i32, %arg2: memref<100000x128xf32, #tpu.memory_space<hbm>>, %arg3: memref<2x204800xi32, #tpu.memory_space<hbm>>, %arg4: memref<100000x128xf32, #tpu.memory_space<hbm>>, %arg5: memref<2x204800xi32, #tpu.memory_space<hbm>>, %arg6: memref<100000x128xf32, #tpu.memory_space<hbm>>, %arg7: memref<2x204800xi32, #tpu.memory_space<hbm>>, %arg8: memref<114688x128xf32, #tpu.memory_space<hbm>>, %arg9: memref<114688x128xf32, #tpu.memory_space<hbm>>, %arg10: memref<2x3200xi32, #tpu.memory_space<vmem>>, %arg11: memref<2x3200xi32, #tpu.memory_space<vmem>>, %arg12: memref<13184xi32, #tpu.memory_space<vmem>>, %arg13: memref<2x128xi32, #tpu.memory_space<vmem>>, %arg14: memref<2x128xi32, #tpu.memory_space<vmem>>, %arg15: memref<128x128xf32, #tpu.memory_space<vmem>>, %arg16: memref<128x128xf32, #tpu.memory_space<vmem>>, %arg17: memref<16x128xf32, #tpu.memory_space<vmem>>, %arg18: memref<8208x128xf32, #tpu.memory_space<vmem_shared>>, %arg19: memref<!tpu.dma_semaphore, #tpu.memory_space<semaphore_mem>>, %arg20: memref<!tpu.dma_semaphore, #tpu.memory_space<semaphore_mem>>, %arg21: memref<!tpu.dma_semaphore, #tpu.memory_space<semaphore_mem>>, %arg22: memref<!tpu.dma_semaphore, #tpu.memory_space<semaphore_mem>>, %arg23: memref<!tpu.dma_semaphore, #tpu.memory_space<semaphore_mem>>, %arg24: memref<!tpu.dma_semaphore, #tpu.memory_space<semaphore_mem>>, %arg25: memref<!tpu.dma_semaphore, #tpu.memory_space<semaphore_mem>>) attributes {dimension_semantics = [#tpu.dimension_semantics<core_parallel>, #tpu.dimension_semantics<subcore_parallel>], iteration_bounds = array<i64: 2, 16>, scalar_prefetch = 0 : i64, scratch_operands = 16 : i64, tpu.core_type = #tpu.core_type<sc_vector_subcore>, window_params = [{transform_indices = #map}, {transform_indices = #map}, {transform_indices = #map}, {transform_indices = #map}, {transform_indices = #map}, {transform_indices = #map}, {transform_indices = #map}, {transform_indices = #map}]} {
    %broadcast_in_dim3A = arith.constant 0.000000e+00 : f32
    %broadcast_in_dim3A_0 = vector.broadcast %broadcast_in_dim3A : f32 to vector<16xf32>
    %scan3A = arith.constant 0 : i32
    %scan3A_1 = arith.constant 0 : i32
    %scan3A_2 = arith.constant 128 : i32
    %scan3A_3 = arith.addi %scan3A_1, %scan3A_2 : i32
    %scan3A_4 = arith.constant 1 : i32
    scf.for %scan3A_26 = %scan3A_1 to %scan3A_3 step %scan3A_4  : i32 {
      %jit3A = arith.constant 8 : i32
      %div3A = arith.divsi %scan3A_26, %jit3A : i32
      %sign3A = arith.constant 0 : i32
      %sign3A_27 = arith.cmpi sgt, %scan3A_26, %sign3A : i32
      %sign3A_28 = arith.extui %sign3A_27 : i1 to i32
      %sign3A_29 = arith.constant 0 : i32
      %sign3A_30 = arith.cmpi slt, %scan3A_26, %sign3A_29 : i32
      %sign3A_31 = arith.extui %sign3A_30 : i1 to i32
      %sign3A_32 = arith.subi %sign3A_28, %sign3A_31 : i32
      %sign3A_33 = arith.constant 0 : i32
      %sign3A_34 = arith.cmpi sgt, %jit3A, %sign3A_33 : i32
      %sign3A_35 = arith.extui %sign3A_34 : i1 to i32
      %sign3A_36 = arith.constant 0 : i32
      %sign3A_37 = arith.cmpi slt, %jit3A, %sign3A_36 : i32
      %sign3A_38 = arith.extui %sign3A_37 : i1 to i32
      %sign3A_39 = arith.subi %sign3A_35, %sign3A_38 : i32
      %ne3A = arith.cmpi ne, %sign3A_32, %sign3A_39 : i32
      %rem3A = arith.remsi %scan3A_26, %jit3A : i32
      %ne3A_40 = arith.constant 0 : i32
      %ne3A_41 = arith.cmpi ne, %rem3A, %ne3A_40 : i32
      %and3A = arith.andi %ne3A, %ne3A_41 : i1
      %sub3A = arith.constant 1 : i32
      %sub3A_42 = arith.subi %div3A, %sub3A : i32
      %select_n3A = arith.select %and3A, %sub3A_42, %div3A : i32
      %jit3A_43 = arith.constant 8 : i32
      %eq3A = arith.constant 0 : i32
      %eq3A_44 = arith.cmpi eq, %jit3A_43, %eq3A : i32
      %jit3A_45 = arith.constant 1 : i32
      %select_n3A_46 = arith.select %eq3A_44, %jit3A_45, %jit3A_43 : i32
      %rem3A_47 = arith.remsi %scan3A_26, %select_n3A_46 : i32
      %ne3A_48 = arith.constant 0 : i32
      %ne3A_49 = arith.cmpi ne, %rem3A_47, %ne3A_48 : i32
      %lt3A = arith.constant 0 : i32
      %lt3A_50 = arith.cmpi slt, %rem3A_47, %lt3A : i32
      %lt3A_51 = arith.constant 0 : i32
      %lt3A_52 = arith.cmpi slt, %select_n3A_46, %lt3A_51 : i32
      %ne3A_53 = arith.xori %lt3A_50, %lt3A_52 : i1
      %and3A_54 = arith.andi %ne3A_53, %ne3A_49 : i1
      %add3A_55 = arith.addi %rem3A_47, %select_n3A_46 : i32
      %select_n3A_56 = arith.select %and3A_54, %add3A_55, %rem3A_47 : i32
      %mul3A_57 = arith.constant 16 : i32
      %mul3A_58 = arith.muli %select_n3A_56, %mul3A_57 : i32
      %swap3A = arith.index_cast %select_n3A : i32 to index
      %swap3A_59 = arith.index_cast %mul3A_58 : i32 to index
      %swap3A_60 = tpu.vector_load %arg17[%swap3A, %swap3A_59] {strides = array<i32>} : memref<16x128xf32, #tpu.memory_space<vmem>>, vector<16xf32>,
      tpu.vector_store %arg17[%swap3A, %swap3A_59], %broadcast_in_dim3A_0 {strides = array<i32>} : memref<16x128xf32, #tpu.memory_space<vmem>>, vector<16xf32>,
    }
    %scan3A_5 = arith.constant 128 : i32
    %iota3A = tpu.iota {dimensions = array<i32: 0>} : vector<16xi32>
    %mul3A = arith.constant 64 : i32
    %mul3A_6 = vector.broadcast %mul3A : i32 to vector<16xi32>
    %mul3A_7 = arith.muli %iota3A, %mul3A_6 : vector<16xi32>
    %mul3A_8 = arith.constant 1024 : i32
    %mul3A_9 = arith.muli %arg1, %mul3A_8 : i32
    %add3A = vector.broadcast %mul3A_9 : i32 to vector<16xi32>
    %add3A_10 = arith.addi %mul3A_7, %add3A : vector<16xi32>
    %add3A_11 = arith.constant 8192 : i32
    %add3A_12 = vector.broadcast %add3A_11 : i32 to vector<16xi32>
    %add3A_13 = arith.addi %iota3A, %add3A_12 : vector<16xi32>
    %scan3A_14 = arith.constant 0 : i32
    %scan3A_15 = arith.constant 0 : i32
    %scan3A_16 = arith.constant 7 : i32
    %scan3A_17 = arith.addi %scan3A_15, %scan3A_16 : i32
    %scan3A_18 = arith.constant 1 : i32
    scf.for %scan3A_26 = %scan3A_15 to %scan3A_17 step %scan3A_18  : i32 {
      %mul3A_27 = arith.constant 2 : i32
      %mul3A_28 = arith.muli %scan3A_26, %mul3A_27 : i32
      %add3A_29 = arith.addi %mul3A_28, %arg0 : i32
      %mul3A_30 = arith.constant 8192 : i32
      %mul3A_31 = arith.muli %add3A_29, %mul3A_30 : i32
      %add3A_32 = arith.constant 8192 : i32
      %add3A_33 = arith.addi %mul3A_31, %add3A_32 : i32
      %scan3A_34 = arith.constant 0 : i32
      %scan3A_35 = arith.constant 0 : i32
      %scan3A_36 = arith.constant 32 : i32
      %scan3A_37 = arith.addi %scan3A_35, %scan3A_36 : i32
      %scan3A_38 = arith.constant 1 : i32
      scf.for %scan3A_390 = %scan3A_35 to %scan3A_37 step %scan3A_38  : i32 {
        %mul3A_391 = arith.constant 512 : i32
        %mul3A_392 = arith.muli %arg1, %mul3A_391 : i32
        %mul3A_393 = arith.constant 16 : i32
        %mul3A_394 = arith.muli %scan3A_390, %mul3A_393 : i32
        %add3A_395 = arith.addi %mul3A_392, %mul3A_394 : i32
        %dma_start3A_396 = arith.constant 0 : i32
        %dma_start3A_397 = tpu.memref_slice %arg18[%add3A_395, %dma_start3A_396] : memref<8208x128xf32, #tpu.memory_space<vmem_shared>> -> memref<16x128xf32, #tpu.memory_space<vmem_shared>>
        %dma_start3A_398 = arith.constant 0 : i32
        %dma_start3A_399 = tpu.memref_slice %arg18[%add3A_395, %dma_start3A_398] : memref<8208x128xf32, #tpu.memory_space<vmem_shared>> -> memref<16x128xf32, #tpu.memory_space<vmem_shared>>
        tpu.enqueue_dma source(%arg17 : memref<16x128xf32, #tpu.memory_space<vmem>>) target(%dma_start3A_399 : memref<16x128xf32, #tpu.memory_space<vmem_shared>>) target_semaphore(%arg23 : memref<!tpu.dma_semaphore, #tpu.memory_space<semaphore_mem>>)
      }
      %scan3A_39 = arith.constant 32 : i32
      %scan3A_40 = arith.constant 0 : i32
      %scan3A_41 = arith.constant 0 : i32
      %scan3A_42 = arith.constant 32 : i32
      %scan3A_43 = arith.addi %scan3A_41, %scan3A_42 : i32
      %scan3A_44 = arith.constant 1 : i32
      scf.for %scan3A_390 = %scan3A_41 to %scan3A_43 step %scan3A_44  : i32 {
        %mul3A_391 = arith.constant 512 : i32
        %mul3A_392 = arith.muli %arg1, %mul3A_391 : i32
        %mul3A_393 = arith.constant 16 : i32
        %mul3A_394 = arith.muli %scan3A_390, %mul3A_393 : i32
        %add3A_395 = arith.addi %mul3A_392, %mul3A_394 : i32
        %dma_wait3A_396 = arith.constant 0 : i32
        %dma_wait3A_397 = tpu.memref_slice %arg18[%add3A_395, %dma_wait3A_396] : memref<8208x128xf32, #tpu.memory_space<vmem_shared>> -> memref<16x128xf32, #tpu.memory_space<vmem_shared>>
        %dma_wait3A_398 = arith.constant 0 : i32
        %dma_wait3A_399 = tpu.memref_slice %arg18[%add3A_395, %dma_wait3A_398] : memref<8208x128xf32, #tpu.memory_space<vmem_shared>> -> memref<16x128xf32, #tpu.memory_space<vmem_shared>>
        tpu.wait_dma2 semaphore(%arg23 : memref<!tpu.dma_semaphore, #tpu.memory_space<semaphore_mem>>) src(%arg17 : memref<16x128xf32, #tpu.memory_space<vmem>>) dst(%dma_wait3A_399 : memref<16x128xf32, #tpu.memory_space<vmem_shared>>)
      }
      %scan3A_45 = arith.constant 32 : i32
      %barrier3A = arith.constant 0 : index
      tpu.barrier barrier_id(%barrier3A)
      %shift_left3A = arith.constant 17 : i32
      %shift_left3A_46 = vector.broadcast %shift_left3A : i32 to vector<16xi32>
      %shift_left3A_47 = arith.shli %add3A_13, %shift_left3A_46 : vector<16xi32>
      %or3A = arith.ori %add3A_10, %shift_left3A_47 : vector<16xi32>
      %add3A_48 = arith.constant 0 : i32
      %add3A_49 = arith.constant 0 : i32
      %add3A_50 = arith.addi %add3A_48, %add3A_49 : i32
      %swap3A = arith.index_cast %add3A_50 : i32 to index
      %swap3A_51 = tpu.vector_load %arg12[%swap3A] {strides = array<i32>} : memref<13184xi32, #tpu.memory_space<vmem>>, vector<16xi32>,
      tpu.vector_store %arg12[%swap3A], %or3A {strides = array<i32>} : memref<13184xi32, #tpu.memory_space<vmem>>, vector<16xi32>,
      %add3A_52 = arith.constant 0 : i32
      %add3A_53 = arith.constant 16 : i32
      %add3A_54 = arith.addi %add3A_52, %add3A_53 : i32
      %swap3A_55 = arith.index_cast %add3A_54 : i32 to index
      %swap3A_56 = tpu.vector_load %arg12[%swap3A_55] {strides = array<i32>} : memref<13184xi32, #tpu.memory_space<vmem>>, vector<16xi32>,
      tpu.vector_store %arg12[%swap3A_55], %or3A {strides = array<i32>} : memref<13184xi32, #tpu.memory_space<vmem>>, vector<16xi32>,
      %add3A_57 = arith.constant 0 : i32
      %add3A_58 = arith.constant 32 : i32
      %add3A_59 = arith.addi %add3A_57, %add3A_58 : i32
      %swap3A_60 = arith.index_cast %add3A_59 : i32 to index
      %swap3A_61 = tpu.vector_load %arg12[%swap3A_60] {strides = array<i32>} : memref<13184xi32, #tpu.memory_space<vmem>>, vector<16xi32>,
      tpu.vector_store %arg12[%swap3A_60], %or3A {strides = array<i32>} : memref<13184xi32, #tpu.memory_space<vmem>>, vector<16xi32>,
      %add3A_62 = arith.constant 0 : i32
      %add3A_63 = arith.constant 48 : i32
      %add3A_64 = arith.addi %add3A_62, %add3A_63 : i32
      %swap3A_65 = arith.index_cast %add3A_64 : i32 to index
      %swap3A_66 = tpu.vector_load %arg12[%swap3A_65] {strides = array<i32>} : memref<13184xi32, #tpu.memory_space<vmem>>, vector<16xi32>,
      tpu.vector_store %arg12[%swap3A_65], %or3A {strides = array<i32>} : memref<13184xi32, #tpu.memory_space<vmem>>, vector<16xi32>,
      %add3A_67 = arith.constant 0 : i32
      %add3A_68 = arith.constant 64 : i32
      %add3A_69 = arith.addi %add3A_67, %add3A_68 : i32
      %swap3A_70 = arith.index_cast %add3A_69 : i32 to index
      %swap3A_71 = tpu.vector_load %arg12[%swap3A_70] {strides = array<i32>} : memref<13184xi32, #tpu.memory_space<vmem>>, vector<16xi32>,
      tpu.vector_store %arg12[%swap3A_70], %or3A {strides = array<i32>} : memref<13184xi32, #tpu.memory_space<vmem>>, vector<16xi32>,
      %add3A_72 = arith.constant 0 : i32
      %add3A_73 = arith.constant 80 : i32
      %add3A_74 = arith.addi %add3A_72, %add3A_73 : i32
      %swap3A_75 = arith.index_cast %add3A_74 : i32 to index
      %swap3A_76 = tpu.vector_load %arg12[%swap3A_75] {strides = array<i32>} : memref<13184xi32, #tpu.memory_space<vmem>>, vector<16xi32>,
      tpu.vector_store %arg12[%swap3A_75], %or3A {strides = array<i32>} : memref<13184xi32, #tpu.memory_space<vmem>>, vector<16xi32>,
      %add3A_77 = arith.constant 0 : i32
      %add3A_78 = arith.constant 96 : i32
      %add3A_79 = arith.addi %add3A_77, %add3A_78 : i32
      %swap3A_80 = arith.index_cast %add3A_79 : i32 to index
      %swap3A_81 = tpu.vector_load %arg12[%swap3A_80] {strides = array<i32>} : memref<13184xi32, #tpu.memory_space<vmem>>, vector<16xi32>,
      tpu.vector_store %arg12[%swap3A_80], %or3A {strides = array<i32>} : memref<13184xi32, #tpu.memory_space<vmem>>, vector<16xi32>,
      %add3A_82 = arith.constant 0 : i32
      %add3A_83 = arith.constant 112 : i32
      %add3A_84 = arith.addi %add3A_82, %add3A_83 : i32
      %swap3A_85 = arith.index_cast %add3A_84 : i32 to index
      %swap3A_86 = tpu.vector_load %arg12[%swap3A_85] {strides = array<i32>} : memref<13184xi32, #tpu.memory_space<vmem>>, vector<16xi32>,
      tpu.vector_store %arg12[%swap3A_85], %or3A {strides = array<i32>} : memref<13184xi32, #tpu.memory_space<vmem>>, vector<16xi32>,
      %add3A_87 = arith.constant 0 : i32
      %add3A_88 = arith.constant 128 : i32
      %add3A_89 = arith.addi %add3A_87, %add3A_88 : i32
      %swap3A_90 = arith.index_cast %add3A_89 : i32 to index
      %swap3A_91 = tpu.vector_load %arg12[%swap3A_90] {strides = array<i32>} : memref<13184xi32, #tpu.memory_space<vmem>>, vector<16xi32>,
      tpu.vector_store %arg12[%swap3A_90], %or3A {strides = array<i32>} : memref<13184xi32, #tpu.memory_space<vmem>>, vector<16xi32>,
      %add3A_92 = arith.constant 0 : i32
      %add3A_93 = arith.constant 144 : i32
      %add3A_94 = arith.addi %add3A_92, %add3A_93 : i32
      %swap3A_95 = arith.index_cast %add3A_94 : i32 to index
      %swap3A_96 = tpu.vector_load %arg12[%swap3A_95] {strides = array<i32>} : memref<13184xi32, #tpu.memory_space<vmem>>, vector<16xi32>,
      tpu.vector_store %arg12[%swap3A_95], %or3A {strides = array<i32>} : memref<13184xi32, #tpu.memory_space<vmem>>, vector<16xi32>,
      %add3A_97 = arith.constant 0 : i32
      %add3A_98 = arith.constant 160 : i32
      %add3A_99 = arith.addi %add3A_97, %add3A_98 : i32
      %swap3A_100 = arith.index_cast %add3A_99 : i32 to index
      %swap3A_101 = tpu.vector_load %arg12[%swap3A_100] {strides = array<i32>} : memref<13184xi32, #tpu.memory_space<vmem>>, vector<16xi32>,
      tpu.vector_store %arg12[%swap3A_100], %or3A {strides = array<i32>} : memref<13184xi32, #tpu.memory_space<vmem>>, vector<16xi32>,
      %add3A_102 = arith.constant 0 : i32
      %add3A_103 = arith.constant 176 : i32
      %add3A_104 = arith.addi %add3A_102, %add3A_103 : i32
      %swap3A_105 = arith.index_cast %add3A_104 : i32 to index
      %swap3A_106 = tpu.vector_load %arg12[%swap3A_105] {strides = array<i32>} : memref<13184xi32, #tpu.memory_space<vmem>>, vector<16xi32>,
      tpu.vector_store %arg12[%swap3A_105], %or3A {strides = array<i32>} : memref<13184xi32, #tpu.memory_space<vmem>>, vector<16xi32>,
      %add3A_107 = arith.constant 0 : i32
      %add3A_108 = arith.constant 192 : i32
      %add3A_109 = arith.addi %add3A_107, %add3A_108 : i32
      %swap3A_110 = arith.index_cast %add3A_109 : i32 to index
      %swap3A_111 = tpu.vector_load %arg12[%swap3A_110] {strides = array<i32>} : memref<13184xi32, #tpu.memory_space<vmem>>, vector<16xi32>,
      tpu.vector_store %arg12[%swap3A_110], %or3A {strides = array<i32>} : memref<13184xi32, #tpu.memory_space<vmem>>, vector<16xi32>,
      %add3A_112 = arith.constant 0 : i32
      %add3A_113 = arith.constant 208 : i32
      %add3A_114 = arith.addi %add3A_112, %add3A_113 : i32
      %swap3A_115 = arith.index_cast %add3A_114 : i32 to index
      %swap3A_116 = tpu.vector_load %arg12[%swap3A_115] {strides = array<i32>} : memref<13184xi32, #tpu.memory_space<vmem>>, vector<16xi32>,
      tpu.vector_store %arg12[%swap3A_115], %or3A {strides = array<i32>} : memref<13184xi32, #tpu.memory_space<vmem>>, vector<16xi32>,
      %add3A_117 = arith.constant 0 : i32
      %add3A_118 = arith.constant 224 : i32
      %add3A_119 = arith.addi %add3A_117, %add3A_118 : i32
      %swap3A_120 = arith.index_cast %add3A_119 : i32 to index
      %swap3A_121 = tpu.vector_load %arg12[%swap3A_120] {strides = array<i32>} : memref<13184xi32, #tpu.memory_space<vmem>>, vector<16xi32>,
      tpu.vector_store %arg12[%swap3A_120], %or3A {strides = array<i32>} : memref<13184xi32, #tpu.memory_space<vmem>>, vector<16xi32>,
      %add3A_122 = arith.constant 0 : i32
      %add3A_123 = arith.constant 240 : i32
      %add3A_124 = arith.addi %add3A_122, %add3A_123 : i32
      %swap3A_125 = arith.index_cast %add3A_124 : i32 to index
      %swap3A_126 = tpu.vector_load %arg12[%swap3A_125] {strides = array<i32>} : memref<13184xi32, #tpu.memory_space<vmem>>, vector<16xi32>,
      tpu.vector_store %arg12[%swap3A_125], %or3A {strides = array<i32>} : memref<13184xi32, #tpu.memory_space<vmem>>, vector<16xi32>,
      %add3A_127 = arith.constant 0 : i32
      %add3A_128 = arith.constant 128 : i32
      %add3A_129 = arith.addi %add3A_127, %add3A_128 : i32
      %sub3A = arith.constant 1 : i32
      %sub3A_130 = arith.subi %add3A_129, %sub3A : i32
      %jit3A = arith.constant 128 : i32
      %div3A = arith.divsi %sub3A_130, %jit3A : i32
      %sign3A = arith.constant 0 : i32
      %sign3A_131 = arith.cmpi sgt, %sub3A_130, %sign3A : i32
      %sign3A_132 = arith.extui %sign3A_131 : i1 to i32
      %sign3A_133 = arith.constant 0 : i32
      %sign3A_134 = arith.cmpi slt, %sub3A_130, %sign3A_133 : i32
      %sign3A_135 = arith.extui %sign3A_134 : i1 to i32
      %sign3A_136 = arith.subi %sign3A_132, %sign3A_135 : i32
      %sign3A_137 = arith.constant 0 : i32
      %sign3A_138 = arith.cmpi sgt, %jit3A, %sign3A_137 : i32
      %sign3A_139 = arith.extui %sign3A_138 : i1 to i32
      %sign3A_140 = arith.constant 0 : i32
      %sign3A_141 = arith.cmpi slt, %jit3A, %sign3A_140 : i32
      %sign3A_142 = arith.extui %sign3A_141 : i1 to i32
      %sign3A_143 = arith.subi %sign3A_139, %sign3A_142 : i32
      %ne3A = arith.cmpi ne, %sign3A_136, %sign3A_143 : i32
      %rem3A = arith.remsi %sub3A_130, %jit3A : i32
      %ne3A_144 = arith.constant 0 : i32
      %ne3A_145 = arith.cmpi ne, %rem3A, %ne3A_144 : i32
      %and3A = arith.andi %ne3A, %ne3A_145 : i1
      %sub3A_146 = arith.constant 1 : i32
      %sub3A_147 = arith.subi %div3A, %sub3A_146 : i32
      %select_n3A = arith.select %and3A, %sub3A_147, %div3A : i32
      %shift_left3A_148 = arith.constant 17 : i32
      %shift_left3A_149 = vector.broadcast %shift_left3A_148 : i32 to vector<16xi32>
      %shift_left3A_150 = arith.shli %add3A_13, %shift_left3A_149 : vector<16xi32>
      %or3A_151 = arith.ori %add3A_10, %shift_left3A_150 : vector<16xi32>
      %add3A_152 = arith.constant 0 : i32
      %add3A_153 = arith.constant 0 : i32
      %add3A_154 = arith.addi %add3A_152, %add3A_153 : i32
      %swap3A_155 = arith.index_cast %add3A_154 : i32 to index
      %swap3A_156 = tpu.vector_load %arg12[%swap3A_155] {strides = array<i32>} : memref<13184xi32, #tpu.memory_space<vmem>>, vector<16xi32>,
      tpu.vector_store %arg12[%swap3A_155], %or3A_151 {strides = array<i32>} : memref<13184xi32, #tpu.memory_space<vmem>>, vector<16xi32>,
      %add3A_157 = arith.constant 0 : i32
      %add3A_158 = arith.constant 16 : i32
      %add3A_159 = arith.addi %add3A_157, %add3A_158 : i32
      %swap3A_160 = arith.index_cast %add3A_159 : i32 to index
      %swap3A_161 = tpu.vector_load %arg12[%swap3A_160] {strides = array<i32>} : memref<13184xi32, #tpu.memory_space<vmem>>, vector<16xi32>,
      tpu.vector_store %arg12[%swap3A_160], %or3A_151 {strides = array<i32>} : memref<13184xi32, #tpu.memory_space<vmem>>, vector<16xi32>,
      %add3A_162 = arith.constant 0 : i32
      %add3A_163 = arith.constant 32 : i32
      %add3A_164 = arith.addi %add3A_162, %add3A_163 : i32
      %swap3A_165 = arith.index_cast %add3A_164 : i32 to index
      %swap3A_166 = tpu.vector_load %arg12[%swap3A_165] {strides = array<i32>} : memref<13184xi32, #tpu.memory_space<vmem>>, vector<16xi32>,
      tpu.vector_store %arg12[%swap3A_165], %or3A_151 {strides = array<i32>} : memref<13184xi32, #tpu.memory_space<vmem>>, vector<16xi32>,
      %add3A_167 = arith.constant 0 : i32
      %add3A_168 = arith.constant 48 : i32
      %add3A_169 = arith.addi %add3A_167, %add3A_168 : i32
      %swap3A_170 = arith.index_cast %add3A_169 : i32 to index
      %swap3A_171 = tpu.vector_load %arg12[%swap3A_170] {strides = array<i32>} : memref<13184xi32, #tpu.memory_space<vmem>>, vector<16xi32>,
      tpu.vector_store %arg12[%swap3A_170], %or3A_151 {strides = array<i32>} : memref<13184xi32, #tpu.memory_space<vmem>>, vector<16xi32>,
      %add3A_172 = arith.constant 0 : i32
      %add3A_173 = arith.constant 64 : i32
      %add3A_174 = arith.addi %add3A_172, %add3A_173 : i32
      %swap3A_175 = arith.index_cast %add3A_174 : i32 to index
      %swap3A_176 = tpu.vector_load %arg12[%swap3A_175] {strides = array<i32>} : memref<13184xi32, #tpu.memory_space<vmem>>, vector<16xi32>,
      tpu.vector_store %arg12[%swap3A_175], %or3A_151 {strides = array<i32>} : memref<13184xi32, #tpu.memory_space<vmem>>, vector<16xi32>,
      %add3A_177 = arith.constant 0 : i32
      %add3A_178 = arith.constant 80 : i32
      %add3A_179 = arith.addi %add3A_177, %add3A_178 : i32
      %swap3A_180 = arith.index_cast %add3A_179 : i32 to index
      %swap3A_181 = tpu.vector_load %arg12[%swap3A_180] {strides = array<i32>} : memref<13184xi32, #tpu.memory_space<vmem>>, vector<16xi32>,
      tpu.vector_store %arg12[%swap3A_180], %or3A_151 {strides = array<i32>} : memref<13184xi32, #tpu.memory_space<vmem>>, vector<16xi32>,
      %add3A_182 = arith.constant 0 : i32
      %add3A_183 = arith.constant 96 : i32
      %add3A_184 = arith.addi %add3A_182, %add3A_183 : i32
      %swap3A_185 = arith.index_cast %add3A_184 : i32 to index
      %swap3A_186 = tpu.vector_load %arg12[%swap3A_185] {strides = array<i32>} : memref<13184xi32, #tpu.memory_space<vmem>>, vector<16xi32>,
      tpu.vector_store %arg12[%swap3A_185], %or3A_151 {strides = array<i32>} : memref<13184xi32, #tpu.memory_space<vmem>>, vector<16xi32>,
      %add3A_187 = arith.constant 0 : i32
      %add3A_188 = arith.constant 112 : i32
      %add3A_189 = arith.addi %add3A_187, %add3A_188 : i32
      %swap3A_190 = arith.index_cast %add3A_189 : i32 to index
      %swap3A_191 = tpu.vector_load %arg12[%swap3A_190] {strides = array<i32>} : memref<13184xi32, #tpu.memory_space<vmem>>, vector<16xi32>,
      tpu.vector_store %arg12[%swap3A_190], %or3A_151 {strides = array<i32>} : memref<13184xi32, #tpu.memory_space<vmem>>, vector<16xi32>,
      %add3A_192 = arith.constant 0 : i32
      %add3A_193 = arith.constant 128 : i32
      %add3A_194 = arith.addi %add3A_192, %add3A_193 : i32
      %swap3A_195 = arith.index_cast %add3A_194 : i32 to index
      %swap3A_196 = tpu.vector_load %arg12[%swap3A_195] {strides = array<i32>} : memref<13184xi32, #tpu.memory_space<vmem>>, vector<16xi32>,
      tpu.vector_store %arg12[%swap3A_195], %or3A_151 {strides = array<i32>} : memref<13184xi32, #tpu.memory_space<vmem>>, vector<16xi32>,
      %add3A_197 = arith.constant 0 : i32
      %add3A_198 = arith.constant 144 : i32
      %add3A_199 = arith.addi %add3A_197, %add3A_198 : i32
      %swap3A_200 = arith.index_cast %add3A_199 : i32 to index
      %swap3A_201 = tpu.vector_load %arg12[%swap3A_200] {strides = array<i32>} : memref<13184xi32, #tpu.memory_space<vmem>>, vector<16xi32>,
      tpu.vector_store %arg12[%swap3A_200], %or3A_151 {strides = array<i32>} : memref<13184xi32, #tpu.memory_space<vmem>>, vector<16xi32>,
      %add3A_202 = arith.constant 0 : i32
      %add3A_203 = arith.constant 160 : i32
      %add3A_204 = arith.addi %add3A_202, %add3A_203 : i32
      %swap3A_205 = arith.index_cast %add3A_204 : i32 to index
      %swap3A_206 = tpu.vector_load %arg12[%swap3A_205] {strides = array<i32>} : memref<13184xi32, #tpu.memory_space<vmem>>, vector<16xi32>,
      tpu.vector_store %arg12[%swap3A_205], %or3A_151 {strides = array<i32>} : memref<13184xi32, #tpu.memory_space<vmem>>, vector<16xi32>,
      %add3A_207 = arith.constant 0 : i32
      %add3A_208 = arith.constant 176 : i32
      %add3A_209 = arith.addi %add3A_207, %add3A_208 : i32
      %swap3A_210 = arith.index_cast %add3A_209 : i32 to index
      %swap3A_211 = tpu.vector_load %arg12[%swap3A_210] {strides = array<i32>} : memref<13184xi32, #tpu.memory_space<vmem>>, vector<16xi32>,
      tpu.vector_store %arg12[%swap3A_210], %or3A_151 {strides = array<i32>} : memref<13184xi32, #tpu.memory_space<vmem>>, vector<16xi32>,
      %add3A_212 = arith.constant 0 : i32
      %add3A_213 = arith.constant 192 : i32
      %add3A_214 = arith.addi %add3A_212, %add3A_213 : i32
      %swap3A_215 = arith.index_cast %add3A_214 : i32 to index
      %swap3A_216 = tpu.vector_load %arg12[%swap3A_215] {strides = array<i32>} : memref<13184xi32, #tpu.memory_space<vmem>>, vector<16xi32>,
      tpu.vector_store %arg12[%swap3A_215], %or3A_151 {strides = array<i32>} : memref<13184xi32, #tpu.memory_space<vmem>>, vector<16xi32>,
      %add3A_217 = arith.constant 0 : i32
      %add3A_218 = arith.constant 208 : i32
      %add3A_219 = arith.addi %add3A_217, %add3A_218 : i32
      %swap3A_220 = arith.index_cast %add3A_219 : i32 to index
      %swap3A_221 = tpu.vector_load %arg12[%swap3A_220] {strides = array<i32>} : memref<13184xi32, #tpu.memory_space<vmem>>, vector<16xi32>,
      tpu.vector_store %arg12[%swap3A_220], %or3A_151 {strides = array<i32>} : memref<13184xi32, #tpu.memory_space<vmem>>, vector<16xi32>,
      %add3A_222 = arith.constant 0 : i32
      %add3A_223 = arith.constant 224 : i32
      %add3A_224 = arith.addi %add3A_222, %add3A_223 : i32
      %swap3A_225 = arith.index_cast %add3A_224 : i32 to index
      %swap3A_226 = tpu.vector_load %arg12[%swap3A_225] {strides = array<i32>} : memref<13184xi32, #tpu.memory_space<vmem>>, vector<16xi32>,
      tpu.vector_store %arg12[%swap3A_225], %or3A_151 {strides = array<i32>} : memref<13184xi32, #tpu.memory_space<vmem>>, vector<16xi32>,
      %add3A_227 = arith.constant 0 : i32
      %add3A_228 = arith.constant 240 : i32
      %add3A_229 = arith.addi %add3A_227, %add3A_228 : i32
      %swap3A_230 = arith.index_cast %add3A_229 : i32 to index
      %swap3A_231 = tpu.vector_load %arg12[%swap3A_230] {strides = array<i32>} : memref<13184xi32, #tpu.memory_space<vmem>>, vector<16xi32>,
      tpu.vector_store %arg12[%swap3A_230], %or3A_151 {strides = array<i32>} : memref<13184xi32, #tpu.memory_space<vmem>>, vector<16xi32>,
      %add3A_232 = arith.constant 0 : i32
      %add3A_233 = arith.constant 128 : i32
      %add3A_234 = arith.addi %add3A_232, %add3A_233 : i32
      %sub3A_235 = arith.constant 1 : i32
      %sub3A_236 = arith.subi %add3A_234, %sub3A_235 : i32
      %jit3A_237 = arith.constant 128 : i32
      %div3A_238 = arith.divsi %sub3A_236, %jit3A_237 : i32
      %sign3A_239 = arith.constant 0 : i32
      %sign3A_240 = arith.cmpi sgt, %sub3A_236, %sign3A_239 : i32
      %sign3A_241 = arith.extui %sign3A_240 : i1 to i32
      %sign3A_242 = arith.constant 0 : i32
      %sign3A_243 = arith.cmpi slt, %sub3A_236, %sign3A_242 : i32
      %sign3A_244 = arith.extui %sign3A_243 : i1 to i32
      %sign3A_245 = arith.subi %sign3A_241, %sign3A_244 : i32
      %sign3A_246 = arith.constant 0 : i32
      %sign3A_247 = arith.cmpi sgt, %jit3A_237, %sign3A_246 : i32
      %sign3A_248 = arith.extui %sign3A_247 : i1 to i32
      %sign3A_249 = arith.constant 0 : i32
      %sign3A_250 = arith.cmpi slt, %jit3A_237, %sign3A_249 : i32
      %sign3A_251 = arith.extui %sign3A_250 : i1 to i32
      %sign3A_252 = arith.subi %sign3A_248, %sign3A_251 : i32
      %ne3A_253 = arith.cmpi ne, %sign3A_245, %sign3A_252 : i32
      %rem3A_254 = arith.remsi %sub3A_236, %jit3A_237 : i32
      %ne3A_255 = arith.constant 0 : i32
      %ne3A_256 = arith.cmpi ne, %rem3A_254, %ne3A_255 : i32
      %and3A_257 = arith.andi %ne3A_253, %ne3A_256 : i1
      %sub3A_258 = arith.constant 1 : i32
      %sub3A_259 = arith.subi %div3A_238, %sub3A_258 : i32
      %select_n3A_260 = arith.select %and3A_257, %sub3A_259, %div3A_238 : i32
      %barrier3A_261 = arith.constant 0 : index
      tpu.barrier barrier_id(%barrier3A_261)
      %mul3A_262 = arith.constant 512 : i32
      %mul3A_263 = arith.muli %arg1, %mul3A_262 : i32
      %add3A_264 = arith.constant 0 : i32
      %add3A_265 = arith.addi %mul3A_263, %add3A_264 : i32
      %dma_start3A = arith.constant 0 : i32
      %dma_start3A_266 = tpu.memref_slice %arg18[%add3A_265, %dma_start3A] : memref<8208x128xf32, #tpu.memory_space<vmem_shared>> -> memref<128x128xf32, #tpu.memory_space<vmem_shared>>
      %dma_start3A_267 = arith.constant 0 : i32
      %dma_start3A_268 = tpu.memref_slice %arg18[%add3A_265, %dma_start3A_267] : memref<8208x128xf32, #tpu.memory_space<vmem_shared>> -> memref<128x128xf32, #tpu.memory_space<vmem_shared>>
      tpu.enqueue_dma source(%dma_start3A_268 : memref<128x128xf32, #tpu.memory_space<vmem_shared>>) target(%arg15 : memref<128x128xf32, #tpu.memory_space<vmem>>) target_semaphore(%arg19 : memref<!tpu.dma_semaphore, #tpu.memory_space<semaphore_mem>>)
      %add3A_269 = arith.constant 128 : i32
      %add3A_270 = arith.addi %mul3A_263, %add3A_269 : i32
      %dma_start3A_271 = arith.constant 0 : i32
      %dma_start3A_272 = tpu.memref_slice %arg18[%add3A_270, %dma_start3A_271] : memref<8208x128xf32, #tpu.memory_space<vmem_shared>> -> memref<128x128xf32, #tpu.memory_space<vmem_shared>>
      %dma_start3A_273 = arith.constant 0 : i32
      %dma_start3A_274 = tpu.memref_slice %arg18[%add3A_270, %dma_start3A_273] : memref<8208x128xf32, #tpu.memory_space<vmem_shared>> -> memref<128x128xf32, #tpu.memory_space<vmem_shared>>
      tpu.enqueue_dma source(%dma_start3A_274 : memref<128x128xf32, #tpu.memory_space<vmem_shared>>) target(%arg16 : memref<128x128xf32, #tpu.memory_space<vmem>>) target_semaphore(%arg20 : memref<!tpu.dma_semaphore, #tpu.memory_space<semaphore_mem>>)
      %add3A_275 = arith.constant 0 : i32
      %add3A_276 = arith.addi %mul3A_263, %add3A_275 : i32
      %dma_wait3A = arith.constant 0 : i32
      %dma_wait3A_277 = tpu.memref_slice %arg18[%add3A_276, %dma_wait3A] : memref<8208x128xf32, #tpu.memory_space<vmem_shared>> -> memref<128x128xf32, #tpu.memory_space<vmem_shared>>
      %dma_wait3A_278 = arith.constant 0 : i32
      %dma_wait3A_279 = tpu.memref_slice %arg18[%add3A_276, %dma_wait3A_278] : memref<8208x128xf32, #tpu.memory_space<vmem_shared>> -> memref<128x128xf32, #tpu.memory_space<vmem_shared>>
      tpu.wait_dma2 semaphore(%arg19 : memref<!tpu.dma_semaphore, #tpu.memory_space<semaphore_mem>>) src(%dma_wait3A_279 : memref<128x128xf32, #tpu.memory_space<vmem_shared>>) dst(%arg15 : memref<128x128xf32, #tpu.memory_space<vmem>>)
      %scan3A_280 = arith.constant 0 : i32
      %scan3A_281 = arith.constant 0 : i32
      %scan3A_282 = arith.constant 128 : i32
      %scan3A_283 = arith.addi %scan3A_281, %scan3A_282 : i32
      %scan3A_284 = arith.constant 2 : i32
      scf.for %scan3A_390 = %scan3A_281 to %scan3A_283 step %scan3A_284  : i32 {
        %get3A = arith.index_cast %scan3A_390 : i32 to index
        %get3A_391 = arith.constant 0 : index
        %get3A_392 = tpu.vector_load %arg15[%get3A, %get3A_391] {strides = array<i32>} : memref<128x128xf32, #tpu.memory_space<vmem>>, vector<16xf32>,
        %max3A = arith.constant 0.000000e+00 : f32
        %max3A_393 = vector.broadcast %max3A : f32 to vector<16xf32>
        %max3A_394 = arith.maximumf %get3A_392, %max3A_393 : vector<16xf32>
        %swap3A_395 = arith.index_cast %scan3A_390 : i32 to index
        %swap3A_396 = arith.constant 0 : index
        %swap3A_397 = tpu.vector_load %arg15[%swap3A_395, %swap3A_396] {strides = array<i32>} : memref<128x128xf32, #tpu.memory_space<vmem>>, vector<16xf32>,
        tpu.vector_store %arg15[%swap3A_395, %swap3A_396], %max3A_394 {strides = array<i32>} : memref<128x128xf32, #tpu.memory_space<vmem>>, vector<16xf32>,
        %get3A_398 = arith.index_cast %scan3A_390 : i32 to index
        %get3A_399 = arith.constant 16 : index
        %get3A_400 = tpu.vector_load %arg15[%get3A_398, %get3A_399] {strides = array<i32>} : memref<128x128xf32, #tpu.memory_space<vmem>>, vector<16xf32>,
        %max3A_401 = arith.constant 0.000000e+00 : f32
        %max3A_402 = vector.broadcast %max3A_401 : f32 to vector<16xf32>
        %max3A_403 = arith.maximumf %get3A_400, %max3A_402 : vector<16xf32>
        %swap3A_404 = arith.index_cast %scan3A_390 : i32 to index
        %swap3A_405 = arith.constant 16 : index
        %swap3A_406 = tpu.vector_load %arg15[%swap3A_404, %swap3A_405] {strides = array<i32>} : memref<128x128xf32, #tpu.memory_space<vmem>>, vector<16xf32>,
        tpu.vector_store %arg15[%swap3A_404, %swap3A_405], %max3A_403 {strides = array<i32>} : memref<128x128xf32, #tpu.memory_space<vmem>>, vector<16xf32>,
        %get3A_407 = arith.index_cast %scan3A_390 : i32 to index
        %get3A_408 = arith.constant 32 : index
        %get3A_409 = tpu.vector_load %arg15[%get3A_407, %get3A_408] {strides = array<i32>} : memref<128x128xf32, #tpu.memory_space<vmem>>, vector<16xf32>,
        %max3A_410 = arith.constant 0.000000e+00 : f32
        %max3A_411 = vector.broadcast %max3A_410 : f32 to vector<16xf32>
        %max3A_412 = arith.maximumf %get3A_409, %max3A_411 : vector<16xf32>
        %swap3A_413 = arith.index_cast %scan3A_390 : i32 to index
        %swap3A_414 = arith.constant 32 : index
        %swap3A_415 = tpu.vector_load %arg15[%swap3A_413, %swap3A_414] {strides = array<i32>} : memref<128x128xf32, #tpu.memory_space<vmem>>, vector<16xf32>,
        tpu.vector_store %arg15[%swap3A_413, %swap3A_414], %max3A_412 {strides = array<i32>} : memref<128x128xf32, #tpu.memory_space<vmem>>, vector<16xf32>,
        %get3A_416 = arith.index_cast %scan3A_390 : i32 to index
        %get3A_417 = arith.constant 48 : index
        %get3A_418 = tpu.vector_load %arg15[%get3A_416, %get3A_417] {strides = array<i32>} : memref<128x128xf32, #tpu.memory_space<vmem>>, vector<16xf32>,
        %max3A_419 = arith.constant 0.000000e+00 : f32
        %max3A_420 = vector.broadcast %max3A_419 : f32 to vector<16xf32>
        %max3A_421 = arith.maximumf %get3A_418, %max3A_420 : vector<16xf32>
        %swap3A_422 = arith.index_cast %scan3A_390 : i32 to index
        %swap3A_423 = arith.constant 48 : index
        %swap3A_424 = tpu.vector_load %arg15[%swap3A_422, %swap3A_423] {strides = array<i32>} : memref<128x128xf32, #tpu.memory_space<vmem>>, vector<16xf32>,
        tpu.vector_store %arg15[%swap3A_422, %swap3A_423], %max3A_421 {strides = array<i32>} : memref<128x128xf32, #tpu.memory_space<vmem>>, vector<16xf32>,
        %get3A_425 = arith.index_cast %scan3A_390 : i32 to index
        %get3A_426 = arith.constant 64 : index
        %get3A_427 = tpu.vector_load %arg15[%get3A_425, %get3A_426] {strides = array<i32>} : memref<128x128xf32, #tpu.memory_space<vmem>>, vector<16xf32>,
        %max3A_428 = arith.constant 0.000000e+00 : f32
        %max3A_429 = vector.broadcast %max3A_428 : f32 to vector<16xf32>
        %max3A_430 = arith.maximumf %get3A_427, %max3A_429 : vector<16xf32>
        %swap3A_431 = arith.index_cast %scan3A_390 : i32 to index
        %swap3A_432 = arith.constant 64 : index
        %swap3A_433 = tpu.vector_load %arg15[%swap3A_431, %swap3A_432] {strides = array<i32>} : memref<128x128xf32, #tpu.memory_space<vmem>>, vector<16xf32>,
        tpu.vector_store %arg15[%swap3A_431, %swap3A_432], %max3A_430 {strides = array<i32>} : memref<128x128xf32, #tpu.memory_space<vmem>>, vector<16xf32>,
        %get3A_434 = arith.index_cast %scan3A_390 : i32 to index
        %get3A_435 = arith.constant 80 : index
        %get3A_436 = tpu.vector_load %arg15[%get3A_434, %get3A_435] {strides = array<i32>} : memref<128x128xf32, #tpu.memory_space<vmem>>, vector<16xf32>,
        %max3A_437 = arith.constant 0.000000e+00 : f32
        %max3A_438 = vector.broadcast %max3A_437 : f32 to vector<16xf32>
        %max3A_439 = arith.maximumf %get3A_436, %max3A_438 : vector<16xf32>
        %swap3A_440 = arith.index_cast %scan3A_390 : i32 to index
        %swap3A_441 = arith.constant 80 : index
        %swap3A_442 = tpu.vector_load %arg15[%swap3A_440, %swap3A_441] {strides = array<i32>} : memref<128x128xf32, #tpu.memory_space<vmem>>, vector<16xf32>,
        tpu.vector_store %arg15[%swap3A_440, %swap3A_441], %max3A_439 {strides = array<i32>} : memref<128x128xf32, #tpu.memory_space<vmem>>, vector<16xf32>,
        %get3A_443 = arith.index_cast %scan3A_390 : i32 to index
        %get3A_444 = arith.constant 96 : index
        %get3A_445 = tpu.vector_load %arg15[%get3A_443, %get3A_444] {strides = array<i32>} : memref<128x128xf32, #tpu.memory_space<vmem>>, vector<16xf32>,
        %max3A_446 = arith.constant 0.000000e+00 : f32
        %max3A_447 = vector.broadcast %max3A_446 : f32 to vector<16xf32>
        %max3A_448 = arith.maximumf %get3A_445, %max3A_447 : vector<16xf32>
        %swap3A_449 = arith.index_cast %scan3A_390 : i32 to index
        %swap3A_450 = arith.constant 96 : index
        %swap3A_451 = tpu.vector_load %arg15[%swap3A_449, %swap3A_450] {strides = array<i32>} : memref<128x128xf32, #tpu.memory_space<vmem>>, vector<16xf32>,
        tpu.vector_store %arg15[%swap3A_449, %swap3A_450], %max3A_448 {strides = array<i32>} : memref<128x128xf32, #tpu.memory_space<vmem>>, vector<16xf32>,
        %get3A_452 = arith.index_cast %scan3A_390 : i32 to index
        %get3A_453 = arith.constant 112 : index
        %get3A_454 = tpu.vector_load %arg15[%get3A_452, %get3A_453] {strides = array<i32>} : memref<128x128xf32, #tpu.memory_space<vmem>>, vector<16xf32>,
        %max3A_455 = arith.constant 0.000000e+00 : f32
        %max3A_456 = vector.broadcast %max3A_455 : f32 to vector<16xf32>
        %max3A_457 = arith.maximumf %get3A_454, %max3A_456 : vector<16xf32>
        %swap3A_458 = arith.index_cast %scan3A_390 : i32 to index
        %swap3A_459 = arith.constant 112 : index
        %swap3A_460 = tpu.vector_load %arg15[%swap3A_458, %swap3A_459] {strides = array<i32>} : memref<128x128xf32, #tpu.memory_space<vmem>>, vector<16xf32>,
        tpu.vector_store %arg15[%swap3A_458, %swap3A_459], %max3A_457 {strides = array<i32>} : memref<128x128xf32, #tpu.memory_space<vmem>>, vector<16xf32>,
        %scan3A_461 = arith.constant 1 : i32
        %scan3A_462 = arith.addi %scan3A_390, %scan3A_461 : i32
        %get3A_463 = arith.index_cast %scan3A_462 : i32 to index
        %get3A_464 = arith.constant 0 : index
        %get3A_465 = tpu.vector_load %arg15[%get3A_463, %get3A_464] {strides = array<i32>} : memref<128x128xf32, #tpu.memory_space<vmem>>, vector<16xf32>,
        %max3A_466 = arith.constant 0.000000e+00 : f32
        %max3A_467 = vector.broadcast %max3A_466 : f32 to vector<16xf32>
        %max3A_468 = arith.maximumf %get3A_465, %max3A_467 : vector<16xf32>
        %swap3A_469 = arith.index_cast %scan3A_462 : i32 to index
        %swap3A_470 = arith.constant 0 : index
        %swap3A_471 = tpu.vector_load %arg15[%swap3A_469, %swap3A_470] {strides = array<i32>} : memref<128x128xf32, #tpu.memory_space<vmem>>, vector<16xf32>,
        tpu.vector_store %arg15[%swap3A_469, %swap3A_470], %max3A_468 {strides = array<i32>} : memref<128x128xf32, #tpu.memory_space<vmem>>, vector<16xf32>,
        %get3A_472 = arith.index_cast %scan3A_462 : i32 to index
        %get3A_473 = arith.constant 16 : index
        %get3A_474 = tpu.vector_load %arg15[%get3A_472, %get3A_473] {strides = array<i32>} : memref<128x128xf32, #tpu.memory_space<vmem>>, vector<16xf32>,
        %max3A_475 = arith.constant 0.000000e+00 : f32
        %max3A_476 = vector.broadcast %max3A_475 : f32 to vector<16xf32>
        %max3A_477 = arith.maximumf %get3A_474, %max3A_476 : vector<16xf32>
        %swap3A_478 = arith.index_cast %scan3A_462 : i32 to index
        %swap3A_479 = arith.constant 16 : index
        %swap3A_480 = tpu.vector_load %arg15[%swap3A_478, %swap3A_479] {strides = array<i32>} : memref<128x128xf32, #tpu.memory_space<vmem>>, vector<16xf32>,
        tpu.vector_store %arg15[%swap3A_478, %swap3A_479], %max3A_477 {strides = array<i32>} : memref<128x128xf32, #tpu.memory_space<vmem>>, vector<16xf32>,
        %get3A_481 = arith.index_cast %scan3A_462 : i32 to index
        %get3A_482 = arith.constant 32 : index
        %get3A_483 = tpu.vector_load %arg15[%get3A_481, %get3A_482] {strides = array<i32>} : memref<128x128xf32, #tpu.memory_space<vmem>>, vector<16xf32>,
        %max3A_484 = arith.constant 0.000000e+00 : f32
        %max3A_485 = vector.broadcast %max3A_484 : f32 to vector<16xf32>
        %max3A_486 = arith.maximumf %get3A_483, %max3A_485 : vector<16xf32>
        %swap3A_487 = arith.index_cast %scan3A_462 : i32 to index
        %swap3A_488 = arith.constant 32 : index
        %swap3A_489 = tpu.vector_load %arg15[%swap3A_487, %swap3A_488] {strides = array<i32>} : memref<128x128xf32, #tpu.memory_space<vmem>>, vector<16xf32>,
        tpu.vector_store %arg15[%swap3A_487, %swap3A_488], %max3A_486 {strides = array<i32>} : memref<128x128xf32, #tpu.memory_space<vmem>>, vector<16xf32>,
        %get3A_490 = arith.index_cast %scan3A_462 : i32 to index
        %get3A_491 = arith.constant 48 : index
        %get3A_492 = tpu.vector_load %arg15[%get3A_490, %get3A_491] {strides = array<i32>} : memref<128x128xf32, #tpu.memory_space<vmem>>, vector<16xf32>,
        %max3A_493 = arith.constant 0.000000e+00 : f32
        %max3A_494 = vector.broadcast %max3A_493 : f32 to vector<16xf32>
        %max3A_495 = arith.maximumf %get3A_492, %max3A_494 : vector<16xf32>
        %swap3A_496 = arith.index_cast %scan3A_462 : i32 to index
        %swap3A_497 = arith.constant 48 : index
        %swap3A_498 = tpu.vector_load %arg15[%swap3A_496, %swap3A_497] {strides = array<i32>} : memref<128x128xf32, #tpu.memory_space<vmem>>, vector<16xf32>,
        tpu.vector_store %arg15[%swap3A_496, %swap3A_497], %max3A_495 {strides = array<i32>} : memref<128x128xf32, #tpu.memory_space<vmem>>, vector<16xf32>,
        %get3A_499 = arith.index_cast %scan3A_462 : i32 to index
        %get3A_500 = arith.constant 64 : index
        %get3A_501 = tpu.vector_load %arg15[%get3A_499, %get3A_500] {strides = array<i32>} : memref<128x128xf32, #tpu.memory_space<vmem>>, vector<16xf32>,
        %max3A_502 = arith.constant 0.000000e+00 : f32
        %max3A_503 = vector.broadcast %max3A_502 : f32 to vector<16xf32>
        %max3A_504 = arith.maximumf %get3A_501, %max3A_503 : vector<16xf32>
        %swap3A_505 = arith.index_cast %scan3A_462 : i32 to index
        %swap3A_506 = arith.constant 64 : index
        %swap3A_507 = tpu.vector_load %arg15[%swap3A_505, %swap3A_506] {strides = array<i32>} : memref<128x128xf32, #tpu.memory_space<vmem>>, vector<16xf32>,
        tpu.vector_store %arg15[%swap3A_505, %swap3A_506], %max3A_504 {strides = array<i32>} : memref<128x128xf32, #tpu.memory_space<vmem>>, vector<16xf32>,
        %get3A_508 = arith.index_cast %scan3A_462 : i32 to index
        %get3A_509 = arith.constant 80 : index
        %get3A_510 = tpu.vector_load %arg15[%get3A_508, %get3A_509] {strides = array<i32>} : memref<128x128xf32, #tpu.memory_space<vmem>>, vector<16xf32>,
        %max3A_511 = arith.constant 0.000000e+00 : f32
        %max3A_512 = vector.broadcast %max3A_511 : f32 to vector<16xf32>
        %max3A_513 = arith.maximumf %get3A_510, %max3A_512 : vector<16xf32>
        %swap3A_514 = arith.index_cast %scan3A_462 : i32 to index
        %swap3A_515 = arith.constant 80 : index
        %swap3A_516 = tpu.vector_load %arg15[%swap3A_514, %swap3A_515] {strides = array<i32>} : memref<128x128xf32, #tpu.memory_space<vmem>>, vector<16xf32>,
        tpu.vector_store %arg15[%swap3A_514, %swap3A_515], %max3A_513 {strides = array<i32>} : memref<128x128xf32, #tpu.memory_space<vmem>>, vector<16xf32>,
        %get3A_517 = arith.index_cast %scan3A_462 : i32 to index
        %get3A_518 = arith.constant 96 : index
        %get3A_519 = tpu.vector_load %arg15[%get3A_517, %get3A_518] {strides = array<i32>} : memref<128x128xf32, #tpu.memory_space<vmem>>, vector<16xf32>,
        %max3A_520 = arith.constant 0.000000e+00 : f32
        %max3A_521 = vector.broadcast %max3A_520 : f32 to vector<16xf32>
        %max3A_522 = arith.maximumf %get3A_519, %max3A_521 : vector<16xf32>
        %swap3A_523 = arith.index_cast %scan3A_462 : i32 to index
        %swap3A_524 = arith.constant 96 : index
        %swap3A_525 = tpu.vector_load %arg15[%swap3A_523, %swap3A_524] {strides = array<i32>} : memref<128x128xf32, #tpu.memory_space<vmem>>, vector<16xf32>,
        tpu.vector_store %arg15[%swap3A_523, %swap3A_524], %max3A_522 {strides = array<i32>} : memref<128x128xf32, #tpu.memory_space<vmem>>, vector<16xf32>,
        %get3A_526 = arith.index_cast %scan3A_462 : i32 to index
        %get3A_527 = arith.constant 112 : index
        %get3A_528 = tpu.vector_load %arg15[%get3A_526, %get3A_527] {strides = array<i32>} : memref<128x128xf32, #tpu.memory_space<vmem>>, vector<16xf32>,
        %max3A_529 = arith.constant 0.000000e+00 : f32
        %max3A_530 = vector.broadcast %max3A_529 : f32 to vector<16xf32>
        %max3A_531 = arith.maximumf %get3A_528, %max3A_530 : vector<16xf32>
        %swap3A_532 = arith.index_cast %scan3A_462 : i32 to index
        %swap3A_533 = arith.constant 112 : index
        %swap3A_534 = tpu.vector_load %arg15[%swap3A_532, %swap3A_533] {strides = array<i32>} : memref<128x128xf32, #tpu.memory_space<vmem>>, vector<16xf32>,
        tpu.vector_store %arg15[%swap3A_532, %swap3A_533], %max3A_531 {strides = array<i32>} : memref<128x128xf32, #tpu.memory_space<vmem>>, vector<16xf32>,
      }
      %scan3A_285 = arith.constant 128 : i32
      %add3A_286 = arith.addi %mul3A_31, %mul3A_263 : i32
      %add3A_287 = arith.constant 0 : i32
      %add3A_288 = arith.addi %add3A_286, %add3A_287 : i32
      %dma_start3A_289 = arith.constant 0 : i32
      %dma_start3A_290 = tpu.memref_slice %arg8[%add3A_288, %dma_start3A_289] : memref<114688x128xf32, #tpu.memory_space<hbm>> -> memref<128x128xf32, #tpu.memory_space<hbm>>
      %dma_start3A_291 = arith.constant 0 : i32
      %dma_start3A_292 = tpu.memref_slice %arg8[%add3A_288, %dma_start3A_291] : memref<114688x128xf32, #tpu.memory_space<hbm>> -> memref<128x128xf32, #tpu.memory_space<hbm>>
      tpu.enqueue_dma source(%arg15 : memref<128x128xf32, #tpu.memory_space<vmem>>) target(%dma_start3A_292 : memref<128x128xf32, #tpu.memory_space<hbm>>) target_semaphore(%arg24 : memref<!tpu.dma_semaphore, #tpu.memory_space<semaphore_mem>>)
      %add3A_293 = arith.addi %mul3A_31, %mul3A_263 : i32
      %add3A_294 = arith.constant 0 : i32
      %add3A_295 = arith.addi %add3A_293, %add3A_294 : i32
      %dma_wait3A_296 = arith.constant 0 : i32
      %dma_wait3A_297 = tpu.memref_slice %arg8[%add3A_295, %dma_wait3A_296] : memref<114688x128xf32, #tpu.memory_space<hbm>> -> memref<128x128xf32, #tpu.memory_space<hbm>>
      %dma_wait3A_298 = arith.constant 0 : i32
      %dma_wait3A_299 = tpu.memref_slice %arg8[%add3A_295, %dma_wait3A_298] : memref<114688x128xf32, #tpu.memory_space<hbm>> -> memref<128x128xf32, #tpu.memory_space<hbm>>
      tpu.wait_dma2 semaphore(%arg24 : memref<!tpu.dma_semaphore, #tpu.memory_space<semaphore_mem>>) src(%arg15 : memref<128x128xf32, #tpu.memory_space<vmem>>) dst(%dma_wait3A_299 : memref<128x128xf32, #tpu.memory_space<hbm>>)
      %add3A_300 = arith.constant 256 : i32
      %add3A_301 = arith.addi %mul3A_263, %add3A_300 : i32
      %dma_start3A_302 = arith.constant 0 : i32
      %dma_start3A_303 = tpu.memref_slice %arg18[%add3A_301, %dma_start3A_302] : memref<8208x128xf32, #tpu.memory_space<vmem_shared>> -> memref<128x128xf32, #tpu.memory_space<vmem_shared>>
      %dma_start3A_304 = arith.constant 0 : i32
      %dma_start3A_305 = tpu.memref_slice %arg18[%add3A_301, %dma_start3A_304] : memref<8208x128xf32, #tpu.memory_space<vmem_shared>> -> memref<128x128xf32, #tpu.memory_space<vmem_shared>>
      tpu.enqueue_dma source(%dma_start3A_305 : memref<128x128xf32, #tpu.memory_space<vmem_shared>>) target(%arg15 : memref<128x128xf32, #tpu.memory_space<vmem>>) target_semaphore(%arg19 : memref<!tpu.dma_semaphore, #tpu.memory_space<semaphore_mem>>)
      %add3A_306 = arith.constant 128 : i32
      %add3A_307 = arith.addi %mul3A_263, %add3A_306 : i32
      %dma_wait3A_308 = arith.constant 0 : i32
      %dma_wait3A_309 = tpu.memref_slice %arg18[%add3A_307, %dma_wait3A_308] : memref<8208x128xf32, #tpu.memory_space<vmem_shared>> -> memref<128x128xf32, #tpu.memory_space<vmem_shared>>
      %dma_wait3A_310 = arith.constant 0 : i32
      %dma_wait3A_311 = tpu.memref_slice %arg18[%add3A_307, %dma_wait3A_310] : memref<8208x128xf32, #tpu.memory_space<vmem_shared>> -> memref<128x128xf32, #tpu.memory_space<vmem_shared>>
      tpu.wait_dma2 semaphore(%arg20 : memref<!tpu.dma_semaphore, #tpu.memory_space<semaphore_mem>>) src(%dma_wait3A_311 : memref<128x128xf32, #tpu.memory_space<vmem_shared>>) dst(%arg16 : memref<128x128xf32, #tpu.memory_space<vmem>>)
      %scan3A_312 = arith.constant 0 : i32
      %scan3A_313 = arith.constant 0 : i32
      %scan3A_314 = arith.constant 128 : i32
      %scan3A_315 = arith.addi %scan3A_313, %scan3A_314 : i32
      %scan3A_316 = arith.constant 2 : i32
      scf.for %scan3A_390 = %scan3A_313 to %scan3A_315 step %scan3A_316  : i32 {
        %get3A = arith.index_cast %scan3A_390 : i32 to index
        %get3A_391 = arith.constant 0 : index
        %get3A_392 = tpu.vector_load %arg16[%get3A, %get3A_391] {strides = array<i32>} : memref<128x128xf32, #tpu.memory_space<vmem>>, vector<16xf32>,
        %max3A = arith.constant 0.000000e+00 : f32
        %max3A_393 = vector.broadcast %max3A : f32 to vector<16xf32>
        %max3A_394 = arith.maximumf %get3A_392, %max3A_393 : vector<16xf32>
        %swap3A_395 = arith.index_cast %scan3A_390 : i32 to index
        %swap3A_396 = arith.constant 0 : index
        %swap3A_397 = tpu.vector_load %arg16[%swap3A_395, %swap3A_396] {strides = array<i32>} : memref<128x128xf32, #tpu.memory_space<vmem>>, vector<16xf32>,
        tpu.vector_store %arg16[%swap3A_395, %swap3A_396], %max3A_394 {strides = array<i32>} : memref<128x128xf32, #tpu.memory_space<vmem>>, vector<16xf32>,
        %get3A_398 = arith.index_cast %scan3A_390 : i32 to index
        %get3A_399 = arith.constant 16 : index
        %get3A_400 = tpu.vector_load %arg16[%get3A_398, %get3A_399] {strides = array<i32>} : memref<128x128xf32, #tpu.memory_space<vmem>>, vector<16xf32>,
        %max3A_401 = arith.constant 0.000000e+00 : f32
        %max3A_402 = vector.broadcast %max3A_401 : f32 to vector<16xf32>
        %max3A_403 = arith.maximumf %get3A_400, %max3A_402 : vector<16xf32>
        %swap3A_404 = arith.index_cast %scan3A_390 : i32 to index
        %swap3A_405 = arith.constant 16 : index
        %swap3A_406 = tpu.vector_load %arg16[%swap3A_404, %swap3A_405] {strides = array<i32>} : memref<128x128xf32, #tpu.memory_space<vmem>>, vector<16xf32>,
        tpu.vector_store %arg16[%swap3A_404, %swap3A_405], %max3A_403 {strides = array<i32>} : memref<128x128xf32, #tpu.memory_space<vmem>>, vector<16xf32>,
        %get3A_407 = arith.index_cast %scan3A_390 : i32 to index
        %get3A_408 = arith.constant 32 : index
        %get3A_409 = tpu.vector_load %arg16[%get3A_407, %get3A_408] {strides = array<i32>} : memref<128x128xf32, #tpu.memory_space<vmem>>, vector<16xf32>,
        %max3A_410 = arith.constant 0.000000e+00 : f32
        %max3A_411 = vector.broadcast %max3A_410 : f32 to vector<16xf32>
        %max3A_412 = arith.maximumf %get3A_409, %max3A_411 : vector<16xf32>
        %swap3A_413 = arith.index_cast %scan3A_390 : i32 to index
        %swap3A_414 = arith.constant 32 : index
        %swap3A_415 = tpu.vector_load %arg16[%swap3A_413, %swap3A_414] {strides = array<i32>} : memref<128x128xf32, #tpu.memory_space<vmem>>, vector<16xf32>,
        tpu.vector_store %arg16[%swap3A_413, %swap3A_414], %max3A_412 {strides = array<i32>} : memref<128x128xf32, #tpu.memory_space<vmem>>, vector<16xf32>,
        %get3A_416 = arith.index_cast %scan3A_390 : i32 to index
        %get3A_417 = arith.constant 48 : index
        %get3A_418 = tpu.vector_load %arg16[%get3A_416, %get3A_417] {strides = array<i32>} : memref<128x128xf32, #tpu.memory_space<vmem>>, vector<16xf32>,
        %max3A_419 = arith.constant 0.000000e+00 : f32
        %max3A_420 = vector.broadcast %max3A_419 : f32 to vector<16xf32>
        %max3A_421 = arith.maximumf %get3A_418, %max3A_420 : vector<16xf32>
        %swap3A_422 = arith.index_cast %scan3A_390 : i32 to index
        %swap3A_423 = arith.constant 48 : index
        %swap3A_424 = tpu.vector_load %arg16[%swap3A_422, %swap3A_423] {strides = array<i32>} : memref<128x128xf32, #tpu.memory_space<vmem>>, vector<16xf32>,
        tpu.vector_store %arg16[%swap3A_422, %swap3A_423], %max3A_421 {strides = array<i32>} : memref<128x128xf32, #tpu.memory_space<vmem>>, vector<16xf32>,
        %get3A_425 = arith.index_cast %scan3A_390 : i32 to index
        %get3A_426 = arith.constant 64 : index
        %get3A_427 = tpu.vector_load %arg16[%get3A_425, %get3A_426] {strides = array<i32>} : memref<128x128xf32, #tpu.memory_space<vmem>>, vector<16xf32>,
        %max3A_428 = arith.constant 0.000000e+00 : f32
        %max3A_429 = vector.broadcast %max3A_428 : f32 to vector<16xf32>
        %max3A_430 = arith.maximumf %get3A_427, %max3A_429 : vector<16xf32>
        %swap3A_431 = arith.index_cast %scan3A_390 : i32 to index
        %swap3A_432 = arith.constant 64 : index
        %swap3A_433 = tpu.vector_load %arg16[%swap3A_431, %swap3A_432] {strides = array<i32>} : memref<128x128xf32, #tpu.memory_space<vmem>>, vector<16xf32>,
        tpu.vector_store %arg16[%swap3A_431, %swap3A_432], %max3A_430 {strides = array<i32>} : memref<128x128xf32, #tpu.memory_space<vmem>>, vector<16xf32>,
        %get3A_434 = arith.index_cast %scan3A_390 : i32 to index
        %get3A_435 = arith.constant 80 : index
        %get3A_436 = tpu.vector_load %arg16[%get3A_434, %get3A_435] {strides = array<i32>} : memref<128x128xf32, #tpu.memory_space<vmem>>, vector<16xf32>,
        %max3A_437 = arith.constant 0.000000e+00 : f32
        %max3A_438 = vector.broadcast %max3A_437 : f32 to vector<16xf32>
        %max3A_439 = arith.maximumf %get3A_436, %max3A_438 : vector<16xf32>
        %swap3A_440 = arith.index_cast %scan3A_390 : i32 to index
        %swap3A_441 = arith.constant 80 : index
        %swap3A_442 = tpu.vector_load %arg16[%swap3A_440, %swap3A_441] {strides = array<i32>} : memref<128x128xf32, #tpu.memory_space<vmem>>, vector<16xf32>,
        tpu.vector_store %arg16[%swap3A_440, %swap3A_441], %max3A_439 {strides = array<i32>} : memref<128x128xf32, #tpu.memory_space<vmem>>, vector<16xf32>,
        %get3A_443 = arith.index_cast %scan3A_390 : i32 to index
        %get3A_444 = arith.constant 96 : index
        %get3A_445 = tpu.vector_load %arg16[%get3A_443, %get3A_444] {strides = array<i32>} : memref<128x128xf32, #tpu.memory_space<vmem>>, vector<16xf32>,
        %max3A_446 = arith.constant 0.000000e+00 : f32
        %max3A_447 = vector.broadcast %max3A_446 : f32 to vector<16xf32>
        %max3A_448 = arith.maximumf %get3A_445, %max3A_447 : vector<16xf32>
        %swap3A_449 = arith.index_cast %scan3A_390 : i32 to index
        %swap3A_450 = arith.constant 96 : index
        %swap3A_451 = tpu.vector_load %arg16[%swap3A_449, %swap3A_450] {strides = array<i32>} : memref<128x128xf32, #tpu.memory_space<vmem>>, vector<16xf32>,
        tpu.vector_store %arg16[%swap3A_449, %swap3A_450], %max3A_448 {strides = array<i32>} : memref<128x128xf32, #tpu.memory_space<vmem>>, vector<16xf32>,
        %get3A_452 = arith.index_cast %scan3A_390 : i32 to index
        %get3A_453 = arith.constant 112 : index
        %get3A_454 = tpu.vector_load %arg16[%get3A_452, %get3A_453] {strides = array<i32>} : memref<128x128xf32, #tpu.memory_space<vmem>>, vector<16xf32>,
        %max3A_455 = arith.constant 0.000000e+00 : f32
        %max3A_456 = vector.broadcast %max3A_455 : f32 to vector<16xf32>
        %max3A_457 = arith.maximumf %get3A_454, %max3A_456 : vector<16xf32>
        %swap3A_458 = arith.index_cast %scan3A_390 : i32 to index
        %swap3A_459 = arith.constant 112 : index
        %swap3A_460 = tpu.vector_load %arg16[%swap3A_458, %swap3A_459] {strides = array<i32>} : memref<128x128xf32, #tpu.memory_space<vmem>>, vector<16xf32>,
        tpu.vector_store %arg16[%swap3A_458, %swap3A_459], %max3A_457 {strides = array<i32>} : memref<128x128xf32, #tpu.memory_space<vmem>>, vector<16xf32>,
        %scan3A_461 = arith.constant 1 : i32
        %scan3A_462 = arith.addi %scan3A_390, %scan3A_461 : i32
        %get3A_463 = arith.index_cast %scan3A_462 : i32 to index
        %get3A_464 = arith.constant 0 : index
        %get3A_465 = tpu.vector_load %arg16[%get3A_463, %get3A_464] {strides = array<i32>} : memref<128x128xf32, #tpu.memory_space<vmem>>, vector<16xf32>,
        %max3A_466 = arith.constant 0.000000e+00 : f32
        %max3A_467 = vector.broadcast %max3A_466 : f32 to vector<16xf32>
        %max3A_468 = arith.maximumf %get3A_465, %max3A_467 : vector<16xf32>
        %swap3A_469 = arith.index_cast %scan3A_462 : i32 to index
        %swap3A_470 = arith.constant 0 : index
        %swap3A_471 = tpu.vector_load %arg16[%swap3A_469, %swap3A_470] {strides = array<i32>} : memref<128x128xf32, #tpu.memory_space<vmem>>, vector<16xf32>,
        tpu.vector_store %arg16[%swap3A_469, %swap3A_470], %max3A_468 {strides = array<i32>} : memref<128x128xf32, #tpu.memory_space<vmem>>, vector<16xf32>,
        %get3A_472 = arith.index_cast %scan3A_462 : i32 to index
        %get3A_473 = arith.constant 16 : index
        %get3A_474 = tpu.vector_load %arg16[%get3A_472, %get3A_473] {strides = array<i32>} : memref<128x128xf32, #tpu.memory_space<vmem>>, vector<16xf32>,
        %max3A_475 = arith.constant 0.000000e+00 : f32
        %max3A_476 = vector.broadcast %max3A_475 : f32 to vector<16xf32>
        %max3A_477 = arith.maximumf %get3A_474, %max3A_476 : vector<16xf32>
        %swap3A_478 = arith.index_cast %scan3A_462 : i32 to index
        %swap3A_479 = arith.constant 16 : index
        %swap3A_480 = tpu.vector_load %arg16[%swap3A_478, %swap3A_479] {strides = array<i32>} : memref<128x128xf32, #tpu.memory_space<vmem>>, vector<16xf32>,
        tpu.vector_store %arg16[%swap3A_478, %swap3A_479], %max3A_477 {strides = array<i32>} : memref<128x128xf32, #tpu.memory_space<vmem>>, vector<16xf32>,
        %get3A_481 = arith.index_cast %scan3A_462 : i32 to index
        %get3A_482 = arith.constant 32 : index
        %get3A_483 = tpu.vector_load %arg16[%get3A_481, %get3A_482] {strides = array<i32>} : memref<128x128xf32, #tpu.memory_space<vmem>>, vector<16xf32>,
        %max3A_484 = arith.constant 0.000000e+00 : f32
        %max3A_485 = vector.broadcast %max3A_484 : f32 to vector<16xf32>
        %max3A_486 = arith.maximumf %get3A_483, %max3A_485 : vector<16xf32>
        %swap3A_487 = arith.index_cast %scan3A_462 : i32 to index
        %swap3A_488 = arith.constant 32 : index
        %swap3A_489 = tpu.vector_load %arg16[%swap3A_487, %swap3A_488] {strides = array<i32>} : memref<128x128xf32, #tpu.memory_space<vmem>>, vector<16xf32>,
        tpu.vector_store %arg16[%swap3A_487, %swap3A_488], %max3A_486 {strides = array<i32>} : memref<128x128xf32, #tpu.memory_space<vmem>>, vector<16xf32>,
        %get3A_490 = arith.index_cast %scan3A_462 : i32 to index
        %get3A_491 = arith.constant 48 : index
        %get3A_492 = tpu.vector_load %arg16[%get3A_490, %get3A_491] {strides = array<i32>} : memref<128x128xf32, #tpu.memory_space<vmem>>, vector<16xf32>,
        %max3A_493 = arith.constant 0.000000e+00 : f32
        %max3A_494 = vector.broadcast %max3A_493 : f32 to vector<16xf32>
        %max3A_495 = arith.maximumf %get3A_492, %max3A_494 : vector<16xf32>
        %swap3A_496 = arith.index_cast %scan3A_462 : i32 to index
        %swap3A_497 = arith.constant 48 : index
        %swap3A_498 = tpu.vector_load %arg16[%swap3A_496, %swap3A_497] {strides = array<i32>} : memref<128x128xf32, #tpu.memory_space<vmem>>, vector<16xf32>,
        tpu.vector_store %arg16[%swap3A_496, %swap3A_497], %max3A_495 {strides = array<i32>} : memref<128x128xf32, #tpu.memory_space<vmem>>, vector<16xf32>,
        %get3A_499 = arith.index_cast %scan3A_462 : i32 to index
        %get3A_500 = arith.constant 64 : index
        %get3A_501 = tpu.vector_load %arg16[%get3A_499, %get3A_500] {strides = array<i32>} : memref<128x128xf32, #tpu.memory_space<vmem>>, vector<16xf32>,
        %max3A_502 = arith.constant 0.000000e+00 : f32
        %max3A_503 = vector.broadcast %max3A_502 : f32 to vector<16xf32>
        %max3A_504 = arith.maximumf %get3A_501, %max3A_503 : vector<16xf32>
        %swap3A_505 = arith.index_cast %scan3A_462 : i32 to index
        %swap3A_506 = arith.constant 64 : index
        %swap3A_507 = tpu.vector_load %arg16[%swap3A_505, %swap3A_506] {strides = array<i32>} : memref<128x128xf32, #tpu.memory_space<vmem>>, vector<16xf32>,
        tpu.vector_store %arg16[%swap3A_505, %swap3A_506], %max3A_504 {strides = array<i32>} : memref<128x128xf32, #tpu.memory_space<vmem>>, vector<16xf32>,
        %get3A_508 = arith.index_cast %scan3A_462 : i32 to index
        %get3A_509 = arith.constant 80 : index
        %get3A_510 = tpu.vector_load %arg16[%get3A_508, %get3A_509] {strides = array<i32>} : memref<128x128xf32, #tpu.memory_space<vmem>>, vector<16xf32>,
        %max3A_511 = arith.constant 0.000000e+00 : f32
        %max3A_512 = vector.broadcast %max3A_511 : f32 to vector<16xf32>
        %max3A_513 = arith.maximumf %get3A_510, %max3A_512 : vector<16xf32>
        %swap3A_514 = arith.index_cast %scan3A_462 : i32 to index
        %swap3A_515 = arith.constant 80 : index
        %swap3A_516 = tpu.vector_load %arg16[%swap3A_514, %swap3A_515] {strides = array<i32>} : memref<128x128xf32, #tpu.memory_space<vmem>>, vector<16xf32>,
        tpu.vector_store %arg16[%swap3A_514, %swap3A_515], %max3A_513 {strides = array<i32>} : memref<128x128xf32, #tpu.memory_space<vmem>>, vector<16xf32>,
        %get3A_517 = arith.index_cast %scan3A_462 : i32 to index
        %get3A_518 = arith.constant 96 : index
        %get3A_519 = tpu.vector_load %arg16[%get3A_517, %get3A_518] {strides = array<i32>} : memref<128x128xf32, #tpu.memory_space<vmem>>, vector<16xf32>,
        %max3A_520 = arith.constant 0.000000e+00 : f32
        %max3A_521 = vector.broadcast %max3A_520 : f32 to vector<16xf32>
        %max3A_522 = arith.maximumf %get3A_519, %max3A_521 : vector<16xf32>
        %swap3A_523 = arith.index_cast %scan3A_462 : i32 to index
        %swap3A_524 = arith.constant 96 : index
        %swap3A_525 = tpu.vector_load %arg16[%swap3A_523, %swap3A_524] {strides = array<i32>} : memref<128x128xf32, #tpu.memory_space<vmem>>, vector<16xf32>,
        tpu.vector_store %arg16[%swap3A_523, %swap3A_524], %max3A_522 {strides = array<i32>} : memref<128x128xf32, #tpu.memory_space<vmem>>, vector<16xf32>,
        %get3A_526 = arith.index_cast %scan3A_462 : i32 to index
        %get3A_527 = arith.constant 112 : index
        %get3A_528 = tpu.vector_load %arg16[%get3A_526, %get3A_527] {strides = array<i32>} : memref<128x128xf32, #tpu.memory_space<vmem>>, vector<16xf32>,
        %max3A_529 = arith.constant 0.000000e+00 : f32
        %max3A_530 = vector.broadcast %max3A_529 : f32 to vector<16xf32>
        %max3A_531 = arith.maximumf %get3A_528, %max3A_530 : vector<16xf32>
        %swap3A_532 = arith.index_cast %scan3A_462 : i32 to index
        %swap3A_533 = arith.constant 112 : index
        %swap3A_534 = tpu.vector_load %arg16[%swap3A_532, %swap3A_533] {strides = array<i32>} : memref<128x128xf32, #tpu.memory_space<vmem>>, vector<16xf32>,
        tpu.vector_store %arg16[%swap3A_532, %swap3A_533], %max3A_531 {strides = array<i32>} : memref<128x128xf32, #tpu.memory_space<vmem>>, vector<16xf32>,
      }
      %scan3A_317 = arith.constant 128 : i32
      %add3A_318 = arith.addi %mul3A_31, %mul3A_263 : i32
      %add3A_319 = arith.constant 128 : i32
      %add3A_320 = arith.addi %add3A_318, %add3A_319 : i32
      %dma_start3A_321 = arith.constant 0 : i32
      %dma_start3A_322 = tpu.memref_slice %arg8[%add3A_320, %dma_start3A_321] : memref<114688x128xf32, #tpu.memory_space<hbm>> -> memref<128x128xf32, #tpu.memory_space<hbm>>
      %dma_start3A_323 = arith.constant 0 : i32
      %dma_start3A_324 = tpu.memref_slice %arg8[%add3A_320, %dma_start3A_323] : memref<114688x128xf32, #tpu.memory_space<hbm>> -> memref<128x128xf32, #tpu.memory_space<hbm>>
      tpu.enqueue_dma source(%arg16 : memref<128x128xf32, #tpu.memory_space<vmem>>) target(%dma_start3A_324 : memref<128x128xf32, #tpu.memory_space<hbm>>) target_semaphore(%arg25 : memref<!tpu.dma_semaphore, #tpu.memory_space<semaphore_mem>>)
      %add3A_325 = arith.addi %mul3A_31, %mul3A_263 : i32
      %add3A_326 = arith.constant 128 : i32
      %add3A_327 = arith.addi %add3A_325, %add3A_326 : i32
      %dma_wait3A_328 = arith.constant 0 : i32
      %dma_wait3A_329 = tpu.memref_slice %arg8[%add3A_327, %dma_wait3A_328] : memref<114688x128xf32, #tpu.memory_space<hbm>> -> memref<128x128xf32, #tpu.memory_space<hbm>>
      %dma_wait3A_330 = arith.constant 0 : i32
      %dma_wait3A_331 = tpu.memref_slice %arg8[%add3A_327, %dma_wait3A_330] : memref<114688x128xf32, #tpu.memory_space<hbm>> -> memref<128x128xf32, #tpu.memory_space<hbm>>
      tpu.wait_dma2 semaphore(%arg25 : memref<!tpu.dma_semaphore, #tpu.memory_space<semaphore_mem>>) src(%arg16 : memref<128x128xf32, #tpu.memory_space<vmem>>) dst(%dma_wait3A_331 : memref<128x128xf32, #tpu.memory_space<hbm>>)
      %add3A_332 = arith.constant 384 : i32
      %add3A_333 = arith.addi %mul3A_263, %add3A_332 : i32
      %dma_start3A_334 = arith.constant 0 : i32
      %dma_start3A_335 = tpu.memref_slice %arg18[%add3A_333, %dma_start3A_334] : memref<8208x128xf32, #tpu.memory_space<vmem_shared>> -> memref<128x128xf32, #tpu.memory_space<vmem_shared>>
      %dma_start3A_336 = arith.constant 0 : i32
      %dma_start3A_337 = tpu.memref_slice %arg18[%add3A_333, %dma_start3A_336] : memref<8208x128xf32, #tpu.memory_space<vmem_shared>> -> memref<128x128xf32, #tpu.memory_space<vmem_shared>>
      tpu.enqueue_dma source(%dma_start3A_337 : memref<128x128xf32, #tpu.memory_space<vmem_shared>>) target(%arg16 : memref<128x128xf32, #tpu.memory_space<vmem>>) target_semaphore(%arg20 : memref<!tpu.dma_semaphore, #tpu.memory_space<semaphore_mem>>)
      %add3A_338 = arith.constant 256 : i32
      %add3A_339 = arith.addi %mul3A_263, %add3A_338 : i32
      %dma_wait3A_340 = arith.constant 0 : i32
      %dma_wait3A_341 = tpu.memref_slice %arg18[%add3A_339, %dma_wait3A_340] : memref<8208x128xf32, #tpu.memory_space<vmem_shared>> -> memref<128x128xf32, #tpu.memory_space<vmem_shared>>
      %dma_wait3A_342 = arith.constant 0 : i32
      %dma_wait3A_343 = tpu.memref_slice %arg18[%add3A_339, %dma_wait3A_342] : memref<8208x128xf32, #tpu.memory_space<vmem_shared>> -> memref<128x128xf32, #tpu.memory_space<vmem_shared>>
      tpu.wait_dma2 semaphore(%arg19 : memref<!tpu.dma_semaphore, #tpu.memory_space<semaphore_mem>>) src(%dma_wait3A_343 : memref<128x128xf32, #tpu.memory_space<vmem_shared>>) dst(%arg15 : memref<128x128xf32, #tpu.memory_space<vmem>>)
      %scan3A_344 = arith.constant 0 : i32
      %scan3A_345 = arith.constant 0 : i32
      %scan3A_346 = arith.constant 128 : i32
      %scan3A_347 = arith.addi %scan3A_345, %scan3A_346 : i32
      %scan3A_348 = arith.constant 2 : i32
      scf.for %scan3A_390 = %scan3A_345 to %scan3A_347 step %scan3A_348  : i32 {
        %get3A = arith.index_cast %scan3A_390 : i32 to index
        %get3A_391 = arith.constant 0 : index
        %get3A_392 = tpu.vector_load %arg15[%get3A, %get3A_391] {strides = array<i32>} : memref<128x128xf32, #tpu.memory_space<vmem>>, vector<16xf32>,
        %max3A = arith.constant 0.000000e+00 : f32
        %max3A_393 = vector.broadcast %max3A : f32 to vector<16xf32>
        %max3A_394 = arith.maximumf %get3A_392, %max3A_393 : vector<16xf32>
        %swap3A_395 = arith.index_cast %scan3A_390 : i32 to index
        %swap3A_396 = arith.constant 0 : index
        %swap3A_397 = tpu.vector_load %arg15[%swap3A_395, %swap3A_396] {strides = array<i32>} : memref<128x128xf32, #tpu.memory_space<vmem>>, vector<16xf32>,
        tpu.vector_store %arg15[%swap3A_395, %swap3A_396], %max3A_394 {strides = array<i32>} : memref<128x128xf32, #tpu.memory_space<vmem>>, vector<16xf32>,
        %get3A_398 = arith.index_cast %scan3A_390 : i32 to index
        %get3A_399 = arith.constant 16 : index
        %get3A_400 = tpu.vector_load %arg15[%get3A_398, %get3A_399] {strides = array<i32>} : memref<128x128xf32, #tpu.memory_space<vmem>>, vector<16xf32>,
        %max3A_401 = arith.constant 0.000000e+00 : f32
        %max3A_402 = vector.broadcast %max3A_401 : f32 to vector<16xf32>
        %max3A_403 = arith.maximumf %get3A_400, %max3A_402 : vector<16xf32>
        %swap3A_404 = arith.index_cast %scan3A_390 : i32 to index
        %swap3A_405 = arith.constant 16 : index
        %swap3A_406 = tpu.vector_load %arg15[%swap3A_404, %swap3A_405] {strides = array<i32>} : memref<128x128xf32, #tpu.memory_space<vmem>>, vector<16xf32>,
        tpu.vector_store %arg15[%swap3A_404, %swap3A_405], %max3A_403 {strides = array<i32>} : memref<128x128xf32, #tpu.memory_space<vmem>>, vector<16xf32>,
        %get3A_407 = arith.index_cast %scan3A_390 : i32 to index
        %get3A_408 = arith.constant 32 : index
        %get3A_409 = tpu.vector_load %arg15[%get3A_407, %get3A_408] {strides = array<i32>} : memref<128x128xf32, #tpu.memory_space<vmem>>, vector<16xf32>,
        %max3A_410 = arith.constant 0.000000e+00 : f32
        %max3A_411 = vector.broadcast %max3A_410 : f32 to vector<16xf32>
        %max3A_412 = arith.maximumf %get3A_409, %max3A_411 : vector<16xf32>
        %swap3A_413 = arith.index_cast %scan3A_390 : i32 to index
        %swap3A_414 = arith.constant 32 : index
        %swap3A_415 = tpu.vector_load %arg15[%swap3A_413, %swap3A_414] {strides = array<i32>} : memref<128x128xf32, #tpu.memory_space<vmem>>, vector<16xf32>,
        tpu.vector_store %arg15[%swap3A_413, %swap3A_414], %max3A_412 {strides = array<i32>} : memref<128x128xf32, #tpu.memory_space<vmem>>, vector<16xf32>,
        %get3A_416 = arith.index_cast %scan3A_390 : i32 to index
        %get3A_417 = arith.constant 48 : index
        %get3A_418 = tpu.vector_load %arg15[%get3A_416, %get3A_417] {strides = array<i32>} : memref<128x128xf32, #tpu.memory_space<vmem>>, vector<16xf32>,
        %max3A_419 = arith.constant 0.000000e+00 : f32
        %max3A_420 = vector.broadcast %max3A_419 : f32 to vector<16xf32>
        %max3A_421 = arith.maximumf %get3A_418, %max3A_420 : vector<16xf32>
        %swap3A_422 = arith.index_cast %scan3A_390 : i32 to index
        %swap3A_423 = arith.constant 48 : index
        %swap3A_424 = tpu.vector_load %arg15[%swap3A_422, %swap3A_423] {strides = array<i32>} : memref<128x128xf32, #tpu.memory_space<vmem>>, vector<16xf32>,
        tpu.vector_store %arg15[%swap3A_422, %swap3A_423], %max3A_421 {strides = array<i32>} : memref<128x128xf32, #tpu.memory_space<vmem>>, vector<16xf32>,
        %get3A_425 = arith.index_cast %scan3A_390 : i32 to index
        %get3A_426 = arith.constant 64 : index
        %get3A_427 = tpu.vector_load %arg15[%get3A_425, %get3A_426] {strides = array<i32>} : memref<128x128xf32, #tpu.memory_space<vmem>>, vector<16xf32>,
        %max3A_428 = arith.constant 0.000000e+00 : f32
        %max3A_429 = vector.broadcast %max3A_428 : f32 to vector<16xf32>
        %max3A_430 = arith.maximumf %get3A_427, %max3A_429 : vector<16xf32>
        %swap3A_431 = arith.index_cast %scan3A_390 : i32 to index
        %swap3A_432 = arith.constant 64 : index
        %swap3A_433 = tpu.vector_load %arg15[%swap3A_431, %swap3A_432] {strides = array<i32>} : memref<128x128xf32, #tpu.memory_space<vmem>>, vector<16xf32>,
        tpu.vector_store %arg15[%swap3A_431, %swap3A_432], %max3A_430 {strides = array<i32>} : memref<128x128xf32, #tpu.memory_space<vmem>>, vector<16xf32>,
        %get3A_434 = arith.index_cast %scan3A_390 : i32 to index
        %get3A_435 = arith.constant 80 : index
        %get3A_436 = tpu.vector_load %arg15[%get3A_434, %get3A_435] {strides = array<i32>} : memref<128x128xf32, #tpu.memory_space<vmem>>, vector<16xf32>,
        %max3A_437 = arith.constant 0.000000e+00 : f32
        %max3A_438 = vector.broadcast %max3A_437 : f32 to vector<16xf32>
        %max3A_439 = arith.maximumf %get3A_436, %max3A_438 : vector<16xf32>
        %swap3A_440 = arith.index_cast %scan3A_390 : i32 to index
        %swap3A_441 = arith.constant 80 : index
        %swap3A_442 = tpu.vector_load %arg15[%swap3A_440, %swap3A_441] {strides = array<i32>} : memref<128x128xf32, #tpu.memory_space<vmem>>, vector<16xf32>,
        tpu.vector_store %arg15[%swap3A_440, %swap3A_441], %max3A_439 {strides = array<i32>} : memref<128x128xf32, #tpu.memory_space<vmem>>, vector<16xf32>,
        %get3A_443 = arith.index_cast %scan3A_390 : i32 to index
        %get3A_444 = arith.constant 96 : index
        %get3A_445 = tpu.vector_load %arg15[%get3A_443, %get3A_444] {strides = array<i32>} : memref<128x128xf32, #tpu.memory_space<vmem>>, vector<16xf32>,
        %max3A_446 = arith.constant 0.000000e+00 : f32
        %max3A_447 = vector.broadcast %max3A_446 : f32 to vector<16xf32>
        %max3A_448 = arith.maximumf %get3A_445, %max3A_447 : vector<16xf32>
        %swap3A_449 = arith.index_cast %scan3A_390 : i32 to index
        %swap3A_450 = arith.constant 96 : index
        %swap3A_451 = tpu.vector_load %arg15[%swap3A_449, %swap3A_450] {strides = array<i32>} : memref<128x128xf32, #tpu.memory_space<vmem>>, vector<16xf32>,
        tpu.vector_store %arg15[%swap3A_449, %swap3A_450], %max3A_448 {strides = array<i32>} : memref<128x128xf32, #tpu.memory_space<vmem>>, vector<16xf32>,
        %get3A_452 = arith.index_cast %scan3A_390 : i32 to index
        %get3A_453 = arith.constant 112 : index
        %get3A_454 = tpu.vector_load %arg15[%get3A_452, %get3A_453] {strides = array<i32>} : memref<128x128xf32, #tpu.memory_space<vmem>>, vector<16xf32>,
        %max3A_455 = arith.constant 0.000000e+00 : f32
        %max3A_456 = vector.broadcast %max3A_455 : f32 to vector<16xf32>
        %max3A_457 = arith.maximumf %get3A_454, %max3A_456 : vector<16xf32>
        %swap3A_458 = arith.index_cast %scan3A_390 : i32 to index
        %swap3A_459 = arith.constant 112 : index
        %swap3A_460 = tpu.vector_load %arg15[%swap3A_458, %swap3A_459] {strides = array<i32>} : memref<128x128xf32, #tpu.memory_space<vmem>>, vector<16xf32>,
        tpu.vector_store %arg15[%swap3A_458, %swap3A_459], %max3A_457 {strides = array<i32>} : memref<128x128xf32, #tpu.memory_space<vmem>>, vector<16xf32>,
        %scan3A_461 = arith.constant 1 : i32
        %scan3A_462 = arith.addi %scan3A_390, %scan3A_461 : i32
        %get3A_463 = arith.index_cast %scan3A_462 : i32 to index
        %get3A_464 = arith.constant 0 : index
        %get3A_465 = tpu.vector_load %arg15[%get3A_463, %get3A_464] {strides = array<i32>} : memref<128x128xf32, #tpu.memory_space<vmem>>, vector<16xf32>,
        %max3A_466 = arith.constant 0.000000e+00 : f32
        %max3A_467 = vector.broadcast %max3A_466 : f32 to vector<16xf32>
        %max3A_468 = arith.maximumf %get3A_465, %max3A_467 : vector<16xf32>
        %swap3A_469 = arith.index_cast %scan3A_462 : i32 to index
        %swap3A_470 = arith.constant 0 : index
        %swap3A_471 = tpu.vector_load %arg15[%swap3A_469, %swap3A_470] {strides = array<i32>} : memref<128x128xf32, #tpu.memory_space<vmem>>, vector<16xf32>,
        tpu.vector_store %arg15[%swap3A_469, %swap3A_470], %max3A_468 {strides = array<i32>} : memref<128x128xf32, #tpu.memory_space<vmem>>, vector<16xf32>,
        %get3A_472 = arith.index_cast %scan3A_462 : i32 to index
        %get3A_473 = arith.constant 16 : index
        %get3A_474 = tpu.vector_load %arg15[%get3A_472, %get3A_473] {strides = array<i32>} : memref<128x128xf32, #tpu.memory_space<vmem>>, vector<16xf32>,
        %max3A_475 = arith.constant 0.000000e+00 : f32
        %max3A_476 = vector.broadcast %max3A_475 : f32 to vector<16xf32>
        %max3A_477 = arith.maximumf %get3A_474, %max3A_476 : vector<16xf32>
        %swap3A_478 = arith.index_cast %scan3A_462 : i32 to index
        %swap3A_479 = arith.constant 16 : index
        %swap3A_480 = tpu.vector_load %arg15[%swap3A_478, %swap3A_479] {strides = array<i32>} : memref<128x128xf32, #tpu.memory_space<vmem>>, vector<16xf32>,
        tpu.vector_store %arg15[%swap3A_478, %swap3A_479], %max3A_477 {strides = array<i32>} : memref<128x128xf32, #tpu.memory_space<vmem>>, vector<16xf32>,
        %get3A_481 = arith.index_cast %scan3A_462 : i32 to index
        %get3A_482 = arith.constant 32 : index
        %get3A_483 = tpu.vector_load %arg15[%get3A_481, %get3A_482] {strides = array<i32>} : memref<128x128xf32, #tpu.memory_space<vmem>>, vector<16xf32>,
        %max3A_484 = arith.constant 0.000000e+00 : f32
        %max3A_485 = vector.broadcast %max3A_484 : f32 to vector<16xf32>
        %max3A_486 = arith.maximumf %get3A_483, %max3A_485 : vector<16xf32>
        %swap3A_487 = arith.index_cast %scan3A_462 : i32 to index
        %swap3A_488 = arith.constant 32 : index
        %swap3A_489 = tpu.vector_load %arg15[%swap3A_487, %swap3A_488] {strides = array<i32>} : memref<128x128xf32, #tpu.memory_space<vmem>>, vector<16xf32>,
        tpu.vector_store %arg15[%swap3A_487, %swap3A_488], %max3A_486 {strides = array<i32>} : memref<128x128xf32, #tpu.memory_space<vmem>>, vector<16xf32>,
        %get3A_490 = arith.index_cast %scan3A_462 : i32 to index
        %get3A_491 = arith.constant 48 : index
        %get3A_492 = tpu.vector_load %arg15[%get3A_490, %get3A_491] {strides = array<i32>} : memref<128x128xf32, #tpu.memory_space<vmem>>, vector<16xf32>,
        %max3A_493 = arith.constant 0.000000e+00 : f32
        %max3A_494 = vector.broadcast %max3A_493 : f32 to vector<16xf32>
        %max3A_495 = arith.maximumf %get3A_492, %max3A_494 : vector<16xf32>
        %swap3A_496 = arith.index_cast %scan3A_462 : i32 to index
        %swap3A_497 = arith.constant 48 : index
        %swap3A_498 = tpu.vector_load %arg15[%swap3A_496, %swap3A_497] {strides = array<i32>} : memref<128x128xf32, #tpu.memory_space<vmem>>, vector<16xf32>,
        tpu.vector_store %arg15[%swap3A_496, %swap3A_497], %max3A_495 {strides = array<i32>} : memref<128x128xf32, #tpu.memory_space<vmem>>, vector<16xf32>,
        %get3A_499 = arith.index_cast %scan3A_462 : i32 to index
        %get3A_500 = arith.constant 64 : index
        %get3A_501 = tpu.vector_load %arg15[%get3A_499, %get3A_500] {strides = array<i32>} : memref<128x128xf32, #tpu.memory_space<vmem>>, vector<16xf32>,
        %max3A_502 = arith.constant 0.000000e+00 : f32
        %max3A_503 = vector.broadcast %max3A_502 : f32 to vector<16xf32>
        %max3A_504 = arith.maximumf %get3A_501, %max3A_503 : vector<16xf32>
        %swap3A_505 = arith.index_cast %scan3A_462 : i32 to index
        %swap3A_506 = arith.constant 64 : index
        %swap3A_507 = tpu.vector_load %arg15[%swap3A_505, %swap3A_506] {strides = array<i32>} : memref<128x128xf32, #tpu.memory_space<vmem>>, vector<16xf32>,
        tpu.vector_store %arg15[%swap3A_505, %swap3A_506], %max3A_504 {strides = array<i32>} : memref<128x128xf32, #tpu.memory_space<vmem>>, vector<16xf32>,
        %get3A_508 = arith.index_cast %scan3A_462 : i32 to index
        %get3A_509 = arith.constant 80 : index
        %get3A_510 = tpu.vector_load %arg15[%get3A_508, %get3A_509] {strides = array<i32>} : memref<128x128xf32, #tpu.memory_space<vmem>>, vector<16xf32>,
        %max3A_511 = arith.constant 0.000000e+00 : f32
        %max3A_512 = vector.broadcast %max3A_511 : f32 to vector<16xf32>
        %max3A_513 = arith.maximumf %get3A_510, %max3A_512 : vector<16xf32>
        %swap3A_514 = arith.index_cast %scan3A_462 : i32 to index
        %swap3A_515 = arith.constant 80 : index
        %swap3A_516 = tpu.vector_load %arg15[%swap3A_514, %swap3A_515] {strides = array<i32>} : memref<128x128xf32, #tpu.memory_space<vmem>>, vector<16xf32>,
        tpu.vector_store %arg15[%swap3A_514, %swap3A_515], %max3A_513 {strides = array<i32>} : memref<128x128xf32, #tpu.memory_space<vmem>>, vector<16xf32>,
        %get3A_517 = arith.index_cast %scan3A_462 : i32 to index
        %get3A_518 = arith.constant 96 : index
        %get3A_519 = tpu.vector_load %arg15[%get3A_517, %get3A_518] {strides = array<i32>} : memref<128x128xf32, #tpu.memory_space<vmem>>, vector<16xf32>,
        %max3A_520 = arith.constant 0.000000e+00 : f32
        %max3A_521 = vector.broadcast %max3A_520 : f32 to vector<16xf32>
        %max3A_522 = arith.maximumf %get3A_519, %max3A_521 : vector<16xf32>
        %swap3A_523 = arith.index_cast %scan3A_462 : i32 to index
        %swap3A_524 = arith.constant 96 : index
        %swap3A_525 = tpu.vector_load %arg15[%swap3A_523, %swap3A_524] {strides = array<i32>} : memref<128x128xf32, #tpu.memory_space<vmem>>, vector<16xf32>,
        tpu.vector_store %arg15[%swap3A_523, %swap3A_524], %max3A_522 {strides = array<i32>} : memref<128x128xf32, #tpu.memory_space<vmem>>, vector<16xf32>,
        %get3A_526 = arith.index_cast %scan3A_462 : i32 to index
        %get3A_527 = arith.constant 112 : index
        %get3A_528 = tpu.vector_load %arg15[%get3A_526, %get3A_527] {strides = array<i32>} : memref<128x128xf32, #tpu.memory_space<vmem>>, vector<16xf32>,
        %max3A_529 = arith.constant 0.000000e+00 : f32
        %max3A_530 = vector.broadcast %max3A_529 : f32 to vector<16xf32>
        %max3A_531 = arith.maximumf %get3A_528, %max3A_530 : vector<16xf32>
        %swap3A_532 = arith.index_cast %scan3A_462 : i32 to index
        %swap3A_533 = arith.constant 112 : index
        %swap3A_534 = tpu.vector_load %arg15[%swap3A_532, %swap3A_533] {strides = array<i32>} : memref<128x128xf32, #tpu.memory_space<vmem>>, vector<16xf32>,
        tpu.vector_store %arg15[%swap3A_532, %swap3A_533], %max3A_531 {strides = array<i32>} : memref<128x128xf32, #tpu.memory_space<vmem>>, vector<16xf32>,
      }
      %scan3A_349 = arith.constant 128 : i32
      %add3A_350 = arith.addi %mul3A_31, %mul3A_263 : i32
      %add3A_351 = arith.constant 256 : i32
      %add3A_352 = arith.addi %add3A_350, %add3A_351 : i32
      %dma_start3A_353 = arith.constant 0 : i32
      %dma_start3A_354 = tpu.memref_slice %arg8[%add3A_352, %dma_start3A_353] : memref<114688x128xf32, #tpu.memory_space<hbm>> -> memref<128x128xf32, #tpu.memory_space<hbm>>
      %dma_start3A_355 = arith.constant 0 : i32
      %dma_start3A_356 = tpu.memref_slice %arg8[%add3A_352, %dma_start3A_355] : memref<114688x128xf32, #tpu.memory_space<hbm>> -> memref<128x128xf32, #tpu.memory_space<hbm>>
      tpu.enqueue_dma source(%arg15 : memref<128x128xf32, #tpu.memory_space<vmem>>) target(%dma_start3A_356 : memref<128x128xf32, #tpu.memory_space<hbm>>) target_semaphore(%arg24 : memref<!tpu.dma_semaphore, #tpu.memory_space<semaphore_mem>>)
      %add3A_357 = arith.constant 384 : i32
      %add3A_358 = arith.addi %mul3A_263, %add3A_357 : i32
      %dma_wait3A_359 = arith.constant 0 : i32
      %dma_wait3A_360 = tpu.memref_slice %arg18[%add3A_358, %dma_wait3A_359] : memref<8208x128xf32, #tpu.memory_space<vmem_shared>> -> memref<128x128xf32, #tpu.memory_space<vmem_shared>>
      %dma_wait3A_361 = arith.constant 0 : i32
      %dma_wait3A_362 = tpu.memref_slice %arg18[%add3A_358, %dma_wait3A_361] : memref<8208x128xf32, #tpu.memory_space<vmem_shared>> -> memref<128x128xf32, #tpu.memory_space<vmem_shared>>
      tpu.wait_dma2 semaphore(%arg20 : memref<!tpu.dma_semaphore, #tpu.memory_space<semaphore_mem>>) src(%dma_wait3A_362 : memref<128x128xf32, #tpu.memory_space<vmem_shared>>) dst(%arg16 : memref<128x128xf32, #tpu.memory_space<vmem>>)
      %scan3A_363 = arith.constant 0 : i32
      %scan3A_364 = arith.constant 0 : i32
      %scan3A_365 = arith.constant 128 : i32
      %scan3A_366 = arith.addi %scan3A_364, %scan3A_365 : i32
      %scan3A_367 = arith.constant 2 : i32
      scf.for %scan3A_390 = %scan3A_364 to %scan3A_366 step %scan3A_367  : i32 {
        %get3A = arith.index_cast %scan3A_390 : i32 to index
        %get3A_391 = arith.constant 0 : index
        %get3A_392 = tpu.vector_load %arg16[%get3A, %get3A_391] {strides = array<i32>} : memref<128x128xf32, #tpu.memory_space<vmem>>, vector<16xf32>,
        %max3A = arith.constant 0.000000e+00 : f32
        %max3A_393 = vector.broadcast %max3A : f32 to vector<16xf32>
        %max3A_394 = arith.maximumf %get3A_392, %max3A_393 : vector<16xf32>
        %swap3A_395 = arith.index_cast %scan3A_390 : i32 to index
        %swap3A_396 = arith.constant 0 : index
        %swap3A_397 = tpu.vector_load %arg16[%swap3A_395, %swap3A_396] {strides = array<i32>} : memref<128x128xf32, #tpu.memory_space<vmem>>, vector<16xf32>,
        tpu.vector_store %arg16[%swap3A_395, %swap3A_396], %max3A_394 {strides = array<i32>} : memref<128x128xf32, #tpu.memory_space<vmem>>, vector<16xf32>,
        %get3A_398 = arith.index_cast %scan3A_390 : i32 to index
        %get3A_399 = arith.constant 16 : index
        %get3A_400 = tpu.vector_load %arg16[%get3A_398, %get3A_399] {strides = array<i32>} : memref<128x128xf32, #tpu.memory_space<vmem>>, vector<16xf32>,
        %max3A_401 = arith.constant 0.000000e+00 : f32
        %max3A_402 = vector.broadcast %max3A_401 : f32 to vector<16xf32>
        %max3A_403 = arith.maximumf %get3A_400, %max3A_402 : vector<16xf32>
        %swap3A_404 = arith.index_cast %scan3A_390 : i32 to index
        %swap3A_405 = arith.constant 16 : index
        %swap3A_406 = tpu.vector_load %arg16[%swap3A_404, %swap3A_405] {strides = array<i32>} : memref<128x128xf32, #tpu.memory_space<vmem>>, vector<16xf32>,
        tpu.vector_store %arg16[%swap3A_404, %swap3A_405], %max3A_403 {strides = array<i32>} : memref<128x128xf32, #tpu.memory_space<vmem>>, vector<16xf32>,
        %get3A_407 = arith.index_cast %scan3A_390 : i32 to index
        %get3A_408 = arith.constant 32 : index
        %get3A_409 = tpu.vector_load %arg16[%get3A_407, %get3A_408] {strides = array<i32>} : memref<128x128xf32, #tpu.memory_space<vmem>>, vector<16xf32>,
        %max3A_410 = arith.constant 0.000000e+00 : f32
        %max3A_411 = vector.broadcast %max3A_410 : f32 to vector<16xf32>
        %max3A_412 = arith.maximumf %get3A_409, %max3A_411 : vector<16xf32>
        %swap3A_413 = arith.index_cast %scan3A_390 : i32 to index
        %swap3A_414 = arith.constant 32 : index
        %swap3A_415 = tpu.vector_load %arg16[%swap3A_413, %swap3A_414] {strides = array<i32>} : memref<128x128xf32, #tpu.memory_space<vmem>>, vector<16xf32>,
        tpu.vector_store %arg16[%swap3A_413, %swap3A_414], %max3A_412 {strides = array<i32>} : memref<128x128xf32, #tpu.memory_space<vmem>>, vector<16xf32>,
        %get3A_416 = arith.index_cast %scan3A_390 : i32 to index
        %get3A_417 = arith.constant 48 : index
        %get3A_418 = tpu.vector_load %arg16[%get3A_416, %get3A_417] {strides = array<i32>} : memref<128x128xf32, #tpu.memory_space<vmem>>, vector<16xf32>,
        %max3A_419 = arith.constant 0.000000e+00 : f32
        %max3A_420 = vector.broadcast %max3A_419 : f32 to vector<16xf32>
        %max3A_421 = arith.maximumf %get3A_418, %max3A_420 : vector<16xf32>
        %swap3A_422 = arith.index_cast %scan3A_390 : i32 to index
        %swap3A_423 = arith.constant 48 : index
        %swap3A_424 = tpu.vector_load %arg16[%swap3A_422, %swap3A_423] {strides = array<i32>} : memref<128x128xf32, #tpu.memory_space<vmem>>, vector<16xf32>,
        tpu.vector_store %arg16[%swap3A_422, %swap3A_423], %max3A_421 {strides = array<i32>} : memref<128x128xf32, #tpu.memory_space<vmem>>, vector<16xf32>,
        %get3A_425 = arith.index_cast %scan3A_390 : i32 to index
        %get3A_426 = arith.constant 64 : index
        %get3A_427 = tpu.vector_load %arg16[%get3A_425, %get3A_426] {strides = array<i32>} : memref<128x128xf32, #tpu.memory_space<vmem>>, vector<16xf32>,
        %max3A_428 = arith.constant 0.000000e+00 : f32
        %max3A_429 = vector.broadcast %max3A_428 : f32 to vector<16xf32>
        %max3A_430 = arith.maximumf %get3A_427, %max3A_429 : vector<16xf32>
        %swap3A_431 = arith.index_cast %scan3A_390 : i32 to index
        %swap3A_432 = arith.constant 64 : index
        %swap3A_433 = tpu.vector_load %arg16[%swap3A_431, %swap3A_432] {strides = array<i32>} : memref<128x128xf32, #tpu.memory_space<vmem>>, vector<16xf32>,
        tpu.vector_store %arg16[%swap3A_431, %swap3A_432], %max3A_430 {strides = array<i32>} : memref<128x128xf32, #tpu.memory_space<vmem>>, vector<16xf32>,
        %get3A_434 = arith.index_cast %scan3A_390 : i32 to index
        %get3A_435 = arith.constant 80 : index
        %get3A_436 = tpu.vector_load %arg16[%get3A_434, %get3A_435] {strides = array<i32>} : memref<128x128xf32, #tpu.memory_space<vmem>>, vector<16xf32>,
        %max3A_437 = arith.constant 0.000000e+00 : f32
        %max3A_438 = vector.broadcast %max3A_437 : f32 to vector<16xf32>
        %max3A_439 = arith.maximumf %get3A_436, %max3A_438 : vector<16xf32>
        %swap3A_440 = arith.index_cast %scan3A_390 : i32 to index
        %swap3A_441 = arith.constant 80 : index
        %swap3A_442 = tpu.vector_load %arg16[%swap3A_440, %swap3A_441] {strides = array<i32>} : memref<128x128xf32, #tpu.memory_space<vmem>>, vector<16xf32>,
        tpu.vector_store %arg16[%swap3A_440, %swap3A_441], %max3A_439 {strides = array<i32>} : memref<128x128xf32, #tpu.memory_space<vmem>>, vector<16xf32>,
        %get3A_443 = arith.index_cast %scan3A_390 : i32 to index
        %get3A_444 = arith.constant 96 : index
        %get3A_445 = tpu.vector_load %arg16[%get3A_443, %get3A_444] {strides = array<i32>} : memref<128x128xf32, #tpu.memory_space<vmem>>, vector<16xf32>,
        %max3A_446 = arith.constant 0.000000e+00 : f32
        %max3A_447 = vector.broadcast %max3A_446 : f32 to vector<16xf32>
        %max3A_448 = arith.maximumf %get3A_445, %max3A_447 : vector<16xf32>
        %swap3A_449 = arith.index_cast %scan3A_390 : i32 to index
        %swap3A_450 = arith.constant 96 : index
        %swap3A_451 = tpu.vector_load %arg16[%swap3A_449, %swap3A_450] {strides = array<i32>} : memref<128x128xf32, #tpu.memory_space<vmem>>, vector<16xf32>,
        tpu.vector_store %arg16[%swap3A_449, %swap3A_450], %max3A_448 {strides = array<i32>} : memref<128x128xf32, #tpu.memory_space<vmem>>, vector<16xf32>,
        %get3A_452 = arith.index_cast %scan3A_390 : i32 to index
        %get3A_453 = arith.constant 112 : index
        %get3A_454 = tpu.vector_load %arg16[%get3A_452, %get3A_453] {strides = array<i32>} : memref<128x128xf32, #tpu.memory_space<vmem>>, vector<16xf32>,
        %max3A_455 = arith.constant 0.000000e+00 : f32
        %max3A_456 = vector.broadcast %max3A_455 : f32 to vector<16xf32>
        %max3A_457 = arith.maximumf %get3A_454, %max3A_456 : vector<16xf32>
        %swap3A_458 = arith.index_cast %scan3A_390 : i32 to index
        %swap3A_459 = arith.constant 112 : index
        %swap3A_460 = tpu.vector_load %arg16[%swap3A_458, %swap3A_459] {strides = array<i32>} : memref<128x128xf32, #tpu.memory_space<vmem>>, vector<16xf32>,
        tpu.vector_store %arg16[%swap3A_458, %swap3A_459], %max3A_457 {strides = array<i32>} : memref<128x128xf32, #tpu.memory_space<vmem>>, vector<16xf32>,
        %scan3A_461 = arith.constant 1 : i32
        %scan3A_462 = arith.addi %scan3A_390, %scan3A_461 : i32
        %get3A_463 = arith.index_cast %scan3A_462 : i32 to index
        %get3A_464 = arith.constant 0 : index
        %get3A_465 = tpu.vector_load %arg16[%get3A_463, %get3A_464] {strides = array<i32>} : memref<128x128xf32, #tpu.memory_space<vmem>>, vector<16xf32>,
        %max3A_466 = arith.constant 0.000000e+00 : f32
        %max3A_467 = vector.broadcast %max3A_466 : f32 to vector<16xf32>
        %max3A_468 = arith.maximumf %get3A_465, %max3A_467 : vector<16xf32>
        %swap3A_469 = arith.index_cast %scan3A_462 : i32 to index
        %swap3A_470 = arith.constant 0 : index
        %swap3A_471 = tpu.vector_load %arg16[%swap3A_469, %swap3A_470] {strides = array<i32>} : memref<128x128xf32, #tpu.memory_space<vmem>>, vector<16xf32>,
        tpu.vector_store %arg16[%swap3A_469, %swap3A_470], %max3A_468 {strides = array<i32>} : memref<128x128xf32, #tpu.memory_space<vmem>>, vector<16xf32>,
        %get3A_472 = arith.index_cast %scan3A_462 : i32 to index
        %get3A_473 = arith.constant 16 : index
        %get3A_474 = tpu.vector_load %arg16[%get3A_472, %get3A_473] {strides = array<i32>} : memref<128x128xf32, #tpu.memory_space<vmem>>, vector<16xf32>,
        %max3A_475 = arith.constant 0.000000e+00 : f32
        %max3A_476 = vector.broadcast %max3A_475 : f32 to vector<16xf32>
        %max3A_477 = arith.maximumf %get3A_474, %max3A_476 : vector<16xf32>
        %swap3A_478 = arith.index_cast %scan3A_462 : i32 to index
        %swap3A_479 = arith.constant 16 : index
        %swap3A_480 = tpu.vector_load %arg16[%swap3A_478, %swap3A_479] {strides = array<i32>} : memref<128x128xf32, #tpu.memory_space<vmem>>, vector<16xf32>,
        tpu.vector_store %arg16[%swap3A_478, %swap3A_479], %max3A_477 {strides = array<i32>} : memref<128x128xf32, #tpu.memory_space<vmem>>, vector<16xf32>,
        %get3A_481 = arith.index_cast %scan3A_462 : i32 to index
        %get3A_482 = arith.constant 32 : index
        %get3A_483 = tpu.vector_load %arg16[%get3A_481, %get3A_482] {strides = array<i32>} : memref<128x128xf32, #tpu.memory_space<vmem>>, vector<16xf32>,
        %max3A_484 = arith.constant 0.000000e+00 : f32
        %max3A_485 = vector.broadcast %max3A_484 : f32 to vector<16xf32>
        %max3A_486 = arith.maximumf %get3A_483, %max3A_485 : vector<16xf32>
        %swap3A_487 = arith.index_cast %scan3A_462 : i32 to index
        %swap3A_488 = arith.constant 32 : index
        %swap3A_489 = tpu.vector_load %arg16[%swap3A_487, %swap3A_488] {strides = array<i32>} : memref<128x128xf32, #tpu.memory_space<vmem>>, vector<16xf32>,
        tpu.vector_store %arg16[%swap3A_487, %swap3A_488], %max3A_486 {strides = array<i32>} : memref<128x128xf32, #tpu.memory_space<vmem>>, vector<16xf32>,
        %get3A_490 = arith.index_cast %scan3A_462 : i32 to index
        %get3A_491 = arith.constant 48 : index
        %get3A_492 = tpu.vector_load %arg16[%get3A_490, %get3A_491] {strides = array<i32>} : memref<128x128xf32, #tpu.memory_space<vmem>>, vector<16xf32>,
        %max3A_493 = arith.constant 0.000000e+00 : f32
        %max3A_494 = vector.broadcast %max3A_493 : f32 to vector<16xf32>
        %max3A_495 = arith.maximumf %get3A_492, %max3A_494 : vector<16xf32>
        %swap3A_496 = arith.index_cast %scan3A_462 : i32 to index
        %swap3A_497 = arith.constant 48 : index
        %swap3A_498 = tpu.vector_load %arg16[%swap3A_496, %swap3A_497] {strides = array<i32>} : memref<128x128xf32, #tpu.memory_space<vmem>>, vector<16xf32>,
        tpu.vector_store %arg16[%swap3A_496, %swap3A_497], %max3A_495 {strides = array<i32>} : memref<128x128xf32, #tpu.memory_space<vmem>>, vector<16xf32>,
        %get3A_499 = arith.index_cast %scan3A_462 : i32 to index
        %get3A_500 = arith.constant 64 : index
        %get3A_501 = tpu.vector_load %arg16[%get3A_499, %get3A_500] {strides = array<i32>} : memref<128x128xf32, #tpu.memory_space<vmem>>, vector<16xf32>,
        %max3A_502 = arith.constant 0.000000e+00 : f32
        %max3A_503 = vector.broadcast %max3A_502 : f32 to vector<16xf32>
        %max3A_504 = arith.maximumf %get3A_501, %max3A_503 : vector<16xf32>
        %swap3A_505 = arith.index_cast %scan3A_462 : i32 to index
        %swap3A_506 = arith.constant 64 : index
        %swap3A_507 = tpu.vector_load %arg16[%swap3A_505, %swap3A_506] {strides = array<i32>} : memref<128x128xf32, #tpu.memory_space<vmem>>, vector<16xf32>,
        tpu.vector_store %arg16[%swap3A_505, %swap3A_506], %max3A_504 {strides = array<i32>} : memref<128x128xf32, #tpu.memory_space<vmem>>, vector<16xf32>,
        %get3A_508 = arith.index_cast %scan3A_462 : i32 to index
        %get3A_509 = arith.constant 80 : index
        %get3A_510 = tpu.vector_load %arg16[%get3A_508, %get3A_509] {strides = array<i32>} : memref<128x128xf32, #tpu.memory_space<vmem>>, vector<16xf32>,
        %max3A_511 = arith.constant 0.000000e+00 : f32
        %max3A_512 = vector.broadcast %max3A_511 : f32 to vector<16xf32>
        %max3A_513 = arith.maximumf %get3A_510, %max3A_512 : vector<16xf32>
        %swap3A_514 = arith.index_cast %scan3A_462 : i32 to index
        %swap3A_515 = arith.constant 80 : index
        %swap3A_516 = tpu.vector_load %arg16[%swap3A_514, %swap3A_515] {strides = array<i32>} : memref<128x128xf32, #tpu.memory_space<vmem>>, vector<16xf32>,
        tpu.vector_store %arg16[%swap3A_514, %swap3A_515], %max3A_513 {strides = array<i32>} : memref<128x128xf32, #tpu.memory_space<vmem>>, vector<16xf32>,
        %get3A_517 = arith.index_cast %scan3A_462 : i32 to index
        %get3A_518 = arith.constant 96 : index
        %get3A_519 = tpu.vector_load %arg16[%get3A_517, %get3A_518] {strides = array<i32>} : memref<128x128xf32, #tpu.memory_space<vmem>>, vector<16xf32>,
        %max3A_520 = arith.constant 0.000000e+00 : f32
        %max3A_521 = vector.broadcast %max3A_520 : f32 to vector<16xf32>
        %max3A_522 = arith.maximumf %get3A_519, %max3A_521 : vector<16xf32>
        %swap3A_523 = arith.index_cast %scan3A_462 : i32 to index
        %swap3A_524 = arith.constant 96 : index
        %swap3A_525 = tpu.vector_load %arg16[%swap3A_523, %swap3A_524] {strides = array<i32>} : memref<128x128xf32, #tpu.memory_space<vmem>>, vector<16xf32>,
        tpu.vector_store %arg16[%swap3A_523, %swap3A_524], %max3A_522 {strides = array<i32>} : memref<128x128xf32, #tpu.memory_space<vmem>>, vector<16xf32>,
        %get3A_526 = arith.index_cast %scan3A_462 : i32 to index
        %get3A_527 = arith.constant 112 : index
        %get3A_528 = tpu.vector_load %arg16[%get3A_526, %get3A_527] {strides = array<i32>} : memref<128x128xf32, #tpu.memory_space<vmem>>, vector<16xf32>,
        %max3A_529 = arith.constant 0.000000e+00 : f32
        %max3A_530 = vector.broadcast %max3A_529 : f32 to vector<16xf32>
        %max3A_531 = arith.maximumf %get3A_528, %max3A_530 : vector<16xf32>
        %swap3A_532 = arith.index_cast %scan3A_462 : i32 to index
        %swap3A_533 = arith.constant 112 : index
        %swap3A_534 = tpu.vector_load %arg16[%swap3A_532, %swap3A_533] {strides = array<i32>} : memref<128x128xf32, #tpu.memory_space<vmem>>, vector<16xf32>,
        tpu.vector_store %arg16[%swap3A_532, %swap3A_533], %max3A_531 {strides = array<i32>} : memref<128x128xf32, #tpu.memory_space<vmem>>, vector<16xf32>,
      }
      %scan3A_368 = arith.constant 128 : i32
      %add3A_369 = arith.addi %mul3A_31, %mul3A_263 : i32
      %add3A_370 = arith.constant 384 : i32
      %add3A_371 = arith.addi %add3A_369, %add3A_370 : i32
      %dma_start3A_372 = arith.constant 0 : i32
      %dma_start3A_373 = tpu.memref_slice %arg8[%add3A_371, %dma_start3A_372] : memref<114688x128xf32, #tpu.memory_space<hbm>> -> memref<128x128xf32, #tpu.memory_space<hbm>>
      %dma_start3A_374 = arith.constant 0 : i32
      %dma_start3A_375 = tpu.memref_slice %arg8[%add3A_371, %dma_start3A_374] : memref<114688x128xf32, #tpu.memory_space<hbm>> -> memref<128x128xf32, #tpu.memory_space<hbm>>
      tpu.enqueue_dma source(%arg16 : memref<128x128xf32, #tpu.memory_space<vmem>>) target(%dma_start3A_375 : memref<128x128xf32, #tpu.memory_space<hbm>>) target_semaphore(%arg25 : memref<!tpu.dma_semaphore, #tpu.memory_space<semaphore_mem>>)
      %add3A_376 = arith.addi %mul3A_31, %mul3A_263 : i32
      %add3A_377 = arith.constant 256 : i32
      %add3A_378 = arith.addi %add3A_376, %add3A_377 : i32
      %dma_wait3A_379 = arith.constant 0 : i32
      %dma_wait3A_380 = tpu.memref_slice %arg8[%add3A_378, %dma_wait3A_379] : memref<114688x128xf32, #tpu.memory_space<hbm>> -> memref<128x128xf32, #tpu.memory_space<hbm>>
      %dma_wait3A_381 = arith.constant 0 : i32
      %dma_wait3A_382 = tpu.memref_slice %arg8[%add3A_378, %dma_wait3A_381] : memref<114688x128xf32, #tpu.memory_space<hbm>> -> memref<128x128xf32, #tpu.memory_space<hbm>>
      tpu.wait_dma2 semaphore(%arg24 : memref<!tpu.dma_semaphore, #tpu.memory_space<semaphore_mem>>) src(%arg15 : memref<128x128xf32, #tpu.memory_space<vmem>>) dst(%dma_wait3A_382 : memref<128x128xf32, #tpu.memory_space<hbm>>)
      %add3A_383 = arith.addi %mul3A_31, %mul3A_263 : i32
      %add3A_384 = arith.constant 384 : i32
      %add3A_385 = arith.addi %add3A_383, %add3A_384 : i32
      %dma_wait3A_386 = arith.constant 0 : i32
      %dma_wait3A_387 = tpu.memref_slice %arg8[%add3A_385, %dma_wait3A_386] : memref<114688x128xf32, #tpu.memory_space<hbm>> -> memref<128x128xf32, #tpu.memory_space<hbm>>
      %dma_wait3A_388 = arith.constant 0 : i32
      %dma_wait3A_389 = tpu.memref_slice %arg8[%add3A_385, %dma_wait3A_388] : memref<114688x128xf32, #tpu.memory_space<hbm>> -> memref<128x128xf32, #tpu.memory_space<hbm>>
      tpu.wait_dma2 semaphore(%arg25 : memref<!tpu.dma_semaphore, #tpu.memory_space<semaphore_mem>>) src(%arg16 : memref<128x128xf32, #tpu.memory_space<vmem>>) dst(%dma_wait3A_389 : memref<128x128xf32, #tpu.memory_space<hbm>>)
    }
    %scan3A_19 = arith.constant 7 : i32
    %scan3A_20 = arith.constant 0 : i32
    %scan3A_21 = arith.constant 0 : i32
    %scan3A_22 = arith.constant 7 : i32
    %scan3A_23 = arith.addi %scan3A_21, %scan3A_22 : i32
    %scan3A_24 = arith.constant 1 : i32
    scf.for %scan3A_26 = %scan3A_21 to %scan3A_23 step %scan3A_24  : i32 {
      %mul3A_27 = arith.constant 2 : i32
      %mul3A_28 = arith.muli %scan3A_26, %mul3A_27 : i32
      %add3A_29 = arith.addi %mul3A_28, %arg0 : i32
      %mul3A_30 = arith.constant 8192 : i32
      %mul3A_31 = arith.muli %add3A_29, %mul3A_30 : i32
      %add3A_32 = arith.constant 8192 : i32
      %add3A_33 = arith.addi %mul3A_31, %add3A_32 : i32
      %scan3A_34 = arith.constant 0 : i32
      %scan3A_35 = arith.constant 0 : i32
      %scan3A_36 = arith.constant 32 : i32
      %scan3A_37 = arith.addi %scan3A_35, %scan3A_36 : i32
      %scan3A_38 = arith.constant 1 : i32
      scf.for %scan3A_277 = %scan3A_35 to %scan3A_37 step %scan3A_38  : i32 {
        %mul3A_278 = arith.constant 512 : i32
        %mul3A_279 = arith.muli %arg1, %mul3A_278 : i32
        %mul3A_280 = arith.constant 16 : i32
        %mul3A_281 = arith.muli %scan3A_277, %mul3A_280 : i32
        %add3A_282 = arith.addi %mul3A_279, %mul3A_281 : i32
        %dma_start3A_283 = arith.constant 0 : i32
        %dma_start3A_284 = tpu.memref_slice %arg18[%add3A_282, %dma_start3A_283] : memref<8208x128xf32, #tpu.memory_space<vmem_shared>> -> memref<16x128xf32, #tpu.memory_space<vmem_shared>>
        %dma_start3A_285 = arith.constant 0 : i32
        %dma_start3A_286 = tpu.memref_slice %arg18[%add3A_282, %dma_start3A_285] : memref<8208x128xf32, #tpu.memory_space<vmem_shared>> -> memref<16x128xf32, #tpu.memory_space<vmem_shared>>
        tpu.enqueue_dma source(%arg17 : memref<16x128xf32, #tpu.memory_space<vmem>>) target(%dma_start3A_286 : memref<16x128xf32, #tpu.memory_space<vmem_shared>>) target_semaphore(%arg23 : memref<!tpu.dma_semaphore, #tpu.memory_space<semaphore_mem>>)
      }
      %scan3A_39 = arith.constant 32 : i32
      %scan3A_40 = arith.constant 0 : i32
      %scan3A_41 = arith.constant 0 : i32
      %scan3A_42 = arith.constant 32 : i32
      %scan3A_43 = arith.addi %scan3A_41, %scan3A_42 : i32
      %scan3A_44 = arith.constant 1 : i32
      scf.for %scan3A_277 = %scan3A_41 to %scan3A_43 step %scan3A_44  : i32 {
        %mul3A_278 = arith.constant 512 : i32
        %mul3A_279 = arith.muli %arg1, %mul3A_278 : i32
        %mul3A_280 = arith.constant 16 : i32
        %mul3A_281 = arith.muli %scan3A_277, %mul3A_280 : i32
        %add3A_282 = arith.addi %mul3A_279, %mul3A_281 : i32
        %dma_wait3A_283 = arith.constant 0 : i32
        %dma_wait3A_284 = tpu.memref_slice %arg18[%add3A_282, %dma_wait3A_283] : memref<8208x128xf32, #tpu.memory_space<vmem_shared>> -> memref<16x128xf32, #tpu.memory_space<vmem_shared>>
        %dma_wait3A_285 = arith.constant 0 : i32
        %dma_wait3A_286 = tpu.memref_slice %arg18[%add3A_282, %dma_wait3A_285] : memref<8208x128xf32, #tpu.memory_space<vmem_shared>> -> memref<16x128xf32, #tpu.memory_space<vmem_shared>>
        tpu.wait_dma2 semaphore(%arg23 : memref<!tpu.dma_semaphore, #tpu.memory_space<semaphore_mem>>) src(%arg17 : memref<16x128xf32, #tpu.memory_space<vmem>>) dst(%dma_wait3A_286 : memref<16x128xf32, #tpu.memory_space<vmem_shared>>)
      }
      %scan3A_45 = arith.constant 32 : i32
      %barrier3A = arith.constant 0 : index
      tpu.barrier barrier_id(%barrier3A)
      %shift_left3A = arith.constant 17 : i32
      %shift_left3A_46 = vector.broadcast %shift_left3A : i32 to vector<16xi32>
      %shift_left3A_47 = arith.shli %add3A_13, %shift_left3A_46 : vector<16xi32>
      %or3A = arith.ori %add3A_10, %shift_left3A_47 : vector<16xi32>
      %add3A_48 = arith.constant 0 : i32
      %add3A_49 = arith.constant 0 : i32
      %add3A_50 = arith.addi %add3A_48, %add3A_49 : i32
      %swap3A = arith.index_cast %add3A_50 : i32 to index
      %swap3A_51 = tpu.vector_load %arg12[%swap3A] {strides = array<i32>} : memref<13184xi32, #tpu.memory_space<vmem>>, vector<16xi32>,
      tpu.vector_store %arg12[%swap3A], %or3A {strides = array<i32>} : memref<13184xi32, #tpu.memory_space<vmem>>, vector<16xi32>,
      %add3A_52 = arith.constant 0 : i32
      %add3A_53 = arith.constant 16 : i32
      %add3A_54 = arith.addi %add3A_52, %add3A_53 : i32
      %swap3A_55 = arith.index_cast %add3A_54 : i32 to index
      %swap3A_56 = tpu.vector_load %arg12[%swap3A_55] {strides = array<i32>} : memref<13184xi32, #tpu.memory_space<vmem>>, vector<16xi32>,
      tpu.vector_store %arg12[%swap3A_55], %or3A {strides = array<i32>} : memref<13184xi32, #tpu.memory_space<vmem>>, vector<16xi32>,
      %add3A_57 = arith.constant 0 : i32
      %add3A_58 = arith.constant 32 : i32
      %add3A_59 = arith.addi %add3A_57, %add3A_58 : i32
      %swap3A_60 = arith.index_cast %add3A_59 : i32 to index
      %swap3A_61 = tpu.vector_load %arg12[%swap3A_60] {strides = array<i32>} : memref<13184xi32, #tpu.memory_space<vmem>>, vector<16xi32>,
      tpu.vector_store %arg12[%swap3A_60], %or3A {strides = array<i32>} : memref<13184xi32, #tpu.memory_space<vmem>>, vector<16xi32>,
      %add3A_62 = arith.constant 0 : i32
      %add3A_63 = arith.constant 48 : i32
      %add3A_64 = arith.addi %add3A_62, %add3A_63 : i32
      %swap3A_65 = arith.index_cast %add3A_64 : i32 to index
      %swap3A_66 = tpu.vector_load %arg12[%swap3A_65] {strides = array<i32>} : memref<13184xi32, #tpu.memory_space<vmem>>, vector<16xi32>,
      tpu.vector_store %arg12[%swap3A_65], %or3A {strides = array<i32>} : memref<13184xi32, #tpu.memory_space<vmem>>, vector<16xi32>,
      %add3A_67 = arith.constant 0 : i32
      %add3A_68 = arith.constant 64 : i32
      %add3A_69 = arith.addi %add3A_67, %add3A_68 : i32
      %swap3A_70 = arith.index_cast %add3A_69 : i32 to index
      %swap3A_71 = tpu.vector_load %arg12[%swap3A_70] {strides = array<i32>} : memref<13184xi32, #tpu.memory_space<vmem>>, vector<16xi32>,
      tpu.vector_store %arg12[%swap3A_70], %or3A {strides = array<i32>} : memref<13184xi32, #tpu.memory_space<vmem>>, vector<16xi32>,
      %add3A_72 = arith.constant 0 : i32
      %add3A_73 = arith.constant 80 : i32
      %add3A_74 = arith.addi %add3A_72, %add3A_73 : i32
      %swap3A_75 = arith.index_cast %add3A_74 : i32 to index
      %swap3A_76 = tpu.vector_load %arg12[%swap3A_75] {strides = array<i32>} : memref<13184xi32, #tpu.memory_space<vmem>>, vector<16xi32>,
      tpu.vector_store %arg12[%swap3A_75], %or3A {strides = array<i32>} : memref<13184xi32, #tpu.memory_space<vmem>>, vector<16xi32>,
      %add3A_77 = arith.constant 0 : i32
      %add3A_78 = arith.constant 96 : i32
      %add3A_79 = arith.addi %add3A_77, %add3A_78 : i32
      %swap3A_80 = arith.index_cast %add3A_79 : i32 to index
      %swap3A_81 = tpu.vector_load %arg12[%swap3A_80] {strides = array<i32>} : memref<13184xi32, #tpu.memory_space<vmem>>, vector<16xi32>,
      tpu.vector_store %arg12[%swap3A_80], %or3A {strides = array<i32>} : memref<13184xi32, #tpu.memory_space<vmem>>, vector<16xi32>,
      %add3A_82 = arith.constant 0 : i32
      %add3A_83 = arith.constant 112 : i32
      %add3A_84 = arith.addi %add3A_82, %add3A_83 : i32
      %swap3A_85 = arith.index_cast %add3A_84 : i32 to index
      %swap3A_86 = tpu.vector_load %arg12[%swap3A_85] {strides = array<i32>} : memref<13184xi32, #tpu.memory_space<vmem>>, vector<16xi32>,
      tpu.vector_store %arg12[%swap3A_85], %or3A {strides = array<i32>} : memref<13184xi32, #tpu.memory_space<vmem>>, vector<16xi32>,
      %add3A_87 = arith.constant 0 : i32
      %add3A_88 = arith.constant 128 : i32
      %add3A_89 = arith.addi %add3A_87, %add3A_88 : i32
      %swap3A_90 = arith.index_cast %add3A_89 : i32 to index
      %swap3A_91 = tpu.vector_load %arg12[%swap3A_90] {strides = array<i32>} : memref<13184xi32, #tpu.memory_space<vmem>>, vector<16xi32>,
      tpu.vector_store %arg12[%swap3A_90], %or3A {strides = array<i32>} : memref<13184xi32, #tpu.memory_space<vmem>>, vector<16xi32>,
      %add3A_92 = arith.constant 0 : i32
      %add3A_93 = arith.constant 144 : i32
      %add3A_94 = arith.addi %add3A_92, %add3A_93 : i32
      %swap3A_95 = arith.index_cast %add3A_94 : i32 to index
      %swap3A_96 = tpu.vector_load %arg12[%swap3A_95] {strides = array<i32>} : memref<13184xi32, #tpu.memory_space<vmem>>, vector<16xi32>,
      tpu.vector_store %arg12[%swap3A_95], %or3A {strides = array<i32>} : memref<13184xi32, #tpu.memory_space<vmem>>, vector<16xi32>,
      %add3A_97 = arith.constant 0 : i32
      %add3A_98 = arith.constant 160 : i32
      %add3A_99 = arith.addi %add3A_97, %add3A_98 : i32
      %swap3A_100 = arith.index_cast %add3A_99 : i32 to index
      %swap3A_101 = tpu.vector_load %arg12[%swap3A_100] {strides = array<i32>} : memref<13184xi32, #tpu.memory_space<vmem>>, vector<16xi32>,
      tpu.vector_store %arg12[%swap3A_100], %or3A {strides = array<i32>} : memref<13184xi32, #tpu.memory_space<vmem>>, vector<16xi32>,
      %add3A_102 = arith.constant 0 : i32
      %add3A_103 = arith.constant 176 : i32
      %add3A_104 = arith.addi %add3A_102, %add3A_103 : i32
      %swap3A_105 = arith.index_cast %add3A_104 : i32 to index
      %swap3A_106 = tpu.vector_load %arg12[%swap3A_105] {strides = array<i32>} : memref<13184xi32, #tpu.memory_space<vmem>>, vector<16xi32>,
      tpu.vector_store %arg12[%swap3A_105], %or3A {strides = array<i32>} : memref<13184xi32, #tpu.memory_space<vmem>>, vector<16xi32>,
      %add3A_107 = arith.constant 0 : i32
      %add3A_108 = arith.constant 192 : i32
      %add3A_109 = arith.addi %add3A_107, %add3A_108 : i32
      %swap3A_110 = arith.index_cast %add3A_109 : i32 to index
      %swap3A_111 = tpu.vector_load %arg12[%swap3A_110] {strides = array<i32>} : memref<13184xi32, #tpu.memory_space<vmem>>, vector<16xi32>,
      tpu.vector_store %arg12[%swap3A_110], %or3A {strides = array<i32>} : memref<13184xi32, #tpu.memory_space<vmem>>, vector<16xi32>,
      %add3A_112 = arith.constant 0 : i32
      %add3A_113 = arith.constant 208 : i32
      %add3A_114 = arith.addi %add3A_112, %add3A_113 : i32
      %swap3A_115 = arith.index_cast %add3A_114 : i32 to index
      %swap3A_116 = tpu.vector_load %arg12[%swap3A_115] {strides = array<i32>} : memref<13184xi32, #tpu.memory_space<vmem>>, vector<16xi32>,
      tpu.vector_store %arg12[%swap3A_115], %or3A {strides = array<i32>} : memref<13184xi32, #tpu.memory_space<vmem>>, vector<16xi32>,
      %add3A_117 = arith.constant 0 : i32
      %add3A_118 = arith.constant 224 : i32
      %add3A_119 = arith.addi %add3A_117, %add3A_118 : i32
      %swap3A_120 = arith.index_cast %add3A_119 : i32 to index
      %swap3A_121 = tpu.vector_load %arg12[%swap3A_120] {strides = array<i32>} : memref<13184xi32, #tpu.memory_space<vmem>>, vector<16xi32>,
      tpu.vector_store %arg12[%swap3A_120], %or3A {strides = array<i32>} : memref<13184xi32, #tpu.memory_space<vmem>>, vector<16xi32>,
      %add3A_122 = arith.constant 0 : i32
      %add3A_123 = arith.constant 240 : i32
      %add3A_124 = arith.addi %add3A_122, %add3A_123 : i32
      %swap3A_125 = arith.index_cast %add3A_124 : i32 to index
      %swap3A_126 = tpu.vector_load %arg12[%swap3A_125] {strides = array<i32>} : memref<13184xi32, #tpu.memory_space<vmem>>, vector<16xi32>,
      tpu.vector_store %arg12[%swap3A_125], %or3A {strides = array<i32>} : memref<13184xi32, #tpu.memory_space<vmem>>, vector<16xi32>,
      %add3A_127 = arith.constant 0 : i32
      %add3A_128 = arith.constant 128 : i32
      %add3A_129 = arith.addi %add3A_127, %add3A_128 : i32
      %sub3A = arith.constant 1 : i32
      %sub3A_130 = arith.subi %add3A_129, %sub3A : i32
      %jit3A = arith.constant 128 : i32
      %div3A = arith.divsi %sub3A_130, %jit3A : i32
      %sign3A = arith.constant 0 : i32
      %sign3A_131 = arith.cmpi sgt, %sub3A_130, %sign3A : i32
      %sign3A_132 = arith.extui %sign3A_131 : i1 to i32
      %sign3A_133 = arith.constant 0 : i32
      %sign3A_134 = arith.cmpi slt, %sub3A_130, %sign3A_133 : i32
      %sign3A_135 = arith.extui %sign3A_134 : i1 to i32
      %sign3A_136 = arith.subi %sign3A_132, %sign3A_135 : i32
      %sign3A_137 = arith.constant 0 : i32
      %sign3A_138 = arith.cmpi sgt, %jit3A, %sign3A_137 : i32
      %sign3A_139 = arith.extui %sign3A_138 : i1 to i32
      %sign3A_140 = arith.constant 0 : i32
      %sign3A_141 = arith.cmpi slt, %jit3A, %sign3A_140 : i32
      %sign3A_142 = arith.extui %sign3A_141 : i1 to i32
      %sign3A_143 = arith.subi %sign3A_139, %sign3A_142 : i32
      %ne3A = arith.cmpi ne, %sign3A_136, %sign3A_143 : i32
      %rem3A = arith.remsi %sub3A_130, %jit3A : i32
      %ne3A_144 = arith.constant 0 : i32
      %ne3A_145 = arith.cmpi ne, %rem3A, %ne3A_144 : i32
      %and3A = arith.andi %ne3A, %ne3A_145 : i1
      %sub3A_146 = arith.constant 1 : i32
      %sub3A_147 = arith.subi %div3A, %sub3A_146 : i32
      %select_n3A = arith.select %and3A, %sub3A_147, %div3A : i32
      %barrier3A_148 = arith.constant 0 : index
      tpu.barrier barrier_id(%barrier3A_148)
      %mul3A_149 = arith.constant 512 : i32
      %mul3A_150 = arith.muli %arg1, %mul3A_149 : i32
      %add3A_151 = arith.constant 0 : i32
      %add3A_152 = arith.addi %mul3A_150, %add3A_151 : i32
      %dma_start3A = arith.constant 0 : i32
      %dma_start3A_153 = tpu.memref_slice %arg18[%add3A_152, %dma_start3A] : memref<8208x128xf32, #tpu.memory_space<vmem_shared>> -> memref<128x128xf32, #tpu.memory_space<vmem_shared>>
      %dma_start3A_154 = arith.constant 0 : i32
      %dma_start3A_155 = tpu.memref_slice %arg18[%add3A_152, %dma_start3A_154] : memref<8208x128xf32, #tpu.memory_space<vmem_shared>> -> memref<128x128xf32, #tpu.memory_space<vmem_shared>>
      tpu.enqueue_dma source(%dma_start3A_155 : memref<128x128xf32, #tpu.memory_space<vmem_shared>>) target(%arg15 : memref<128x128xf32, #tpu.memory_space<vmem>>) target_semaphore(%arg19 : memref<!tpu.dma_semaphore, #tpu.memory_space<semaphore_mem>>)
      %add3A_156 = arith.constant 128 : i32
      %add3A_157 = arith.addi %mul3A_150, %add3A_156 : i32
      %dma_start3A_158 = arith.constant 0 : i32
      %dma_start3A_159 = tpu.memref_slice %arg18[%add3A_157, %dma_start3A_158] : memref<8208x128xf32, #tpu.memory_space<vmem_shared>> -> memref<128x128xf32, #tpu.memory_space<vmem_shared>>
      %dma_start3A_160 = arith.constant 0 : i32
      %dma_start3A_161 = tpu.memref_slice %arg18[%add3A_157, %dma_start3A_160] : memref<8208x128xf32, #tpu.memory_space<vmem_shared>> -> memref<128x128xf32, #tpu.memory_space<vmem_shared>>
      tpu.enqueue_dma source(%dma_start3A_161 : memref<128x128xf32, #tpu.memory_space<vmem_shared>>) target(%arg16 : memref<128x128xf32, #tpu.memory_space<vmem>>) target_semaphore(%arg20 : memref<!tpu.dma_semaphore, #tpu.memory_space<semaphore_mem>>)
      %add3A_162 = arith.constant 0 : i32
      %add3A_163 = arith.addi %mul3A_150, %add3A_162 : i32
      %dma_wait3A = arith.constant 0 : i32
      %dma_wait3A_164 = tpu.memref_slice %arg18[%add3A_163, %dma_wait3A] : memref<8208x128xf32, #tpu.memory_space<vmem_shared>> -> memref<128x128xf32, #tpu.memory_space<vmem_shared>>
      %dma_wait3A_165 = arith.constant 0 : i32
      %dma_wait3A_166 = tpu.memref_slice %arg18[%add3A_163, %dma_wait3A_165] : memref<8208x128xf32, #tpu.memory_space<vmem_shared>> -> memref<128x128xf32, #tpu.memory_space<vmem_shared>>
      tpu.wait_dma2 semaphore(%arg19 : memref<!tpu.dma_semaphore, #tpu.memory_space<semaphore_mem>>) src(%dma_wait3A_166 : memref<128x128xf32, #tpu.memory_space<vmem_shared>>) dst(%arg15 : memref<128x128xf32, #tpu.memory_space<vmem>>)
      %scan3A_167 = arith.constant 0 : i32
      %scan3A_168 = arith.constant 0 : i32
      %scan3A_169 = arith.constant 128 : i32
      %scan3A_170 = arith.addi %scan3A_168, %scan3A_169 : i32
      %scan3A_171 = arith.constant 2 : i32
      scf.for %scan3A_277 = %scan3A_168 to %scan3A_170 step %scan3A_171  : i32 {
        %get3A = arith.index_cast %scan3A_277 : i32 to index
        %get3A_278 = arith.constant 0 : index
        %get3A_279 = tpu.vector_load %arg15[%get3A, %get3A_278] {strides = array<i32>} : memref<128x128xf32, #tpu.memory_space<vmem>>, vector<16xf32>,
        %max3A = arith.constant 0.000000e+00 : f32
        %max3A_280 = vector.broadcast %max3A : f32 to vector<16xf32>
        %max3A_281 = arith.maximumf %get3A_279, %max3A_280 : vector<16xf32>
        %swap3A_282 = arith.index_cast %scan3A_277 : i32 to index
        %swap3A_283 = arith.constant 0 : index
        %swap3A_284 = tpu.vector_load %arg15[%swap3A_282, %swap3A_283] {strides = array<i32>} : memref<128x128xf32, #tpu.memory_space<vmem>>, vector<16xf32>,
        tpu.vector_store %arg15[%swap3A_282, %swap3A_283], %max3A_281 {strides = array<i32>} : memref<128x128xf32, #tpu.memory_space<vmem>>, vector<16xf32>,
        %get3A_285 = arith.index_cast %scan3A_277 : i32 to index
        %get3A_286 = arith.constant 16 : index
        %get3A_287 = tpu.vector_load %arg15[%get3A_285, %get3A_286] {strides = array<i32>} : memref<128x128xf32, #tpu.memory_space<vmem>>, vector<16xf32>,
        %max3A_288 = arith.constant 0.000000e+00 : f32
        %max3A_289 = vector.broadcast %max3A_288 : f32 to vector<16xf32>
        %max3A_290 = arith.maximumf %get3A_287, %max3A_289 : vector<16xf32>
        %swap3A_291 = arith.index_cast %scan3A_277 : i32 to index
        %swap3A_292 = arith.constant 16 : index
        %swap3A_293 = tpu.vector_load %arg15[%swap3A_291, %swap3A_292] {strides = array<i32>} : memref<128x128xf32, #tpu.memory_space<vmem>>, vector<16xf32>,
        tpu.vector_store %arg15[%swap3A_291, %swap3A_292], %max3A_290 {strides = array<i32>} : memref<128x128xf32, #tpu.memory_space<vmem>>, vector<16xf32>,
        %get3A_294 = arith.index_cast %scan3A_277 : i32 to index
        %get3A_295 = arith.constant 32 : index
        %get3A_296 = tpu.vector_load %arg15[%get3A_294, %get3A_295] {strides = array<i32>} : memref<128x128xf32, #tpu.memory_space<vmem>>, vector<16xf32>,
        %max3A_297 = arith.constant 0.000000e+00 : f32
        %max3A_298 = vector.broadcast %max3A_297 : f32 to vector<16xf32>
        %max3A_299 = arith.maximumf %get3A_296, %max3A_298 : vector<16xf32>
        %swap3A_300 = arith.index_cast %scan3A_277 : i32 to index
        %swap3A_301 = arith.constant 32 : index
        %swap3A_302 = tpu.vector_load %arg15[%swap3A_300, %swap3A_301] {strides = array<i32>} : memref<128x128xf32, #tpu.memory_space<vmem>>, vector<16xf32>,
        tpu.vector_store %arg15[%swap3A_300, %swap3A_301], %max3A_299 {strides = array<i32>} : memref<128x128xf32, #tpu.memory_space<vmem>>, vector<16xf32>,
        %get3A_303 = arith.index_cast %scan3A_277 : i32 to index
        %get3A_304 = arith.constant 48 : index
        %get3A_305 = tpu.vector_load %arg15[%get3A_303, %get3A_304] {strides = array<i32>} : memref<128x128xf32, #tpu.memory_space<vmem>>, vector<16xf32>,
        %max3A_306 = arith.constant 0.000000e+00 : f32
        %max3A_307 = vector.broadcast %max3A_306 : f32 to vector<16xf32>
        %max3A_308 = arith.maximumf %get3A_305, %max3A_307 : vector<16xf32>
        %swap3A_309 = arith.index_cast %scan3A_277 : i32 to index
        %swap3A_310 = arith.constant 48 : index
        %swap3A_311 = tpu.vector_load %arg15[%swap3A_309, %swap3A_310] {strides = array<i32>} : memref<128x128xf32, #tpu.memory_space<vmem>>, vector<16xf32>,
        tpu.vector_store %arg15[%swap3A_309, %swap3A_310], %max3A_308 {strides = array<i32>} : memref<128x128xf32, #tpu.memory_space<vmem>>, vector<16xf32>,
        %get3A_312 = arith.index_cast %scan3A_277 : i32 to index
        %get3A_313 = arith.constant 64 : index
        %get3A_314 = tpu.vector_load %arg15[%get3A_312, %get3A_313] {strides = array<i32>} : memref<128x128xf32, #tpu.memory_space<vmem>>, vector<16xf32>,
        %max3A_315 = arith.constant 0.000000e+00 : f32
        %max3A_316 = vector.broadcast %max3A_315 : f32 to vector<16xf32>
        %max3A_317 = arith.maximumf %get3A_314, %max3A_316 : vector<16xf32>
        %swap3A_318 = arith.index_cast %scan3A_277 : i32 to index
        %swap3A_319 = arith.constant 64 : index
        %swap3A_320 = tpu.vector_load %arg15[%swap3A_318, %swap3A_319] {strides = array<i32>} : memref<128x128xf32, #tpu.memory_space<vmem>>, vector<16xf32>,
        tpu.vector_store %arg15[%swap3A_318, %swap3A_319], %max3A_317 {strides = array<i32>} : memref<128x128xf32, #tpu.memory_space<vmem>>, vector<16xf32>,
        %get3A_321 = arith.index_cast %scan3A_277 : i32 to index
        %get3A_322 = arith.constant 80 : index
        %get3A_323 = tpu.vector_load %arg15[%get3A_321, %get3A_322] {strides = array<i32>} : memref<128x128xf32, #tpu.memory_space<vmem>>, vector<16xf32>,
        %max3A_324 = arith.constant 0.000000e+00 : f32
        %max3A_325 = vector.broadcast %max3A_324 : f32 to vector<16xf32>
        %max3A_326 = arith.maximumf %get3A_323, %max3A_325 : vector<16xf32>
        %swap3A_327 = arith.index_cast %scan3A_277 : i32 to index
        %swap3A_328 = arith.constant 80 : index
        %swap3A_329 = tpu.vector_load %arg15[%swap3A_327, %swap3A_328] {strides = array<i32>} : memref<128x128xf32, #tpu.memory_space<vmem>>, vector<16xf32>,
        tpu.vector_store %arg15[%swap3A_327, %swap3A_328], %max3A_326 {strides = array<i32>} : memref<128x128xf32, #tpu.memory_space<vmem>>, vector<16xf32>,
        %get3A_330 = arith.index_cast %scan3A_277 : i32 to index
        %get3A_331 = arith.constant 96 : index
        %get3A_332 = tpu.vector_load %arg15[%get3A_330, %get3A_331] {strides = array<i32>} : memref<128x128xf32, #tpu.memory_space<vmem>>, vector<16xf32>,
        %max3A_333 = arith.constant 0.000000e+00 : f32
        %max3A_334 = vector.broadcast %max3A_333 : f32 to vector<16xf32>
        %max3A_335 = arith.maximumf %get3A_332, %max3A_334 : vector<16xf32>
        %swap3A_336 = arith.index_cast %scan3A_277 : i32 to index
        %swap3A_337 = arith.constant 96 : index
        %swap3A_338 = tpu.vector_load %arg15[%swap3A_336, %swap3A_337] {strides = array<i32>} : memref<128x128xf32, #tpu.memory_space<vmem>>, vector<16xf32>,
        tpu.vector_store %arg15[%swap3A_336, %swap3A_337], %max3A_335 {strides = array<i32>} : memref<128x128xf32, #tpu.memory_space<vmem>>, vector<16xf32>,
        %get3A_339 = arith.index_cast %scan3A_277 : i32 to index
        %get3A_340 = arith.constant 112 : index
        %get3A_341 = tpu.vector_load %arg15[%get3A_339, %get3A_340] {strides = array<i32>} : memref<128x128xf32, #tpu.memory_space<vmem>>, vector<16xf32>,
        %max3A_342 = arith.constant 0.000000e+00 : f32
        %max3A_343 = vector.broadcast %max3A_342 : f32 to vector<16xf32>
        %max3A_344 = arith.maximumf %get3A_341, %max3A_343 : vector<16xf32>
        %swap3A_345 = arith.index_cast %scan3A_277 : i32 to index
        %swap3A_346 = arith.constant 112 : index
        %swap3A_347 = tpu.vector_load %arg15[%swap3A_345, %swap3A_346] {strides = array<i32>} : memref<128x128xf32, #tpu.memory_space<vmem>>, vector<16xf32>,
        tpu.vector_store %arg15[%swap3A_345, %swap3A_346], %max3A_344 {strides = array<i32>} : memref<128x128xf32, #tpu.memory_space<vmem>>, vector<16xf32>,
        %scan3A_348 = arith.constant 1 : i32
        %scan3A_349 = arith.addi %scan3A_277, %scan3A_348 : i32
        %get3A_350 = arith.index_cast %scan3A_349 : i32 to index
        %get3A_351 = arith.constant 0 : index
        %get3A_352 = tpu.vector_load %arg15[%get3A_350, %get3A_351] {strides = array<i32>} : memref<128x128xf32, #tpu.memory_space<vmem>>, vector<16xf32>,
        %max3A_353 = arith.constant 0.000000e+00 : f32
        %max3A_354 = vector.broadcast %max3A_353 : f32 to vector<16xf32>
        %max3A_355 = arith.maximumf %get3A_352, %max3A_354 : vector<16xf32>
        %swap3A_356 = arith.index_cast %scan3A_349 : i32 to index
        %swap3A_357 = arith.constant 0 : index
        %swap3A_358 = tpu.vector_load %arg15[%swap3A_356, %swap3A_357] {strides = array<i32>} : memref<128x128xf32, #tpu.memory_space<vmem>>, vector<16xf32>,
        tpu.vector_store %arg15[%swap3A_356, %swap3A_357], %max3A_355 {strides = array<i32>} : memref<128x128xf32, #tpu.memory_space<vmem>>, vector<16xf32>,
        %get3A_359 = arith.index_cast %scan3A_349 : i32 to index
        %get3A_360 = arith.constant 16 : index
        %get3A_361 = tpu.vector_load %arg15[%get3A_359, %get3A_360] {strides = array<i32>} : memref<128x128xf32, #tpu.memory_space<vmem>>, vector<16xf32>,
        %max3A_362 = arith.constant 0.000000e+00 : f32
        %max3A_363 = vector.broadcast %max3A_362 : f32 to vector<16xf32>
        %max3A_364 = arith.maximumf %get3A_361, %max3A_363 : vector<16xf32>
        %swap3A_365 = arith.index_cast %scan3A_349 : i32 to index
        %swap3A_366 = arith.constant 16 : index
        %swap3A_367 = tpu.vector_load %arg15[%swap3A_365, %swap3A_366] {strides = array<i32>} : memref<128x128xf32, #tpu.memory_space<vmem>>, vector<16xf32>,
        tpu.vector_store %arg15[%swap3A_365, %swap3A_366], %max3A_364 {strides = array<i32>} : memref<128x128xf32, #tpu.memory_space<vmem>>, vector<16xf32>,
        %get3A_368 = arith.index_cast %scan3A_349 : i32 to index
        %get3A_369 = arith.constant 32 : index
        %get3A_370 = tpu.vector_load %arg15[%get3A_368, %get3A_369] {strides = array<i32>} : memref<128x128xf32, #tpu.memory_space<vmem>>, vector<16xf32>,
        %max3A_371 = arith.constant 0.000000e+00 : f32
        %max3A_372 = vector.broadcast %max3A_371 : f32 to vector<16xf32>
        %max3A_373 = arith.maximumf %get3A_370, %max3A_372 : vector<16xf32>
        %swap3A_374 = arith.index_cast %scan3A_349 : i32 to index
        %swap3A_375 = arith.constant 32 : index
        %swap3A_376 = tpu.vector_load %arg15[%swap3A_374, %swap3A_375] {strides = array<i32>} : memref<128x128xf32, #tpu.memory_space<vmem>>, vector<16xf32>,
        tpu.vector_store %arg15[%swap3A_374, %swap3A_375], %max3A_373 {strides = array<i32>} : memref<128x128xf32, #tpu.memory_space<vmem>>, vector<16xf32>,
        %get3A_377 = arith.index_cast %scan3A_349 : i32 to index
        %get3A_378 = arith.constant 48 : index
        %get3A_379 = tpu.vector_load %arg15[%get3A_377, %get3A_378] {strides = array<i32>} : memref<128x128xf32, #tpu.memory_space<vmem>>, vector<16xf32>,
        %max3A_380 = arith.constant 0.000000e+00 : f32
        %max3A_381 = vector.broadcast %max3A_380 : f32 to vector<16xf32>
        %max3A_382 = arith.maximumf %get3A_379, %max3A_381 : vector<16xf32>
        %swap3A_383 = arith.index_cast %scan3A_349 : i32 to index
        %swap3A_384 = arith.constant 48 : index
        %swap3A_385 = tpu.vector_load %arg15[%swap3A_383, %swap3A_384] {strides = array<i32>} : memref<128x128xf32, #tpu.memory_space<vmem>>, vector<16xf32>,
        tpu.vector_store %arg15[%swap3A_383, %swap3A_384], %max3A_382 {strides = array<i32>} : memref<128x128xf32, #tpu.memory_space<vmem>>, vector<16xf32>,
        %get3A_386 = arith.index_cast %scan3A_349 : i32 to index
        %get3A_387 = arith.constant 64 : index
        %get3A_388 = tpu.vector_load %arg15[%get3A_386, %get3A_387] {strides = array<i32>} : memref<128x128xf32, #tpu.memory_space<vmem>>, vector<16xf32>,
        %max3A_389 = arith.constant 0.000000e+00 : f32
        %max3A_390 = vector.broadcast %max3A_389 : f32 to vector<16xf32>
        %max3A_391 = arith.maximumf %get3A_388, %max3A_390 : vector<16xf32>
        %swap3A_392 = arith.index_cast %scan3A_349 : i32 to index
        %swap3A_393 = arith.constant 64 : index
        %swap3A_394 = tpu.vector_load %arg15[%swap3A_392, %swap3A_393] {strides = array<i32>} : memref<128x128xf32, #tpu.memory_space<vmem>>, vector<16xf32>,
        tpu.vector_store %arg15[%swap3A_392, %swap3A_393], %max3A_391 {strides = array<i32>} : memref<128x128xf32, #tpu.memory_space<vmem>>, vector<16xf32>,
        %get3A_395 = arith.index_cast %scan3A_349 : i32 to index
        %get3A_396 = arith.constant 80 : index
        %get3A_397 = tpu.vector_load %arg15[%get3A_395, %get3A_396] {strides = array<i32>} : memref<128x128xf32, #tpu.memory_space<vmem>>, vector<16xf32>,
        %max3A_398 = arith.constant 0.000000e+00 : f32
        %max3A_399 = vector.broadcast %max3A_398 : f32 to vector<16xf32>
        %max3A_400 = arith.maximumf %get3A_397, %max3A_399 : vector<16xf32>
        %swap3A_401 = arith.index_cast %scan3A_349 : i32 to index
        %swap3A_402 = arith.constant 80 : index
        %swap3A_403 = tpu.vector_load %arg15[%swap3A_401, %swap3A_402] {strides = array<i32>} : memref<128x128xf32, #tpu.memory_space<vmem>>, vector<16xf32>,
        tpu.vector_store %arg15[%swap3A_401, %swap3A_402], %max3A_400 {strides = array<i32>} : memref<128x128xf32, #tpu.memory_space<vmem>>, vector<16xf32>,
        %get3A_404 = arith.index_cast %scan3A_349 : i32 to index
        %get3A_405 = arith.constant 96 : index
        %get3A_406 = tpu.vector_load %arg15[%get3A_404, %get3A_405] {strides = array<i32>} : memref<128x128xf32, #tpu.memory_space<vmem>>, vector<16xf32>,
        %max3A_407 = arith.constant 0.000000e+00 : f32
        %max3A_408 = vector.broadcast %max3A_407 : f32 to vector<16xf32>
        %max3A_409 = arith.maximumf %get3A_406, %max3A_408 : vector<16xf32>
        %swap3A_410 = arith.index_cast %scan3A_349 : i32 to index
        %swap3A_411 = arith.constant 96 : index
        %swap3A_412 = tpu.vector_load %arg15[%swap3A_410, %swap3A_411] {strides = array<i32>} : memref<128x128xf32, #tpu.memory_space<vmem>>, vector<16xf32>,
        tpu.vector_store %arg15[%swap3A_410, %swap3A_411], %max3A_409 {strides = array<i32>} : memref<128x128xf32, #tpu.memory_space<vmem>>, vector<16xf32>,
        %get3A_413 = arith.index_cast %scan3A_349 : i32 to index
        %get3A_414 = arith.constant 112 : index
        %get3A_415 = tpu.vector_load %arg15[%get3A_413, %get3A_414] {strides = array<i32>} : memref<128x128xf32, #tpu.memory_space<vmem>>, vector<16xf32>,
        %max3A_416 = arith.constant 0.000000e+00 : f32
        %max3A_417 = vector.broadcast %max3A_416 : f32 to vector<16xf32>
        %max3A_418 = arith.maximumf %get3A_415, %max3A_417 : vector<16xf32>
        %swap3A_419 = arith.index_cast %scan3A_349 : i32 to index
        %swap3A_420 = arith.constant 112 : index
        %swap3A_421 = tpu.vector_load %arg15[%swap3A_419, %swap3A_420] {strides = array<i32>} : memref<128x128xf32, #tpu.memory_space<vmem>>, vector<16xf32>,
        tpu.vector_store %arg15[%swap3A_419, %swap3A_420], %max3A_418 {strides = array<i32>} : memref<128x128xf32, #tpu.memory_space<vmem>>, vector<16xf32>,
      }
      %scan3A_172 = arith.constant 128 : i32
      %add3A_173 = arith.addi %mul3A_31, %mul3A_150 : i32
      %add3A_174 = arith.constant 0 : i32
      %add3A_175 = arith.addi %add3A_173, %add3A_174 : i32
      %dma_start3A_176 = arith.constant 0 : i32
      %dma_start3A_177 = tpu.memref_slice %arg9[%add3A_175, %dma_start3A_176] : memref<114688x128xf32, #tpu.memory_space<hbm>> -> memref<128x128xf32, #tpu.memory_space<hbm>>
      %dma_start3A_178 = arith.constant 0 : i32
      %dma_start3A_179 = tpu.memref_slice %arg9[%add3A_175, %dma_start3A_178] : memref<114688x128xf32, #tpu.memory_space<hbm>> -> memref<128x128xf32, #tpu.memory_space<hbm>>
      tpu.enqueue_dma source(%arg15 : memref<128x128xf32, #tpu.memory_space<vmem>>) target(%dma_start3A_179 : memref<128x128xf32, #tpu.memory_space<hbm>>) target_semaphore(%arg24 : memref<!tpu.dma_semaphore, #tpu.memory_space<semaphore_mem>>)
      %add3A_180 = arith.addi %mul3A_31, %mul3A_150 : i32
      %add3A_181 = arith.constant 0 : i32
      %add3A_182 = arith.addi %add3A_180, %add3A_181 : i32
      %dma_wait3A_183 = arith.constant 0 : i32
      %dma_wait3A_184 = tpu.memref_slice %arg9[%add3A_182, %dma_wait3A_183] : memref<114688x128xf32, #tpu.memory_space<hbm>> -> memref<128x128xf32, #tpu.memory_space<hbm>>
      %dma_wait3A_185 = arith.constant 0 : i32
      %dma_wait3A_186 = tpu.memref_slice %arg9[%add3A_182, %dma_wait3A_185] : memref<114688x128xf32, #tpu.memory_space<hbm>> -> memref<128x128xf32, #tpu.memory_space<hbm>>
      tpu.wait_dma2 semaphore(%arg24 : memref<!tpu.dma_semaphore, #tpu.memory_space<semaphore_mem>>) src(%arg15 : memref<128x128xf32, #tpu.memory_space<vmem>>) dst(%dma_wait3A_186 : memref<128x128xf32, #tpu.memory_space<hbm>>)
      %add3A_187 = arith.constant 256 : i32
      %add3A_188 = arith.addi %mul3A_150, %add3A_187 : i32
      %dma_start3A_189 = arith.constant 0 : i32
      %dma_start3A_190 = tpu.memref_slice %arg18[%add3A_188, %dma_start3A_189] : memref<8208x128xf32, #tpu.memory_space<vmem_shared>> -> memref<128x128xf32, #tpu.memory_space<vmem_shared>>
      %dma_start3A_191 = arith.constant 0 : i32
      %dma_start3A_192 = tpu.memref_slice %arg18[%add3A_188, %dma_start3A_191] : memref<8208x128xf32, #tpu.memory_space<vmem_shared>> -> memref<128x128xf32, #tpu.memory_space<vmem_shared>>
      tpu.enqueue_dma source(%dma_start3A_192 : memref<128x128xf32, #tpu.memory_space<vmem_shared>>) target(%arg15 : memref<128x128xf32, #tpu.memory_space<vmem>>) target_semaphore(%arg19 : memref<!tpu.dma_semaphore, #tpu.memory_space<semaphore_mem>>)
      %add3A_193 = arith.constant 128 : i32
      %add3A_194 = arith.addi %mul3A_150, %add3A_193 : i32
      %dma_wait3A_195 = arith.constant 0 : i32
      %dma_wait3A_196 = tpu.memref_slice %arg18[%add3A_194, %dma_wait3A_195] : memref<8208x128xf32, #tpu.memory_space<vmem_shared>> -> memref<128x128xf32, #tpu.memory_space<vmem_shared>>
      %dma_wait3A_197 = arith.constant 0 : i32
      %dma_wait3A_198 = tpu.memref_slice %arg18[%add3A_194, %dma_wait3A_197] : memref<8208x128xf32, #tpu.memory_space<vmem_shared>> -> memref<128x128xf32, #tpu.memory_space<vmem_shared>>
      tpu.wait_dma2 semaphore(%arg20 : memref<!tpu.dma_semaphore, #tpu.memory_space<semaphore_mem>>) src(%dma_wait3A_198 : memref<128x128xf32, #tpu.memory_space<vmem_shared>>) dst(%arg16 : memref<128x128xf32, #tpu.memory_space<vmem>>)
      %scan3A_199 = arith.constant 0 : i32
      %scan3A_200 = arith.constant 0 : i32
      %scan3A_201 = arith.constant 128 : i32
      %scan3A_202 = arith.addi %scan3A_200, %scan3A_201 : i32
      %scan3A_203 = arith.constant 2 : i32
      scf.for %scan3A_277 = %scan3A_200 to %scan3A_202 step %scan3A_203  : i32 {
        %get3A = arith.index_cast %scan3A_277 : i32 to index
        %get3A_278 = arith.constant 0 : index
        %get3A_279 = tpu.vector_load %arg16[%get3A, %get3A_278] {strides = array<i32>} : memref<128x128xf32, #tpu.memory_space<vmem>>, vector<16xf32>,
        %max3A = arith.constant 0.000000e+00 : f32
        %max3A_280 = vector.broadcast %max3A : f32 to vector<16xf32>
        %max3A_281 = arith.maximumf %get3A_279, %max3A_280 : vector<16xf32>
        %swap3A_282 = arith.index_cast %scan3A_277 : i32 to index
        %swap3A_283 = arith.constant 0 : index
        %swap3A_284 = tpu.vector_load %arg16[%swap3A_282, %swap3A_283] {strides = array<i32>} : memref<128x128xf32, #tpu.memory_space<vmem>>, vector<16xf32>,
        tpu.vector_store %arg16[%swap3A_282, %swap3A_283], %max3A_281 {strides = array<i32>} : memref<128x128xf32, #tpu.memory_space<vmem>>, vector<16xf32>,
        %get3A_285 = arith.index_cast %scan3A_277 : i32 to index
        %get3A_286 = arith.constant 16 : index
        %get3A_287 = tpu.vector_load %arg16[%get3A_285, %get3A_286] {strides = array<i32>} : memref<128x128xf32, #tpu.memory_space<vmem>>, vector<16xf32>,
        %max3A_288 = arith.constant 0.000000e+00 : f32
        %max3A_289 = vector.broadcast %max3A_288 : f32 to vector<16xf32>
        %max3A_290 = arith.maximumf %get3A_287, %max3A_289 : vector<16xf32>
        %swap3A_291 = arith.index_cast %scan3A_277 : i32 to index
        %swap3A_292 = arith.constant 16 : index
        %swap3A_293 = tpu.vector_load %arg16[%swap3A_291, %swap3A_292] {strides = array<i32>} : memref<128x128xf32, #tpu.memory_space<vmem>>, vector<16xf32>,
        tpu.vector_store %arg16[%swap3A_291, %swap3A_292], %max3A_290 {strides = array<i32>} : memref<128x128xf32, #tpu.memory_space<vmem>>, vector<16xf32>,
        %get3A_294 = arith.index_cast %scan3A_277 : i32 to index
        %get3A_295 = arith.constant 32 : index
        %get3A_296 = tpu.vector_load %arg16[%get3A_294, %get3A_295] {strides = array<i32>} : memref<128x128xf32, #tpu.memory_space<vmem>>, vector<16xf32>,
        %max3A_297 = arith.constant 0.000000e+00 : f32
        %max3A_298 = vector.broadcast %max3A_297 : f32 to vector<16xf32>
        %max3A_299 = arith.maximumf %get3A_296, %max3A_298 : vector<16xf32>
        %swap3A_300 = arith.index_cast %scan3A_277 : i32 to index
        %swap3A_301 = arith.constant 32 : index
        %swap3A_302 = tpu.vector_load %arg16[%swap3A_300, %swap3A_301] {strides = array<i32>} : memref<128x128xf32, #tpu.memory_space<vmem>>, vector<16xf32>,
        tpu.vector_store %arg16[%swap3A_300, %swap3A_301], %max3A_299 {strides = array<i32>} : memref<128x128xf32, #tpu.memory_space<vmem>>, vector<16xf32>,
        %get3A_303 = arith.index_cast %scan3A_277 : i32 to index
        %get3A_304 = arith.constant 48 : index
        %get3A_305 = tpu.vector_load %arg16[%get3A_303, %get3A_304] {strides = array<i32>} : memref<128x128xf32, #tpu.memory_space<vmem>>, vector<16xf32>,
        %max3A_306 = arith.constant 0.000000e+00 : f32
        %max3A_307 = vector.broadcast %max3A_306 : f32 to vector<16xf32>
        %max3A_308 = arith.maximumf %get3A_305, %max3A_307 : vector<16xf32>
        %swap3A_309 = arith.index_cast %scan3A_277 : i32 to index
        %swap3A_310 = arith.constant 48 : index
        %swap3A_311 = tpu.vector_load %arg16[%swap3A_309, %swap3A_310] {strides = array<i32>} : memref<128x128xf32, #tpu.memory_space<vmem>>, vector<16xf32>,
        tpu.vector_store %arg16[%swap3A_309, %swap3A_310], %max3A_308 {strides = array<i32>} : memref<128x128xf32, #tpu.memory_space<vmem>>, vector<16xf32>,
        %get3A_312 = arith.index_cast %scan3A_277 : i32 to index
        %get3A_313 = arith.constant 64 : index
        %get3A_314 = tpu.vector_load %arg16[%get3A_312, %get3A_313] {strides = array<i32>} : memref<128x128xf32, #tpu.memory_space<vmem>>, vector<16xf32>,
        %max3A_315 = arith.constant 0.000000e+00 : f32
        %max3A_316 = vector.broadcast %max3A_315 : f32 to vector<16xf32>
        %max3A_317 = arith.maximumf %get3A_314, %max3A_316 : vector<16xf32>
        %swap3A_318 = arith.index_cast %scan3A_277 : i32 to index
        %swap3A_319 = arith.constant 64 : index
        %swap3A_320 = tpu.vector_load %arg16[%swap3A_318, %swap3A_319] {strides = array<i32>} : memref<128x128xf32, #tpu.memory_space<vmem>>, vector<16xf32>,
        tpu.vector_store %arg16[%swap3A_318, %swap3A_319], %max3A_317 {strides = array<i32>} : memref<128x128xf32, #tpu.memory_space<vmem>>, vector<16xf32>,
        %get3A_321 = arith.index_cast %scan3A_277 : i32 to index
        %get3A_322 = arith.constant 80 : index
        %get3A_323 = tpu.vector_load %arg16[%get3A_321, %get3A_322] {strides = array<i32>} : memref<128x128xf32, #tpu.memory_space<vmem>>, vector<16xf32>,
        %max3A_324 = arith.constant 0.000000e+00 : f32
        %max3A_325 = vector.broadcast %max3A_324 : f32 to vector<16xf32>
        %max3A_326 = arith.maximumf %get3A_323, %max3A_325 : vector<16xf32>
        %swap3A_327 = arith.index_cast %scan3A_277 : i32 to index
        %swap3A_328 = arith.constant 80 : index
        %swap3A_329 = tpu.vector_load %arg16[%swap3A_327, %swap3A_328] {strides = array<i32>} : memref<128x128xf32, #tpu.memory_space<vmem>>, vector<16xf32>,
        tpu.vector_store %arg16[%swap3A_327, %swap3A_328], %max3A_326 {strides = array<i32>} : memref<128x128xf32, #tpu.memory_space<vmem>>, vector<16xf32>,
        %get3A_330 = arith.index_cast %scan3A_277 : i32 to index
        %get3A_331 = arith.constant 96 : index
        %get3A_332 = tpu.vector_load %arg16[%get3A_330, %get3A_331] {strides = array<i32>} : memref<128x128xf32, #tpu.memory_space<vmem>>, vector<16xf32>,
        %max3A_333 = arith.constant 0.000000e+00 : f32
        %max3A_334 = vector.broadcast %max3A_333 : f32 to vector<16xf32>
        %max3A_335 = arith.maximumf %get3A_332, %max3A_334 : vector<16xf32>
        %swap3A_336 = arith.index_cast %scan3A_277 : i32 to index
        %swap3A_337 = arith.constant 96 : index
        %swap3A_338 = tpu.vector_load %arg16[%swap3A_336, %swap3A_337] {strides = array<i32>} : memref<128x128xf32, #tpu.memory_space<vmem>>, vector<16xf32>,
        tpu.vector_store %arg16[%swap3A_336, %swap3A_337], %max3A_335 {strides = array<i32>} : memref<128x128xf32, #tpu.memory_space<vmem>>, vector<16xf32>,
        %get3A_339 = arith.index_cast %scan3A_277 : i32 to index
        %get3A_340 = arith.constant 112 : index
        %get3A_341 = tpu.vector_load %arg16[%get3A_339, %get3A_340] {strides = array<i32>} : memref<128x128xf32, #tpu.memory_space<vmem>>, vector<16xf32>,
        %max3A_342 = arith.constant 0.000000e+00 : f32
        %max3A_343 = vector.broadcast %max3A_342 : f32 to vector<16xf32>
        %max3A_344 = arith.maximumf %get3A_341, %max3A_343 : vector<16xf32>
        %swap3A_345 = arith.index_cast %scan3A_277 : i32 to index
        %swap3A_346 = arith.constant 112 : index
        %swap3A_347 = tpu.vector_load %arg16[%swap3A_345, %swap3A_346] {strides = array<i32>} : memref<128x128xf32, #tpu.memory_space<vmem>>, vector<16xf32>,
        tpu.vector_store %arg16[%swap3A_345, %swap3A_346], %max3A_344 {strides = array<i32>} : memref<128x128xf32, #tpu.memory_space<vmem>>, vector<16xf32>,
        %scan3A_348 = arith.constant 1 : i32
        %scan3A_349 = arith.addi %scan3A_277, %scan3A_348 : i32
        %get3A_350 = arith.index_cast %scan3A_349 : i32 to index
        %get3A_351 = arith.constant 0 : index
        %get3A_352 = tpu.vector_load %arg16[%get3A_350, %get3A_351] {strides = array<i32>} : memref<128x128xf32, #tpu.memory_space<vmem>>, vector<16xf32>,
        %max3A_353 = arith.constant 0.000000e+00 : f32
        %max3A_354 = vector.broadcast %max3A_353 : f32 to vector<16xf32>
        %max3A_355 = arith.maximumf %get3A_352, %max3A_354 : vector<16xf32>
        %swap3A_356 = arith.index_cast %scan3A_349 : i32 to index
        %swap3A_357 = arith.constant 0 : index
        %swap3A_358 = tpu.vector_load %arg16[%swap3A_356, %swap3A_357] {strides = array<i32>} : memref<128x128xf32, #tpu.memory_space<vmem>>, vector<16xf32>,
        tpu.vector_store %arg16[%swap3A_356, %swap3A_357], %max3A_355 {strides = array<i32>} : memref<128x128xf32, #tpu.memory_space<vmem>>, vector<16xf32>,
        %get3A_359 = arith.index_cast %scan3A_349 : i32 to index
        %get3A_360 = arith.constant 16 : index
        %get3A_361 = tpu.vector_load %arg16[%get3A_359, %get3A_360] {strides = array<i32>} : memref<128x128xf32, #tpu.memory_space<vmem>>, vector<16xf32>,
        %max3A_362 = arith.constant 0.000000e+00 : f32
        %max3A_363 = vector.broadcast %max3A_362 : f32 to vector<16xf32>
        %max3A_364 = arith.maximumf %get3A_361, %max3A_363 : vector<16xf32>
        %swap3A_365 = arith.index_cast %scan3A_349 : i32 to index
        %swap3A_366 = arith.constant 16 : index
        %swap3A_367 = tpu.vector_load %arg16[%swap3A_365, %swap3A_366] {strides = array<i32>} : memref<128x128xf32, #tpu.memory_space<vmem>>, vector<16xf32>,
        tpu.vector_store %arg16[%swap3A_365, %swap3A_366], %max3A_364 {strides = array<i32>} : memref<128x128xf32, #tpu.memory_space<vmem>>, vector<16xf32>,
        %get3A_368 = arith.index_cast %scan3A_349 : i32 to index
        %get3A_369 = arith.constant 32 : index
        %get3A_370 = tpu.vector_load %arg16[%get3A_368, %get3A_369] {strides = array<i32>} : memref<128x128xf32, #tpu.memory_space<vmem>>, vector<16xf32>,
        %max3A_371 = arith.constant 0.000000e+00 : f32
        %max3A_372 = vector.broadcast %max3A_371 : f32 to vector<16xf32>
        %max3A_373 = arith.maximumf %get3A_370, %max3A_372 : vector<16xf32>
        %swap3A_374 = arith.index_cast %scan3A_349 : i32 to index
        %swap3A_375 = arith.constant 32 : index
        %swap3A_376 = tpu.vector_load %arg16[%swap3A_374, %swap3A_375] {strides = array<i32>} : memref<128x128xf32, #tpu.memory_space<vmem>>, vector<16xf32>,
        tpu.vector_store %arg16[%swap3A_374, %swap3A_375], %max3A_373 {strides = array<i32>} : memref<128x128xf32, #tpu.memory_space<vmem>>, vector<16xf32>,
        %get3A_377 = arith.index_cast %scan3A_349 : i32 to index
        %get3A_378 = arith.constant 48 : index
        %get3A_379 = tpu.vector_load %arg16[%get3A_377, %get3A_378] {strides = array<i32>} : memref<128x128xf32, #tpu.memory_space<vmem>>, vector<16xf32>,
        %max3A_380 = arith.constant 0.000000e+00 : f32
        %max3A_381 = vector.broadcast %max3A_380 : f32 to vector<16xf32>
        %max3A_382 = arith.maximumf %get3A_379, %max3A_381 : vector<16xf32>
        %swap3A_383 = arith.index_cast %scan3A_349 : i32 to index
        %swap3A_384 = arith.constant 48 : index
        %swap3A_385 = tpu.vector_load %arg16[%swap3A_383, %swap3A_384] {strides = array<i32>} : memref<128x128xf32, #tpu.memory_space<vmem>>, vector<16xf32>,
        tpu.vector_store %arg16[%swap3A_383, %swap3A_384], %max3A_382 {strides = array<i32>} : memref<128x128xf32, #tpu.memory_space<vmem>>, vector<16xf32>,
        %get3A_386 = arith.index_cast %scan3A_349 : i32 to index
        %get3A_387 = arith.constant 64 : index
        %get3A_388 = tpu.vector_load %arg16[%get3A_386, %get3A_387] {strides = array<i32>} : memref<128x128xf32, #tpu.memory_space<vmem>>, vector<16xf32>,
        %max3A_389 = arith.constant 0.000000e+00 : f32
        %max3A_390 = vector.broadcast %max3A_389 : f32 to vector<16xf32>
        %max3A_391 = arith.maximumf %get3A_388, %max3A_390 : vector<16xf32>
        %swap3A_392 = arith.index_cast %scan3A_349 : i32 to index
        %swap3A_393 = arith.constant 64 : index
        %swap3A_394 = tpu.vector_load %arg16[%swap3A_392, %swap3A_393] {strides = array<i32>} : memref<128x128xf32, #tpu.memory_space<vmem>>, vector<16xf32>,
        tpu.vector_store %arg16[%swap3A_392, %swap3A_393], %max3A_391 {strides = array<i32>} : memref<128x128xf32, #tpu.memory_space<vmem>>, vector<16xf32>,
        %get3A_395 = arith.index_cast %scan3A_349 : i32 to index
        %get3A_396 = arith.constant 80 : index
        %get3A_397 = tpu.vector_load %arg16[%get3A_395, %get3A_396] {strides = array<i32>} : memref<128x128xf32, #tpu.memory_space<vmem>>, vector<16xf32>,
        %max3A_398 = arith.constant 0.000000e+00 : f32
        %max3A_399 = vector.broadcast %max3A_398 : f32 to vector<16xf32>
        %max3A_400 = arith.maximumf %get3A_397, %max3A_399 : vector<16xf32>
        %swap3A_401 = arith.index_cast %scan3A_349 : i32 to index
        %swap3A_402 = arith.constant 80 : index
        %swap3A_403 = tpu.vector_load %arg16[%swap3A_401, %swap3A_402] {strides = array<i32>} : memref<128x128xf32, #tpu.memory_space<vmem>>, vector<16xf32>,
        tpu.vector_store %arg16[%swap3A_401, %swap3A_402], %max3A_400 {strides = array<i32>} : memref<128x128xf32, #tpu.memory_space<vmem>>, vector<16xf32>,
        %get3A_404 = arith.index_cast %scan3A_349 : i32 to index
        %get3A_405 = arith.constant 96 : index
        %get3A_406 = tpu.vector_load %arg16[%get3A_404, %get3A_405] {strides = array<i32>} : memref<128x128xf32, #tpu.memory_space<vmem>>, vector<16xf32>,
        %max3A_407 = arith.constant 0.000000e+00 : f32
        %max3A_408 = vector.broadcast %max3A_407 : f32 to vector<16xf32>
        %max3A_409 = arith.maximumf %get3A_406, %max3A_408 : vector<16xf32>
        %swap3A_410 = arith.index_cast %scan3A_349 : i32 to index
        %swap3A_411 = arith.constant 96 : index
        %swap3A_412 = tpu.vector_load %arg16[%swap3A_410, %swap3A_411] {strides = array<i32>} : memref<128x128xf32, #tpu.memory_space<vmem>>, vector<16xf32>,
        tpu.vector_store %arg16[%swap3A_410, %swap3A_411], %max3A_409 {strides = array<i32>} : memref<128x128xf32, #tpu.memory_space<vmem>>, vector<16xf32>,
        %get3A_413 = arith.index_cast %scan3A_349 : i32 to index
        %get3A_414 = arith.constant 112 : index
        %get3A_415 = tpu.vector_load %arg16[%get3A_413, %get3A_414] {strides = array<i32>} : memref<128x128xf32, #tpu.memory_space<vmem>>, vector<16xf32>,
        %max3A_416 = arith.constant 0.000000e+00 : f32
        %max3A_417 = vector.broadcast %max3A_416 : f32 to vector<16xf32>
        %max3A_418 = arith.maximumf %get3A_415, %max3A_417 : vector<16xf32>
        %swap3A_419 = arith.index_cast %scan3A_349 : i32 to index
        %swap3A_420 = arith.constant 112 : index
        %swap3A_421 = tpu.vector_load %arg16[%swap3A_419, %swap3A_420] {strides = array<i32>} : memref<128x128xf32, #tpu.memory_space<vmem>>, vector<16xf32>,
        tpu.vector_store %arg16[%swap3A_419, %swap3A_420], %max3A_418 {strides = array<i32>} : memref<128x128xf32, #tpu.memory_space<vmem>>, vector<16xf32>,
      }
      %scan3A_204 = arith.constant 128 : i32
      %add3A_205 = arith.addi %mul3A_31, %mul3A_150 : i32
      %add3A_206 = arith.constant 128 : i32
      %add3A_207 = arith.addi %add3A_205, %add3A_206 : i32
      %dma_start3A_208 = arith.constant 0 : i32
      %dma_start3A_209 = tpu.memref_slice %arg9[%add3A_207, %dma_start3A_208] : memref<114688x128xf32, #tpu.memory_space<hbm>> -> memref<128x128xf32, #tpu.memory_space<hbm>>
      %dma_start3A_210 = arith.constant 0 : i32
      %dma_start3A_211 = tpu.memref_slice %arg9[%add3A_207, %dma_start3A_210] : memref<114688x128xf32, #tpu.memory_space<hbm>> -> memref<128x128xf32, #tpu.memory_space<hbm>>
      tpu.enqueue_dma source(%arg16 : memref<128x128xf32, #tpu.memory_space<vmem>>) target(%dma_start3A_211 : memref<128x128xf32, #tpu.memory_space<hbm>>) target_semaphore(%arg25 : memref<!tpu.dma_semaphore, #tpu.memory_space<semaphore_mem>>)
      %add3A_212 = arith.addi %mul3A_31, %mul3A_150 : i32
      %add3A_213 = arith.constant 128 : i32
      %add3A_214 = arith.addi %add3A_212, %add3A_213 : i32
      %dma_wait3A_215 = arith.constant 0 : i32
      %dma_wait3A_216 = tpu.memref_slice %arg9[%add3A_214, %dma_wait3A_215] : memref<114688x128xf32, #tpu.memory_space<hbm>> -> memref<128x128xf32, #tpu.memory_space<hbm>>
      %dma_wait3A_217 = arith.constant 0 : i32
      %dma_wait3A_218 = tpu.memref_slice %arg9[%add3A_214, %dma_wait3A_217] : memref<114688x128xf32, #tpu.memory_space<hbm>> -> memref<128x128xf32, #tpu.memory_space<hbm>>
      tpu.wait_dma2 semaphore(%arg25 : memref<!tpu.dma_semaphore, #tpu.memory_space<semaphore_mem>>) src(%arg16 : memref<128x128xf32, #tpu.memory_space<vmem>>) dst(%dma_wait3A_218 : memref<128x128xf32, #tpu.memory_space<hbm>>)
      %add3A_219 = arith.constant 384 : i32
      %add3A_220 = arith.addi %mul3A_150, %add3A_219 : i32
      %dma_start3A_221 = arith.constant 0 : i32
      %dma_start3A_222 = tpu.memref_slice %arg18[%add3A_220, %dma_start3A_221] : memref<8208x128xf32, #tpu.memory_space<vmem_shared>> -> memref<128x128xf32, #tpu.memory_space<vmem_shared>>
      %dma_start3A_223 = arith.constant 0 : i32
      %dma_start3A_224 = tpu.memref_slice %arg18[%add3A_220, %dma_start3A_223] : memref<8208x128xf32, #tpu.memory_space<vmem_shared>> -> memref<128x128xf32, #tpu.memory_space<vmem_shared>>
      tpu.enqueue_dma source(%dma_start3A_224 : memref<128x128xf32, #tpu.memory_space<vmem_shared>>) target(%arg16 : memref<128x128xf32, #tpu.memory_space<vmem>>) target_semaphore(%arg20 : memref<!tpu.dma_semaphore, #tpu.memory_space<semaphore_mem>>)
      %add3A_225 = arith.constant 256 : i32
      %add3A_226 = arith.addi %mul3A_150, %add3A_225 : i32
      %dma_wait3A_227 = arith.constant 0 : i32
      %dma_wait3A_228 = tpu.memref_slice %arg18[%add3A_226, %dma_wait3A_227] : memref<8208x128xf32, #tpu.memory_space<vmem_shared>> -> memref<128x128xf32, #tpu.memory_space<vmem_shared>>
      %dma_wait3A_229 = arith.constant 0 : i32
      %dma_wait3A_230 = tpu.memref_slice %arg18[%add3A_226, %dma_wait3A_229] : memref<8208x128xf32, #tpu.memory_space<vmem_shared>> -> memref<128x128xf32, #tpu.memory_space<vmem_shared>>
      tpu.wait_dma2 semaphore(%arg19 : memref<!tpu.dma_semaphore, #tpu.memory_space<semaphore_mem>>) src(%dma_wait3A_230 : memref<128x128xf32, #tpu.memory_space<vmem_shared>>) dst(%arg15 : memref<128x128xf32, #tpu.memory_space<vmem>>)
      %scan3A_231 = arith.constant 0 : i32
      %scan3A_232 = arith.constant 0 : i32
      %scan3A_233 = arith.constant 128 : i32
      %scan3A_234 = arith.addi %scan3A_232, %scan3A_233 : i32
      %scan3A_235 = arith.constant 2 : i32
      scf.for %scan3A_277 = %scan3A_232 to %scan3A_234 step %scan3A_235  : i32 {
        %get3A = arith.index_cast %scan3A_277 : i32 to index
        %get3A_278 = arith.constant 0 : index
        %get3A_279 = tpu.vector_load %arg15[%get3A, %get3A_278] {strides = array<i32>} : memref<128x128xf32, #tpu.memory_space<vmem>>, vector<16xf32>,
        %max3A = arith.constant 0.000000e+00 : f32
        %max3A_280 = vector.broadcast %max3A : f32 to vector<16xf32>
        %max3A_281 = arith.maximumf %get3A_279, %max3A_280 : vector<16xf32>
        %swap3A_282 = arith.index_cast %scan3A_277 : i32 to index
        %swap3A_283 = arith.constant 0 : index
        %swap3A_284 = tpu.vector_load %arg15[%swap3A_282, %swap3A_283] {strides = array<i32>} : memref<128x128xf32, #tpu.memory_space<vmem>>, vector<16xf32>,
        tpu.vector_store %arg15[%swap3A_282, %swap3A_283], %max3A_281 {strides = array<i32>} : memref<128x128xf32, #tpu.memory_space<vmem>>, vector<16xf32>,
        %get3A_285 = arith.index_cast %scan3A_277 : i32 to index
        %get3A_286 = arith.constant 16 : index
        %get3A_287 = tpu.vector_load %arg15[%get3A_285, %get3A_286] {strides = array<i32>} : memref<128x128xf32, #tpu.memory_space<vmem>>, vector<16xf32>,
        %max3A_288 = arith.constant 0.000000e+00 : f32
        %max3A_289 = vector.broadcast %max3A_288 : f32 to vector<16xf32>
        %max3A_290 = arith.maximumf %get3A_287, %max3A_289 : vector<16xf32>
        %swap3A_291 = arith.index_cast %scan3A_277 : i32 to index
        %swap3A_292 = arith.constant 16 : index
        %swap3A_293 = tpu.vector_load %arg15[%swap3A_291, %swap3A_292] {strides = array<i32>} : memref<128x128xf32, #tpu.memory_space<vmem>>, vector<16xf32>,
        tpu.vector_store %arg15[%swap3A_291, %swap3A_292], %max3A_290 {strides = array<i32>} : memref<128x128xf32, #tpu.memory_space<vmem>>, vector<16xf32>,
        %get3A_294 = arith.index_cast %scan3A_277 : i32 to index
        %get3A_295 = arith.constant 32 : index
        %get3A_296 = tpu.vector_load %arg15[%get3A_294, %get3A_295] {strides = array<i32>} : memref<128x128xf32, #tpu.memory_space<vmem>>, vector<16xf32>,
        %max3A_297 = arith.constant 0.000000e+00 : f32
        %max3A_298 = vector.broadcast %max3A_297 : f32 to vector<16xf32>
        %max3A_299 = arith.maximumf %get3A_296, %max3A_298 : vector<16xf32>
        %swap3A_300 = arith.index_cast %scan3A_277 : i32 to index
        %swap3A_301 = arith.constant 32 : index
        %swap3A_302 = tpu.vector_load %arg15[%swap3A_300, %swap3A_301] {strides = array<i32>} : memref<128x128xf32, #tpu.memory_space<vmem>>, vector<16xf32>,
        tpu.vector_store %arg15[%swap3A_300, %swap3A_301], %max3A_299 {strides = array<i32>} : memref<128x128xf32, #tpu.memory_space<vmem>>, vector<16xf32>,
        %get3A_303 = arith.index_cast %scan3A_277 : i32 to index
        %get3A_304 = arith.constant 48 : index
        %get3A_305 = tpu.vector_load %arg15[%get3A_303, %get3A_304] {strides = array<i32>} : memref<128x128xf32, #tpu.memory_space<vmem>>, vector<16xf32>,
        %max3A_306 = arith.constant 0.000000e+00 : f32
        %max3A_307 = vector.broadcast %max3A_306 : f32 to vector<16xf32>
        %max3A_308 = arith.maximumf %get3A_305, %max3A_307 : vector<16xf32>
        %swap3A_309 = arith.index_cast %scan3A_277 : i32 to index
        %swap3A_310 = arith.constant 48 : index
        %swap3A_311 = tpu.vector_load %arg15[%swap3A_309, %swap3A_310] {strides = array<i32>} : memref<128x128xf32, #tpu.memory_space<vmem>>, vector<16xf32>,
        tpu.vector_store %arg15[%swap3A_309, %swap3A_310], %max3A_308 {strides = array<i32>} : memref<128x128xf32, #tpu.memory_space<vmem>>, vector<16xf32>,
        %get3A_312 = arith.index_cast %scan3A_277 : i32 to index
        %get3A_313 = arith.constant 64 : index
        %get3A_314 = tpu.vector_load %arg15[%get3A_312, %get3A_313] {strides = array<i32>} : memref<128x128xf32, #tpu.memory_space<vmem>>, vector<16xf32>,
        %max3A_315 = arith.constant 0.000000e+00 : f32
        %max3A_316 = vector.broadcast %max3A_315 : f32 to vector<16xf32>
        %max3A_317 = arith.maximumf %get3A_314, %max3A_316 : vector<16xf32>
        %swap3A_318 = arith.index_cast %scan3A_277 : i32 to index
        %swap3A_319 = arith.constant 64 : index
        %swap3A_320 = tpu.vector_load %arg15[%swap3A_318, %swap3A_319] {strides = array<i32>} : memref<128x128xf32, #tpu.memory_space<vmem>>, vector<16xf32>,
        tpu.vector_store %arg15[%swap3A_318, %swap3A_319], %max3A_317 {strides = array<i32>} : memref<128x128xf32, #tpu.memory_space<vmem>>, vector<16xf32>,
        %get3A_321 = arith.index_cast %scan3A_277 : i32 to index
        %get3A_322 = arith.constant 80 : index
        %get3A_323 = tpu.vector_load %arg15[%get3A_321, %get3A_322] {strides = array<i32>} : memref<128x128xf32, #tpu.memory_space<vmem>>, vector<16xf32>,
        %max3A_324 = arith.constant 0.000000e+00 : f32
        %max3A_325 = vector.broadcast %max3A_324 : f32 to vector<16xf32>
        %max3A_326 = arith.maximumf %get3A_323, %max3A_325 : vector<16xf32>
        %swap3A_327 = arith.index_cast %scan3A_277 : i32 to index
        %swap3A_328 = arith.constant 80 : index
        %swap3A_329 = tpu.vector_load %arg15[%swap3A_327, %swap3A_328] {strides = array<i32>} : memref<128x128xf32, #tpu.memory_space<vmem>>, vector<16xf32>,
        tpu.vector_store %arg15[%swap3A_327, %swap3A_328], %max3A_326 {strides = array<i32>} : memref<128x128xf32, #tpu.memory_space<vmem>>, vector<16xf32>,
        %get3A_330 = arith.index_cast %scan3A_277 : i32 to index
        %get3A_331 = arith.constant 96 : index
        %get3A_332 = tpu.vector_load %arg15[%get3A_330, %get3A_331] {strides = array<i32>} : memref<128x128xf32, #tpu.memory_space<vmem>>, vector<16xf32>,
        %max3A_333 = arith.constant 0.000000e+00 : f32
        %max3A_334 = vector.broadcast %max3A_333 : f32 to vector<16xf32>
        %max3A_335 = arith.maximumf %get3A_332, %max3A_334 : vector<16xf32>
        %swap3A_336 = arith.index_cast %scan3A_277 : i32 to index
        %swap3A_337 = arith.constant 96 : index
        %swap3A_338 = tpu.vector_load %arg15[%swap3A_336, %swap3A_337] {strides = array<i32>} : memref<128x128xf32, #tpu.memory_space<vmem>>, vector<16xf32>,
        tpu.vector_store %arg15[%swap3A_336, %swap3A_337], %max3A_335 {strides = array<i32>} : memref<128x128xf32, #tpu.memory_space<vmem>>, vector<16xf32>,
        %get3A_339 = arith.index_cast %scan3A_277 : i32 to index
        %get3A_340 = arith.constant 112 : index
        %get3A_341 = tpu.vector_load %arg15[%get3A_339, %get3A_340] {strides = array<i32>} : memref<128x128xf32, #tpu.memory_space<vmem>>, vector<16xf32>,
        %max3A_342 = arith.constant 0.000000e+00 : f32
        %max3A_343 = vector.broadcast %max3A_342 : f32 to vector<16xf32>
        %max3A_344 = arith.maximumf %get3A_341, %max3A_343 : vector<16xf32>
        %swap3A_345 = arith.index_cast %scan3A_277 : i32 to index
        %swap3A_346 = arith.constant 112 : index
        %swap3A_347 = tpu.vector_load %arg15[%swap3A_345, %swap3A_346] {strides = array<i32>} : memref<128x128xf32, #tpu.memory_space<vmem>>, vector<16xf32>,
        tpu.vector_store %arg15[%swap3A_345, %swap3A_346], %max3A_344 {strides = array<i32>} : memref<128x128xf32, #tpu.memory_space<vmem>>, vector<16xf32>,
        %scan3A_348 = arith.constant 1 : i32
        %scan3A_349 = arith.addi %scan3A_277, %scan3A_348 : i32
        %get3A_350 = arith.index_cast %scan3A_349 : i32 to index
        %get3A_351 = arith.constant 0 : index
        %get3A_352 = tpu.vector_load %arg15[%get3A_350, %get3A_351] {strides = array<i32>} : memref<128x128xf32, #tpu.memory_space<vmem>>, vector<16xf32>,
        %max3A_353 = arith.constant 0.000000e+00 : f32
        %max3A_354 = vector.broadcast %max3A_353 : f32 to vector<16xf32>
        %max3A_355 = arith.maximumf %get3A_352, %max3A_354 : vector<16xf32>
        %swap3A_356 = arith.index_cast %scan3A_349 : i32 to index
        %swap3A_357 = arith.constant 0 : index
        %swap3A_358 = tpu.vector_load %arg15[%swap3A_356, %swap3A_357] {strides = array<i32>} : memref<128x128xf32, #tpu.memory_space<vmem>>, vector<16xf32>,
        tpu.vector_store %arg15[%swap3A_356, %swap3A_357], %max3A_355 {strides = array<i32>} : memref<128x128xf32, #tpu.memory_space<vmem>>, vector<16xf32>,
        %get3A_359 = arith.index_cast %scan3A_349 : i32 to index
        %get3A_360 = arith.constant 16 : index
        %get3A_361 = tpu.vector_load %arg15[%get3A_359, %get3A_360] {strides = array<i32>} : memref<128x128xf32, #tpu.memory_space<vmem>>, vector<16xf32>,
        %max3A_362 = arith.constant 0.000000e+00 : f32
        %max3A_363 = vector.broadcast %max3A_362 : f32 to vector<16xf32>
        %max3A_364 = arith.maximumf %get3A_361, %max3A_363 : vector<16xf32>
        %swap3A_365 = arith.index_cast %scan3A_349 : i32 to index
        %swap3A_366 = arith.constant 16 : index
        %swap3A_367 = tpu.vector_load %arg15[%swap3A_365, %swap3A_366] {strides = array<i32>} : memref<128x128xf32, #tpu.memory_space<vmem>>, vector<16xf32>,
        tpu.vector_store %arg15[%swap3A_365, %swap3A_366], %max3A_364 {strides = array<i32>} : memref<128x128xf32, #tpu.memory_space<vmem>>, vector<16xf32>,
        %get3A_368 = arith.index_cast %scan3A_349 : i32 to index
        %get3A_369 = arith.constant 32 : index
        %get3A_370 = tpu.vector_load %arg15[%get3A_368, %get3A_369] {strides = array<i32>} : memref<128x128xf32, #tpu.memory_space<vmem>>, vector<16xf32>,
        %max3A_371 = arith.constant 0.000000e+00 : f32
        %max3A_372 = vector.broadcast %max3A_371 : f32 to vector<16xf32>
        %max3A_373 = arith.maximumf %get3A_370, %max3A_372 : vector<16xf32>
        %swap3A_374 = arith.index_cast %scan3A_349 : i32 to index
        %swap3A_375 = arith.constant 32 : index
        %swap3A_376 = tpu.vector_load %arg15[%swap3A_374, %swap3A_375] {strides = array<i32>} : memref<128x128xf32, #tpu.memory_space<vmem>>, vector<16xf32>,
        tpu.vector_store %arg15[%swap3A_374, %swap3A_375], %max3A_373 {strides = array<i32>} : memref<128x128xf32, #tpu.memory_space<vmem>>, vector<16xf32>,
        %get3A_377 = arith.index_cast %scan3A_349 : i32 to index
        %get3A_378 = arith.constant 48 : index
        %get3A_379 = tpu.vector_load %arg15[%get3A_377, %get3A_378] {strides = array<i32>} : memref<128x128xf32, #tpu.memory_space<vmem>>, vector<16xf32>,
        %max3A_380 = arith.constant 0.000000e+00 : f32
        %max3A_381 = vector.broadcast %max3A_380 : f32 to vector<16xf32>
        %max3A_382 = arith.maximumf %get3A_379, %max3A_381 : vector<16xf32>
        %swap3A_383 = arith.index_cast %scan3A_349 : i32 to index
        %swap3A_384 = arith.constant 48 : index
        %swap3A_385 = tpu.vector_load %arg15[%swap3A_383, %swap3A_384] {strides = array<i32>} : memref<128x128xf32, #tpu.memory_space<vmem>>, vector<16xf32>,
        tpu.vector_store %arg15[%swap3A_383, %swap3A_384], %max3A_382 {strides = array<i32>} : memref<128x128xf32, #tpu.memory_space<vmem>>, vector<16xf32>,
        %get3A_386 = arith.index_cast %scan3A_349 : i32 to index
        %get3A_387 = arith.constant 64 : index
        %get3A_388 = tpu.vector_load %arg15[%get3A_386, %get3A_387] {strides = array<i32>} : memref<128x128xf32, #tpu.memory_space<vmem>>, vector<16xf32>,
        %max3A_389 = arith.constant 0.000000e+00 : f32
        %max3A_390 = vector.broadcast %max3A_389 : f32 to vector<16xf32>
        %max3A_391 = arith.maximumf %get3A_388, %max3A_390 : vector<16xf32>
        %swap3A_392 = arith.index_cast %scan3A_349 : i32 to index
        %swap3A_393 = arith.constant 64 : index
        %swap3A_394 = tpu.vector_load %arg15[%swap3A_392, %swap3A_393] {strides = array<i32>} : memref<128x128xf32, #tpu.memory_space<vmem>>, vector<16xf32>,
        tpu.vector_store %arg15[%swap3A_392, %swap3A_393], %max3A_391 {strides = array<i32>} : memref<128x128xf32, #tpu.memory_space<vmem>>, vector<16xf32>,
        %get3A_395 = arith.index_cast %scan3A_349 : i32 to index
        %get3A_396 = arith.constant 80 : index
        %get3A_397 = tpu.vector_load %arg15[%get3A_395, %get3A_396] {strides = array<i32>} : memref<128x128xf32, #tpu.memory_space<vmem>>, vector<16xf32>,
        %max3A_398 = arith.constant 0.000000e+00 : f32
        %max3A_399 = vector.broadcast %max3A_398 : f32 to vector<16xf32>
        %max3A_400 = arith.maximumf %get3A_397, %max3A_399 : vector<16xf32>
        %swap3A_401 = arith.index_cast %scan3A_349 : i32 to index
        %swap3A_402 = arith.constant 80 : index
        %swap3A_403 = tpu.vector_load %arg15[%swap3A_401, %swap3A_402] {strides = array<i32>} : memref<128x128xf32, #tpu.memory_space<vmem>>, vector<16xf32>,
        tpu.vector_store %arg15[%swap3A_401, %swap3A_402], %max3A_400 {strides = array<i32>} : memref<128x128xf32, #tpu.memory_space<vmem>>, vector<16xf32>,
        %get3A_404 = arith.index_cast %scan3A_349 : i32 to index
        %get3A_405 = arith.constant 96 : index
        %get3A_406 = tpu.vector_load %arg15[%get3A_404, %get3A_405] {strides = array<i32>} : memref<128x128xf32, #tpu.memory_space<vmem>>, vector<16xf32>,
        %max3A_407 = arith.constant 0.000000e+00 : f32
        %max3A_408 = vector.broadcast %max3A_407 : f32 to vector<16xf32>
        %max3A_409 = arith.maximumf %get3A_406, %max3A_408 : vector<16xf32>
        %swap3A_410 = arith.index_cast %scan3A_349 : i32 to index
        %swap3A_411 = arith.constant 96 : index
        %swap3A_412 = tpu.vector_load %arg15[%swap3A_410, %swap3A_411] {strides = array<i32>} : memref<128x128xf32, #tpu.memory_space<vmem>>, vector<16xf32>,
        tpu.vector_store %arg15[%swap3A_410, %swap3A_411], %max3A_409 {strides = array<i32>} : memref<128x128xf32, #tpu.memory_space<vmem>>, vector<16xf32>,
        %get3A_413 = arith.index_cast %scan3A_349 : i32 to index
        %get3A_414 = arith.constant 112 : index
        %get3A_415 = tpu.vector_load %arg15[%get3A_413, %get3A_414] {strides = array<i32>} : memref<128x128xf32, #tpu.memory_space<vmem>>, vector<16xf32>,
        %max3A_416 = arith.constant 0.000000e+00 : f32
        %max3A_417 = vector.broadcast %max3A_416 : f32 to vector<16xf32>
        %max3A_418 = arith.maximumf %get3A_415, %max3A_417 : vector<16xf32>
        %swap3A_419 = arith.index_cast %scan3A_349 : i32 to index
        %swap3A_420 = arith.constant 112 : index
        %swap3A_421 = tpu.vector_load %arg15[%swap3A_419, %swap3A_420] {strides = array<i32>} : memref<128x128xf32, #tpu.memory_space<vmem>>, vector<16xf32>,
        tpu.vector_store %arg15[%swap3A_419, %swap3A_420], %max3A_418 {strides = array<i32>} : memref<128x128xf32, #tpu.memory_space<vmem>>, vector<16xf32>,
      }
      %scan3A_236 = arith.constant 128 : i32
      %add3A_237 = arith.addi %mul3A_31, %mul3A_150 : i32
      %add3A_238 = arith.constant 256 : i32
      %add3A_239 = arith.addi %add3A_237, %add3A_238 : i32
      %dma_start3A_240 = arith.constant 0 : i32
      %dma_start3A_241 = tpu.memref_slice %arg9[%add3A_239, %dma_start3A_240] : memref<114688x128xf32, #tpu.memory_space<hbm>> -> memref<128x128xf32, #tpu.memory_space<hbm>>
      %dma_start3A_242 = arith.constant 0 : i32
      %dma_start3A_243 = tpu.memref_slice %arg9[%add3A_239, %dma_start3A_242] : memref<114688x128xf32, #tpu.memory_space<hbm>> -> memref<128x128xf32, #tpu.memory_space<hbm>>
      tpu.enqueue_dma source(%arg15 : memref<128x128xf32, #tpu.memory_space<vmem>>) target(%dma_start3A_243 : memref<128x128xf32, #tpu.memory_space<hbm>>) target_semaphore(%arg24 : memref<!tpu.dma_semaphore, #tpu.memory_space<semaphore_mem>>)
      %add3A_244 = arith.constant 384 : i32
      %add3A_245 = arith.addi %mul3A_150, %add3A_244 : i32
      %dma_wait3A_246 = arith.constant 0 : i32
      %dma_wait3A_247 = tpu.memref_slice %arg18[%add3A_245, %dma_wait3A_246] : memref<8208x128xf32, #tpu.memory_space<vmem_shared>> -> memref<128x128xf32, #tpu.memory_space<vmem_shared>>
      %dma_wait3A_248 = arith.constant 0 : i32
      %dma_wait3A_249 = tpu.memref_slice %arg18[%add3A_245, %dma_wait3A_248] : memref<8208x128xf32, #tpu.memory_space<vmem_shared>> -> memref<128x128xf32, #tpu.memory_space<vmem_shared>>
      tpu.wait_dma2 semaphore(%arg20 : memref<!tpu.dma_semaphore, #tpu.memory_space<semaphore_mem>>) src(%dma_wait3A_249 : memref<128x128xf32, #tpu.memory_space<vmem_shared>>) dst(%arg16 : memref<128x128xf32, #tpu.memory_space<vmem>>)
      %scan3A_250 = arith.constant 0 : i32
      %scan3A_251 = arith.constant 0 : i32
      %scan3A_252 = arith.constant 128 : i32
      %scan3A_253 = arith.addi %scan3A_251, %scan3A_252 : i32
      %scan3A_254 = arith.constant 2 : i32
      scf.for %scan3A_277 = %scan3A_251 to %scan3A_253 step %scan3A_254  : i32 {
        %get3A = arith.index_cast %scan3A_277 : i32 to index
        %get3A_278 = arith.constant 0 : index
        %get3A_279 = tpu.vector_load %arg16[%get3A, %get3A_278] {strides = array<i32>} : memref<128x128xf32, #tpu.memory_space<vmem>>, vector<16xf32>,
        %max3A = arith.constant 0.000000e+00 : f32
        %max3A_280 = vector.broadcast %max3A : f32 to vector<16xf32>
        %max3A_281 = arith.maximumf %get3A_279, %max3A_280 : vector<16xf32>
        %swap3A_282 = arith.index_cast %scan3A_277 : i32 to index
        %swap3A_283 = arith.constant 0 : index
        %swap3A_284 = tpu.vector_load %arg16[%swap3A_282, %swap3A_283] {strides = array<i32>} : memref<128x128xf32, #tpu.memory_space<vmem>>, vector<16xf32>,
        tpu.vector_store %arg16[%swap3A_282, %swap3A_283], %max3A_281 {strides = array<i32>} : memref<128x128xf32, #tpu.memory_space<vmem>>, vector<16xf32>,
        %get3A_285 = arith.index_cast %scan3A_277 : i32 to index
        %get3A_286 = arith.constant 16 : index
        %get3A_287 = tpu.vector_load %arg16[%get3A_285, %get3A_286] {strides = array<i32>} : memref<128x128xf32, #tpu.memory_space<vmem>>, vector<16xf32>,
        %max3A_288 = arith.constant 0.000000e+00 : f32
        %max3A_289 = vector.broadcast %max3A_288 : f32 to vector<16xf32>
        %max3A_290 = arith.maximumf %get3A_287, %max3A_289 : vector<16xf32>
        %swap3A_291 = arith.index_cast %scan3A_277 : i32 to index
        %swap3A_292 = arith.constant 16 : index
        %swap3A_293 = tpu.vector_load %arg16[%swap3A_291, %swap3A_292] {strides = array<i32>} : memref<128x128xf32, #tpu.memory_space<vmem>>, vector<16xf32>,
        tpu.vector_store %arg16[%swap3A_291, %swap3A_292], %max3A_290 {strides = array<i32>} : memref<128x128xf32, #tpu.memory_space<vmem>>, vector<16xf32>,
        %get3A_294 = arith.index_cast %scan3A_277 : i32 to index
        %get3A_295 = arith.constant 32 : index
        %get3A_296 = tpu.vector_load %arg16[%get3A_294, %get3A_295] {strides = array<i32>} : memref<128x128xf32, #tpu.memory_space<vmem>>, vector<16xf32>,
        %max3A_297 = arith.constant 0.000000e+00 : f32
        %max3A_298 = vector.broadcast %max3A_297 : f32 to vector<16xf32>
        %max3A_299 = arith.maximumf %get3A_296, %max3A_298 : vector<16xf32>
        %swap3A_300 = arith.index_cast %scan3A_277 : i32 to index
        %swap3A_301 = arith.constant 32 : index
        %swap3A_302 = tpu.vector_load %arg16[%swap3A_300, %swap3A_301] {strides = array<i32>} : memref<128x128xf32, #tpu.memory_space<vmem>>, vector<16xf32>,
        tpu.vector_store %arg16[%swap3A_300, %swap3A_301], %max3A_299 {strides = array<i32>} : memref<128x128xf32, #tpu.memory_space<vmem>>, vector<16xf32>,
        %get3A_303 = arith.index_cast %scan3A_277 : i32 to index
        %get3A_304 = arith.constant 48 : index
        %get3A_305 = tpu.vector_load %arg16[%get3A_303, %get3A_304] {strides = array<i32>} : memref<128x128xf32, #tpu.memory_space<vmem>>, vector<16xf32>,
        %max3A_306 = arith.constant 0.000000e+00 : f32
        %max3A_307 = vector.broadcast %max3A_306 : f32 to vector<16xf32>
        %max3A_308 = arith.maximumf %get3A_305, %max3A_307 : vector<16xf32>
        %swap3A_309 = arith.index_cast %scan3A_277 : i32 to index
        %swap3A_310 = arith.constant 48 : index
        %swap3A_311 = tpu.vector_load %arg16[%swap3A_309, %swap3A_310] {strides = array<i32>} : memref<128x128xf32, #tpu.memory_space<vmem>>, vector<16xf32>,
        tpu.vector_store %arg16[%swap3A_309, %swap3A_310], %max3A_308 {strides = array<i32>} : memref<128x128xf32, #tpu.memory_space<vmem>>, vector<16xf32>,
        %get3A_312 = arith.index_cast %scan3A_277 : i32 to index
        %get3A_313 = arith.constant 64 : index
        %get3A_314 = tpu.vector_load %arg16[%get3A_312, %get3A_313] {strides = array<i32>} : memref<128x128xf32, #tpu.memory_space<vmem>>, vector<16xf32>,
        %max3A_315 = arith.constant 0.000000e+00 : f32
        %max3A_316 = vector.broadcast %max3A_315 : f32 to vector<16xf32>
        %max3A_317 = arith.maximumf %get3A_314, %max3A_316 : vector<16xf32>
        %swap3A_318 = arith.index_cast %scan3A_277 : i32 to index
        %swap3A_319 = arith.constant 64 : index
        %swap3A_320 = tpu.vector_load %arg16[%swap3A_318, %swap3A_319] {strides = array<i32>} : memref<128x128xf32, #tpu.memory_space<vmem>>, vector<16xf32>,
        tpu.vector_store %arg16[%swap3A_318, %swap3A_319], %max3A_317 {strides = array<i32>} : memref<128x128xf32, #tpu.memory_space<vmem>>, vector<16xf32>,
        %get3A_321 = arith.index_cast %scan3A_277 : i32 to index
        %get3A_322 = arith.constant 80 : index
        %get3A_323 = tpu.vector_load %arg16[%get3A_321, %get3A_322] {strides = array<i32>} : memref<128x128xf32, #tpu.memory_space<vmem>>, vector<16xf32>,
        %max3A_324 = arith.constant 0.000000e+00 : f32
        %max3A_325 = vector.broadcast %max3A_324 : f32 to vector<16xf32>
        %max3A_326 = arith.maximumf %get3A_323, %max3A_325 : vector<16xf32>
        %swap3A_327 = arith.index_cast %scan3A_277 : i32 to index
        %swap3A_328 = arith.constant 80 : index
        %swap3A_329 = tpu.vector_load %arg16[%swap3A_327, %swap3A_328] {strides = array<i32>} : memref<128x128xf32, #tpu.memory_space<vmem>>, vector<16xf32>,
        tpu.vector_store %arg16[%swap3A_327, %swap3A_328], %max3A_326 {strides = array<i32>} : memref<128x128xf32, #tpu.memory_space<vmem>>, vector<16xf32>,
        %get3A_330 = arith.index_cast %scan3A_277 : i32 to index
        %get3A_331 = arith.constant 96 : index
        %get3A_332 = tpu.vector_load %arg16[%get3A_330, %get3A_331] {strides = array<i32>} : memref<128x128xf32, #tpu.memory_space<vmem>>, vector<16xf32>,
        %max3A_333 = arith.constant 0.000000e+00 : f32
        %max3A_334 = vector.broadcast %max3A_333 : f32 to vector<16xf32>
        %max3A_335 = arith.maximumf %get3A_332, %max3A_334 : vector<16xf32>
        %swap3A_336 = arith.index_cast %scan3A_277 : i32 to index
        %swap3A_337 = arith.constant 96 : index
        %swap3A_338 = tpu.vector_load %arg16[%swap3A_336, %swap3A_337] {strides = array<i32>} : memref<128x128xf32, #tpu.memory_space<vmem>>, vector<16xf32>,
        tpu.vector_store %arg16[%swap3A_336, %swap3A_337], %max3A_335 {strides = array<i32>} : memref<128x128xf32, #tpu.memory_space<vmem>>, vector<16xf32>,
        %get3A_339 = arith.index_cast %scan3A_277 : i32 to index
        %get3A_340 = arith.constant 112 : index
        %get3A_341 = tpu.vector_load %arg16[%get3A_339, %get3A_340] {strides = array<i32>} : memref<128x128xf32, #tpu.memory_space<vmem>>, vector<16xf32>,
        %max3A_342 = arith.constant 0.000000e+00 : f32
        %max3A_343 = vector.broadcast %max3A_342 : f32 to vector<16xf32>
        %max3A_344 = arith.maximumf %get3A_341, %max3A_343 : vector<16xf32>
        %swap3A_345 = arith.index_cast %scan3A_277 : i32 to index
        %swap3A_346 = arith.constant 112 : index
        %swap3A_347 = tpu.vector_load %arg16[%swap3A_345, %swap3A_346] {strides = array<i32>} : memref<128x128xf32, #tpu.memory_space<vmem>>, vector<16xf32>,
        tpu.vector_store %arg16[%swap3A_345, %swap3A_346], %max3A_344 {strides = array<i32>} : memref<128x128xf32, #tpu.memory_space<vmem>>, vector<16xf32>,
        %scan3A_348 = arith.constant 1 : i32
        %scan3A_349 = arith.addi %scan3A_277, %scan3A_348 : i32
        %get3A_350 = arith.index_cast %scan3A_349 : i32 to index
        %get3A_351 = arith.constant 0 : index
        %get3A_352 = tpu.vector_load %arg16[%get3A_350, %get3A_351] {strides = array<i32>} : memref<128x128xf32, #tpu.memory_space<vmem>>, vector<16xf32>,
        %max3A_353 = arith.constant 0.000000e+00 : f32
        %max3A_354 = vector.broadcast %max3A_353 : f32 to vector<16xf32>
        %max3A_355 = arith.maximumf %get3A_352, %max3A_354 : vector<16xf32>
        %swap3A_356 = arith.index_cast %scan3A_349 : i32 to index
        %swap3A_357 = arith.constant 0 : index
        %swap3A_358 = tpu.vector_load %arg16[%swap3A_356, %swap3A_357] {strides = array<i32>} : memref<128x128xf32, #tpu.memory_space<vmem>>, vector<16xf32>,
        tpu.vector_store %arg16[%swap3A_356, %swap3A_357], %max3A_355 {strides = array<i32>} : memref<128x128xf32, #tpu.memory_space<vmem>>, vector<16xf32>,
        %get3A_359 = arith.index_cast %scan3A_349 : i32 to index
        %get3A_360 = arith.constant 16 : index
        %get3A_361 = tpu.vector_load %arg16[%get3A_359, %get3A_360] {strides = array<i32>} : memref<128x128xf32, #tpu.memory_space<vmem>>, vector<16xf32>,
        %max3A_362 = arith.constant 0.000000e+00 : f32
        %max3A_363 = vector.broadcast %max3A_362 : f32 to vector<16xf32>
        %max3A_364 = arith.maximumf %get3A_361, %max3A_363 : vector<16xf32>
        %swap3A_365 = arith.index_cast %scan3A_349 : i32 to index
        %swap3A_366 = arith.constant 16 : index
        %swap3A_367 = tpu.vector_load %arg16[%swap3A_365, %swap3A_366] {strides = array<i32>} : memref<128x128xf32, #tpu.memory_space<vmem>>, vector<16xf32>,
        tpu.vector_store %arg16[%swap3A_365, %swap3A_366], %max3A_364 {strides = array<i32>} : memref<128x128xf32, #tpu.memory_space<vmem>>, vector<16xf32>,
        %get3A_368 = arith.index_cast %scan3A_349 : i32 to index
        %get3A_369 = arith.constant 32 : index
        %get3A_370 = tpu.vector_load %arg16[%get3A_368, %get3A_369] {strides = array<i32>} : memref<128x128xf32, #tpu.memory_space<vmem>>, vector<16xf32>,
        %max3A_371 = arith.constant 0.000000e+00 : f32
        %max3A_372 = vector.broadcast %max3A_371 : f32 to vector<16xf32>
        %max3A_373 = arith.maximumf %get3A_370, %max3A_372 : vector<16xf32>
        %swap3A_374 = arith.index_cast %scan3A_349 : i32 to index
        %swap3A_375 = arith.constant 32 : index
        %swap3A_376 = tpu.vector_load %arg16[%swap3A_374, %swap3A_375] {strides = array<i32>} : memref<128x128xf32, #tpu.memory_space<vmem>>, vector<16xf32>,
        tpu.vector_store %arg16[%swap3A_374, %swap3A_375], %max3A_373 {strides = array<i32>} : memref<128x128xf32, #tpu.memory_space<vmem>>, vector<16xf32>,
        %get3A_377 = arith.index_cast %scan3A_349 : i32 to index
        %get3A_378 = arith.constant 48 : index
        %get3A_379 = tpu.vector_load %arg16[%get3A_377, %get3A_378] {strides = array<i32>} : memref<128x128xf32, #tpu.memory_space<vmem>>, vector<16xf32>,
        %max3A_380 = arith.constant 0.000000e+00 : f32
        %max3A_381 = vector.broadcast %max3A_380 : f32 to vector<16xf32>
        %max3A_382 = arith.maximumf %get3A_379, %max3A_381 : vector<16xf32>
        %swap3A_383 = arith.index_cast %scan3A_349 : i32 to index
        %swap3A_384 = arith.constant 48 : index
        %swap3A_385 = tpu.vector_load %arg16[%swap3A_383, %swap3A_384] {strides = array<i32>} : memref<128x128xf32, #tpu.memory_space<vmem>>, vector<16xf32>,
        tpu.vector_store %arg16[%swap3A_383, %swap3A_384], %max3A_382 {strides = array<i32>} : memref<128x128xf32, #tpu.memory_space<vmem>>, vector<16xf32>,
        %get3A_386 = arith.index_cast %scan3A_349 : i32 to index
        %get3A_387 = arith.constant 64 : index
        %get3A_388 = tpu.vector_load %arg16[%get3A_386, %get3A_387] {strides = array<i32>} : memref<128x128xf32, #tpu.memory_space<vmem>>, vector<16xf32>,
        %max3A_389 = arith.constant 0.000000e+00 : f32
        %max3A_390 = vector.broadcast %max3A_389 : f32 to vector<16xf32>
        %max3A_391 = arith.maximumf %get3A_388, %max3A_390 : vector<16xf32>
        %swap3A_392 = arith.index_cast %scan3A_349 : i32 to index
        %swap3A_393 = arith.constant 64 : index
        %swap3A_394 = tpu.vector_load %arg16[%swap3A_392, %swap3A_393] {strides = array<i32>} : memref<128x128xf32, #tpu.memory_space<vmem>>, vector<16xf32>,
        tpu.vector_store %arg16[%swap3A_392, %swap3A_393], %max3A_391 {strides = array<i32>} : memref<128x128xf32, #tpu.memory_space<vmem>>, vector<16xf32>,
        %get3A_395 = arith.index_cast %scan3A_349 : i32 to index
        %get3A_396 = arith.constant 80 : index
        %get3A_397 = tpu.vector_load %arg16[%get3A_395, %get3A_396] {strides = array<i32>} : memref<128x128xf32, #tpu.memory_space<vmem>>, vector<16xf32>,
        %max3A_398 = arith.constant 0.000000e+00 : f32
        %max3A_399 = vector.broadcast %max3A_398 : f32 to vector<16xf32>
        %max3A_400 = arith.maximumf %get3A_397, %max3A_399 : vector<16xf32>
        %swap3A_401 = arith.index_cast %scan3A_349 : i32 to index
        %swap3A_402 = arith.constant 80 : index
        %swap3A_403 = tpu.vector_load %arg16[%swap3A_401, %swap3A_402] {strides = array<i32>} : memref<128x128xf32, #tpu.memory_space<vmem>>, vector<16xf32>,
        tpu.vector_store %arg16[%swap3A_401, %swap3A_402], %max3A_400 {strides = array<i32>} : memref<128x128xf32, #tpu.memory_space<vmem>>, vector<16xf32>,
        %get3A_404 = arith.index_cast %scan3A_349 : i32 to index
        %get3A_405 = arith.constant 96 : index
        %get3A_406 = tpu.vector_load %arg16[%get3A_404, %get3A_405] {strides = array<i32>} : memref<128x128xf32, #tpu.memory_space<vmem>>, vector<16xf32>,
        %max3A_407 = arith.constant 0.000000e+00 : f32
        %max3A_408 = vector.broadcast %max3A_407 : f32 to vector<16xf32>
        %max3A_409 = arith.maximumf %get3A_406, %max3A_408 : vector<16xf32>
        %swap3A_410 = arith.index_cast %scan3A_349 : i32 to index
        %swap3A_411 = arith.constant 96 : index
        %swap3A_412 = tpu.vector_load %arg16[%swap3A_410, %swap3A_411] {strides = array<i32>} : memref<128x128xf32, #tpu.memory_space<vmem>>, vector<16xf32>,
        tpu.vector_store %arg16[%swap3A_410, %swap3A_411], %max3A_409 {strides = array<i32>} : memref<128x128xf32, #tpu.memory_space<vmem>>, vector<16xf32>,
        %get3A_413 = arith.index_cast %scan3A_349 : i32 to index
        %get3A_414 = arith.constant 112 : index
        %get3A_415 = tpu.vector_load %arg16[%get3A_413, %get3A_414] {strides = array<i32>} : memref<128x128xf32, #tpu.memory_space<vmem>>, vector<16xf32>,
        %max3A_416 = arith.constant 0.000000e+00 : f32
        %max3A_417 = vector.broadcast %max3A_416 : f32 to vector<16xf32>
        %max3A_418 = arith.maximumf %get3A_415, %max3A_417 : vector<16xf32>
        %swap3A_419 = arith.index_cast %scan3A_349 : i32 to index
        %swap3A_420 = arith.constant 112 : index
        %swap3A_421 = tpu.vector_load %arg16[%swap3A_419, %swap3A_420] {strides = array<i32>} : memref<128x128xf32, #tpu.memory_space<vmem>>, vector<16xf32>,
        tpu.vector_store %arg16[%swap3A_419, %swap3A_420], %max3A_418 {strides = array<i32>} : memref<128x128xf32, #tpu.memory_space<vmem>>, vector<16xf32>,
      }
      %scan3A_255 = arith.constant 128 : i32
      %add3A_256 = arith.addi %mul3A_31, %mul3A_150 : i32
      %add3A_257 = arith.constant 384 : i32
      %add3A_258 = arith.addi %add3A_256, %add3A_257 : i32
      %dma_start3A_259 = arith.constant 0 : i32
      %dma_start3A_260 = tpu.memref_slice %arg9[%add3A_258, %dma_start3A_259] : memref<114688x128xf32, #tpu.memory_space<hbm>> -> memref<128x128xf32, #tpu.memory_space<hbm>>
      %dma_start3A_261 = arith.constant 0 : i32
      %dma_start3A_262 = tpu.memref_slice %arg9[%add3A_258, %dma_start3A_261] : memref<114688x128xf32, #tpu.memory_space<hbm>> -> memref<128x128xf32, #tpu.memory_space<hbm>>
      tpu.enqueue_dma source(%arg16 : memref<128x128xf32, #tpu.memory_space<vmem>>) target(%dma_start3A_262 : memref<128x128xf32, #tpu.memory_space<hbm>>) target_semaphore(%arg25 : memref<!tpu.dma_semaphore, #tpu.memory_space<semaphore_mem>>)
      %add3A_263 = arith.addi %mul3A_31, %mul3A_150 : i32
      %add3A_264 = arith.constant 256 : i32
      %add3A_265 = arith.addi %add3A_263, %add3A_264 : i32
      %dma_wait3A_266 = arith.constant 0 : i32
      %dma_wait3A_267 = tpu.memref_slice %arg9[%add3A_265, %dma_wait3A_266] : memref<114688x128xf32, #tpu.memory_space<hbm>> -> memref<128x128xf32, #tpu.memory_space<hbm>>
      %dma_wait3A_268 = arith.constant 0 : i32
      %dma_wait3A_269 = tpu.memref_slice %arg9[%add3A_265, %dma_wait3A_268] : memref<114688x128xf32, #tpu.memory_space<hbm>> -> memref<128x128xf32, #tpu.memory_space<hbm>>
      tpu.wait_dma2 semaphore(%arg24 : memref<!tpu.dma_semaphore, #tpu.memory_space<semaphore_mem>>) src(%arg15 : memref<128x128xf32, #tpu.memory_space<vmem>>) dst(%dma_wait3A_269 : memref<128x128xf32, #tpu.memory_space<hbm>>)
      %add3A_270 = arith.addi %mul3A_31, %mul3A_150 : i32
      %add3A_271 = arith.constant 384 : i32
      %add3A_272 = arith.addi %add3A_270, %add3A_271 : i32
      %dma_wait3A_273 = arith.constant 0 : i32
      %dma_wait3A_274 = tpu.memref_slice %arg9[%add3A_272, %dma_wait3A_273] : memref<114688x128xf32, #tpu.memory_space<hbm>> -> memref<128x128xf32, #tpu.memory_space<hbm>>
      %dma_wait3A_275 = arith.constant 0 : i32
      %dma_wait3A_276 = tpu.memref_slice %arg9[%add3A_272, %dma_wait3A_275] : memref<114688x128xf32, #tpu.memory_space<hbm>> -> memref<128x128xf32, #tpu.memory_space<hbm>>
      tpu.wait_dma2 semaphore(%arg25 : memref<!tpu.dma_semaphore, #tpu.memory_space<semaphore_mem>>) src(%arg16 : memref<128x128xf32, #tpu.memory_space<vmem>>) dst(%dma_wait3A_276 : memref<128x128xf32, #tpu.memory_space<hbm>>)
    }
    %scan3A_25 = arith.constant 7 : i32
    return
  }
}

module attributes {stable_mosaic.version = 14 : i64} {
  func.func @_mm_body(%arg0: i32, %arg1: memref<2000x128xf32, #tpu.memory_space<vmem>>, %arg2: memref<128x128xf32, #tpu.memory_space<vmem>>, %arg3: memref<1x128xf32, #tpu.memory_space<vmem>>, %arg4: memref<2000x128xf32, #tpu.memory_space<vmem>>) attributes {dimension_semantics = [#tpu.dimension_semantics<parallel>], iteration_bounds = array<i64: 50>, scalar_prefetch = 0 : i64, scratch_operands = 0 : i64, tpu.core_type = #tpu.core_type<tc>, window_params = [{transform_indices = @transform_0, window_bounds = array<i64: 2000, 128>}, {pipeline_mode = #tpu.pipeline_mode<synchronous>, transform_indices = @transform_1, window_bounds = array<i64: 128, 128>}, {pipeline_mode = #tpu.pipeline_mode<synchronous>, transform_indices = @transform_2, window_bounds = array<i64: 1, 128>}, {transform_indices = @transform_3, window_bounds = array<i64: 2000, 128>}]} {
    %get3A = arith.constant 0 : index
    %get3A_0 = arith.constant 0 : index
    %get3A_1 = vector.load %arg1[%get3A, %get3A_0] : memref<2000x128xf32, #tpu.memory_space<vmem>>, vector<2000x128xf32>
    %get3A_2 = arith.constant 0 : index
    %get3A_3 = arith.constant 0 : index
    %get3A_4 = vector.load %arg2[%get3A_2, %get3A_3] : memref<128x128xf32, #tpu.memory_space<vmem>>, vector<128x128xf32>
    %dot_general3A = arith.constant dense<0.000000e+00> : vector<2000x128xf32>
    %dot_general3A_5 = tpu.matmul %get3A_1, %get3A_4, %dot_general3A {dimension_numbers = #tpu.dot_dimension_numbers<[1], [0], [0], [1], [0, 0, 1, 1], [], []>, transpose_lhs_hint = false} : vector<2000x128xf32>, vector<128x128xf32>, vector<2000x128xf32> -> vector<2000x128xf32>
    %get3A_6 = arith.constant 0 : index
    %get3A_7 = arith.constant 0 : index
    %get3A_8 = vector.load %arg3[%get3A_6, %get3A_7] : memref<1x128xf32, #tpu.memory_space<vmem>>, vector<1x128xf32>
    %add3A = vector.broadcast %get3A_8 : vector<1x128xf32> to vector<2000x128xf32>
    %add3A_9 = arith.addf %dot_general3A_5, %add3A : vector<2000x128xf32>
    %swap3A = arith.constant 0 : index
    %swap3A_10 = arith.constant 0 : index
    %swap3A_11 = vector.load %arg4[%swap3A, %swap3A_10] : memref<2000x128xf32, #tpu.memory_space<vmem>>, vector<2000x128xf32>
    tpu.vector_store %arg4[%swap3A, %swap3A_10], %add3A_9 {strides = array<i32>} : memref<2000x128xf32, #tpu.memory_space<vmem>>, vector<2000x128xf32>,
    return
  }
  func.func @transform_0(%arg0: i32) -> (i32, i32) {
    %c0_i32 = arith.constant 0 : i32
    %c0_i32_0 = arith.constant 0 : i32
    return %arg0, %c0_i32 : i32, i32
  }
  func.func @transform_1(%arg0: i32) -> (i32, i32) {
    %c0_i32 = arith.constant 0 : i32
    %c0_i32_0 = arith.constant 0 : i32
    %c0_i32_1 = arith.constant 0 : i32
    return %c0_i32, %c0_i32_0 : i32, i32
  }
  func.func @transform_2(%arg0: i32) -> (i32, i32) {
    %c0_i32 = arith.constant 0 : i32
    %c0_i32_0 = arith.constant 0 : i32
    %c0_i32_1 = arith.constant 0 : i32
    return %c0_i32, %c0_i32_0 : i32, i32
  }
  func.func @transform_3(%arg0: i32) -> (i32, i32) {
    %c0_i32 = arith.constant 0 : i32
    %c0_i32_0 = arith.constant 0 : i32
    return %arg0, %c0_i32 : i32, i32
  }
}

</mosaic_0001>

<sc_bundles>
// kernel: kernel.6.cloned.1.call-start
scs
__scs_entry_jumppad:
0x0: {  	(pc) =	sbr.rel $0x88, $3  }
0x1: {  	(tag) =	ssettag $0x0;
	lr =	simm.s32 $0x1  }
0x2: {  	[smem:$0x3F96] =	sst lr;
	_ =	strace $0xD0000000  }
0x3: {  	_ = 	snop  }
0x4: {  	_ = 	snop  }
0x5: {  	_ = 	snop  }
0x6: {  	_ = 	snop  }
0x7: {  	_ = 	snop  }
__scs_overlays_trampoline_lowered:
0x8: {  	[smem:$0x3FA5] =	sst s0  }
0x9: {  	[smem:$0x3FA6] =	sst s1  }
0xa: {  	[smem:$0x3FA7] =	sst s2  }
0xb: {  	[smem:$0x3FA8] =	sst s3  }
0xc: {  	[smem:$0x3FA9] =	sst s4  }
0xd: {  	[smem:$0x3FAA] =	sst s5  }
0xe: {  	[smem:$0x3FAB] =	sst s6  }
0xf: {  	[smem:$0x3FAC] =	sst s7  }
0x10: {  	[smem:$0x3FAD] =	sst s8  }
0x11: {  	[smem:$0x3FAE] =	sst s9;
	s0 =	simm.s32 @!p0 $0x0  }
0x12: {  	s1 =	sld [smem:$0x3F94];
	s0 =	simm.s32 @p0 $0x1  }
0x13: {  	[smem:$0x3FAF] =	sst s0;
	s0 =	simm.s32 @!p1 $0x0  }
0x14: {  	s2 =	sld [smem:$0x3F93];
	s0 =	simm.s32 @p1 $0x1  }
0x15: {  	[smem:$0x3FB0] =	sst s0;
	s0 =	simm.s32 @!p2 $0x0  }
0x16: {  	s3 =	sld [smem:$0x3FDB];
	s0 =	simm.s32 @p2 $0x1  }
0x17: {  	s4 =	simm.s32 $0x1BF5;
	[smem:$0x3FB2] =	sst s0  }
0x18: {  	s0 =	sld [smem:$0x3F95];
	_ =	swait.ge [sflag:s4], $0x0  }
0x19: {  	s7 =	sld [smem:$0x3F96]  }
0x1a: {  	s8 =	sadd.s32 $0xFFFFE003, lr  }
0x1b: {  	s9 =	sadd.s32 $0xFFFFFEF7, lr;
	s5 =	simm.s32 $0xFFFFFFFF;
	p2 =	slt.u32 s8, $0xFFFFF086  }
0x1c: {  	p1 =	slt.u32 s9, $0xF7A;
	s5 =	simm.s32 @!p2 $0x0  }
0x1d: {  	s5 =	simm.s32 @p1 $0x1;
	p0 =	seq.s32 s7, s2  }
0x1e: {  	s7 =	smul.u32 @!p0 $0xF7A, s2;
	p2 =	seq.s32 @!p0 s5, $0x0  }
0x1f: {  	s9 =	smul.u32 $0xF7A, s1;
	s8 =	simm.s32 @!p0 $0x1BF5;
	p2 =	por !p2, p0  }
0x20: {  	[sflag:s8] =	ssyncset.s32 @!p0 $0xFFFFF086;
	s6 =	sadd.s32 @!p0 s3, s7;
	s7 =	simm.s32 @!p0 $0x108  }
0x21: {  	s3 =	sadd.s32 s3, s9;
	s6 =	sadd.s32 @!p0 $0x88, s6;
	s7 =	simm.s32 @p2 $0x1082  }
0x22: {  	[simem:s7], [sflag:s8] =	dma.local @!p0 [hbm:s6], $0xF7A  }
0x23: {  	s9 =	sor.u32 $0xD0000000, s2;
	s6 =	simm.s32 $0x108;
	_ =	swait.ge @!p0 [sflag:s8], $0x0  }
0x24: {  	s3 =	sadd.s32 $0x88, s3;
	s6 =	simm.s32 @!p1 $0x1082;
	[sflag:s4] =	ssyncset.s32 $0xFFFFF086  }
0x25: {  	[simem:s6], [sflag:s4] =	dma.local [hbm:s3], $0xF7A  }
0x26: {  	[smem:$0x3F96] =	sst s1;
	(tag) =	ssettag s2;
	_ =	strace s9  }
0x27: {  	s1 =	sld [smem:$0x3FA6]  }
0x28: {  	s2 =	sld [smem:$0x3FA7]  }
0x29: {  	s4 =	sld [smem:$0x3FA9]  }
0x2a: {  	p0 =	seq.s32 s5, $0x0;
	s5 =	sld [smem:$0x3FAA]  }
0x2b: {  	s6 =	sld [smem:$0x3FAB]  }
0x2c: {  	s7 =	sld [smem:$0x3FAC]  }
0x2d: {  	s3 =	simm.s32 $0x108;
	s8 =	sld [smem:$0x3FAD]  }
0x2e: {  	s3 =	simm.s32 @!p0 $0x1082;
	s9 =	sld [smem:$0x3FAE]  }
0x2f: {  	lr =	sadd.s32 s0, s3;
	s0 =	sld [smem:$0x3FA5]  }
0x30: {  	s3 =	sld [smem:$0x3FA8]  }
0x31: {  	[smem:$0x3FB1] =	sst s10  }
0x32: {  	s10 =	sld [smem:$0x3FAF];
	_ =	sdelay $0x3  }
0x33: {  	p0 =	seq.s32 s10, $0x1;
	s10 =	sld [smem:$0x3FB1];
	_ =	sdelay $0x3  }
0x34: {  	[smem:$0x3FB1] =	sst s10  }
0x35: {  	s10 =	sld [smem:$0x3FB0];
	_ =	sdelay $0x3  }
0x36: {  	p1 =	seq.s32 s10, $0x1;
	s10 =	sld [smem:$0x3FB1];
	_ =	sdelay $0x3  }
0x37: {  	[smem:$0x3FB1] =	sst s10  }
0x38: {  	s10 =	sld [smem:$0x3FB2]  }
0x39: {  	_ = 	snop;
	(pc) =	sbr.ind lr, $3  }
0x3a: {  	_ = 	snop  }
0x3b: {  	_ = 	snop  }
0x3c: {  	p2 =	seq.s32 s10, $0x1;
	s10 =	sld [smem:$0x3FB1]  }
0x3d: {  	_ =	shalt  }
0x3e: {  	_ =	shalt  }
0x3f: {  	_ =	shalt  }
0x40: {  	_ =	shalt  }
0x41: {  	_ =	shalt  }
0x42: {  	_ =	shalt  }
0x43: {  	_ =	shalt  }
0x44: {  	_ =	shalt  }
0x45: {  	_ =	shalt  }
0x46: {  	_ =	shalt  }
0x47: {  	_ =	shalt  }
0x48: {  	_ =	shalt  }
0x49: {  	_ =	shalt  }
0x4a: {  	_ =	shalt  }
0x4b: {  	_ =	shalt  }
0x4c: {  	_ =	shalt  }
0x4d: {  	_ =	shalt  }
0x4e: {  	_ =	shalt  }
0x4f: {  	_ =	shalt  }
0x50: {  	_ =	shalt  }
0x51: {  	_ =	shalt  }
0x52: {  	_ =	shalt  }
0x53: {  	_ =	shalt  }
0x54: {  	_ =	shalt  }
0x55: {  	_ =	shalt  }
0x56: {  	_ =	shalt  }
0x57: {  	_ =	shalt  }
0x58: {  	_ =	shalt  }
0x59: {  	_ =	shalt  }
0x5a: {  	_ =	shalt  }
0x5b: {  	_ =	shalt  }
0x5c: {  	_ =	shalt  }
0x5d: {  	_ =	shalt  }
0x5e: {  	_ =	shalt  }
0x5f: {  	_ =	shalt  }
0x60: {  	_ =	shalt  }
0x61: {  	_ =	shalt  }
0x62: {  	_ =	shalt  }
0x63: {  	_ =	shalt  }
0x64: {  	_ =	shalt  }
0x65: {  	_ =	shalt  }
0x66: {  	_ =	shalt  }
0x67: {  	_ =	shalt  }
0x68: {  	_ =	shalt  }
0x69: {  	_ =	shalt  }
0x6a: {  	_ =	shalt  }
0x6b: {  	_ =	shalt  }
0x6c: {  	_ =	shalt  }
0x6d: {  	_ =	shalt  }
0x6e: {  	_ =	shalt  }
0x6f: {  	_ =	shalt  }
0x70: {  	_ =	shalt  }
0x71: {  	_ =	shalt  }
0x72: {  	_ =	shalt  }
0x73: {  	_ =	shalt  }
0x74: {  	_ =	shalt  }
0x75: {  	_ =	shalt  }
0x76: {  	_ =	shalt  }
0x77: {  	_ =	shalt  }
0x78: {  	_ =	shalt  }
0x79: {  	_ =	shalt  }
0x7a: {  	_ =	shalt  }
0x7b: {  	_ =	shalt  }
0x7c: {  	_ =	shalt  }
0x7d: {  	_ =	shalt  }
0x7e: {  	_ =	shalt  }
0x7f: {  	_ =	shalt  }
0x80: {  	_ =	shalt  }
0x81: {  	_ =	shalt  }
0x82: {  	_ =	shalt  }
0x83: {  	_ =	shalt  }
0x84: {  	_ =	shalt  }
0x85: {  	_ =	shalt  }
0x86: {  	_ =	shalt  }
0x87: {  	_ =	shalt  }
.Lfunc_end0:
.L_simem_size_0:
called_computation_lowered:
.L_overlay_start_0:
0x88: {  	s2 =	sld [smem:$0x3FD9]  }
0x89: {  	s3 =	sld [smem:$0x3FFE];
	_ =	sdelay $0x1  }
0x8a: {  	s1 =	srdreg.scid  }
0x8b: {  	s0 =	sand.u32 $0x1, s1  }
0x8c: {  	s16 =	sshll.u32 s0, $0xA;
	s2 =	sadd.s32 s3, s2  }
0x8d: {  	s2 =	sadd.s32 s2, s16  }
0x8e: {  	[smem:$0x3FBD] =	sst s2  }
0x8f: {  	_ = 	snop  }
0x90: {  	(tm) =	ssettm $0x1  }
0x91: {  	s17 =	sld [smem:$0x3FFB];
	_ =	sdelay $0x3  }
0x92: {  	_ =	strace s17  }
0x93: {  	s2 =	sld [smem:$0x3FFC];
	_ =	sdelay $0x3  }
0x94: {  	_ =	strace s2  }
0x95: {  	s2 =	sld [smem:$0x3FFD];
	_ =	sdelay $0x3  }
0x96: {  	_ =	strace s2  }
0x97: {  	_ =	strace $0x8FFFFFFF  }
0x98: {  	s18 =	sld [smem:$0x3FDB];
	_ =	sdelay $0x1  }
0x99: {  	s19 =	simm.s32 $_scs_section_size  }
0x9a: {  	s4 =	simm.s32 $_size__tile_overlayer_lowered;
	s5 =	simm.s32 $_tile_overlayer_lowered  }
0x9b: {  	s22 =	simm.s32 $0x1BFF;
	s21 =	sshll.u32 s5, $0x1;
	s2 =	sadd.s32 s19, s18  }
0x9c: {  	s6 =	simm.s32 $0x0;
	s20 =	sshll.u32 s4, $0x1;
	s4 =	sadd.s32 s21, s2  }
0x9d: {  	[timem:s6], [sflag:s22] =	dma.local [hbm:s4], s20  }
0x9e: {  	_ =	swait.ge [sflag:s22], s20  }
0x9f: {  	s3 =	ssub.s32 $0x0, s20;
	[sflag:s22] =	ssyncset.done $0x0  }
0xa0: {  	[sflag:s22] =	ssyncadd.s32 s3;
	_ =	sdelay $0x1  }
0xa1: {  	s23 =	simm.s32 $0x1B8B  }
0xa2: {  	_ =	swait.ge [sflag:s23], $0x1  }
0xa3: {  	[sflag:s23] =	ssyncset.done $0x0  }
0xa4: {  	s25 =	simm.s32 $0x1B8E;
	s24 =	sld [smem:$0x3FFE];
	[sflag:s23] =	ssyncadd.s32 $0xFFFFFFFF  }
0xa5: {  	s26 =	simm.s32 $execute0_lowered;
	[smem:$0x3FD2] =	sst s25  }
0xa6: {  	s4 =	sshll.u32 s26, $0x1;
	_ =	strace $0x80000046;
	[dreg:$0x1] =	wrdreg $0xFFFFFFFF  }
0xa7: {  	s28 =	simm.s32 $_size_execute0_lowered;
	s2 =	sadd.s32 s2, s4;
	[dreg:$0x0] =	wrdreg $0x0  }
0xa8: {  	s4 =	sshll.u32 s28, $0x1;
	[dreg:$0x2] =	wrdreg s2  }
0xa9: {  	[dreg:$0x3] =	wrdreg s4  }
0xaa: {  	[dreg:$0x4] =	wrdreg $0xC0  }
0xab: {  	_ =	task [dreg:s6], $0x5FFFF  }
0xac: {  	[dreg:$0x1] =	wrdreg $0xFFFFFFFF  }
0xad: {  	[dreg:$0x0] =	wrdreg $0x60  }
0xae: {  	[dreg:$0x2] =	wrdreg s24  }
0xaf: {  	[dreg:$0x3] =	wrdreg $0xBB800  }
0xb0: {  	[dreg:$0x4] =	wrdreg $0x9  }
0xb1: {  	_ =	task.clear_ibuf [dreg:s6], $0x5FFFF;
	_ =	strace $0x90000046  }
0xb2: {  	s29 =	simm.s32 $0x9;
	_ =	strace $0x80000048  }
0xb3: {  	_ =	swait.ge [sflag:s29], $0x1  }
0xb4: {  	[sflag:s29] =	ssyncadd.s32 $0xFFFFFFFF  }
0xb5: {  	_ =	strace $0x90000048  }
0xb6: {  	_ =	sfence  }
0xb7: {  	s30 =	sld [smem:$0x0];
	_ =	sdelay $0x2  }
0xb8: {  	s31 =	sshll.u32 s1, $0xD;
	s1 =	sshrl.u32 s1, $0x2  }
0xb9: {  	s3 =	sand.u32 $0x4000, s31;
	s1 =	sadd.s32 s1, s30  }
0xba: {  	s0 =	sor.u32 s3, s0;
	s1 =	sshll.u32 s1, $0x11  }
0xbb: {  	s0 =	sor.u32 s1, s0  }
0xbc: {  	s0 =	sadd.s32 $0x8F2B, s0  }
0xbd: {  	[sflag:s0] =	ssyncadd.remote.s32 $0x1  }
0xbe: {  	_ =	sfence.sel $0xFFFF  }
0xbf: {  	[dreg:$0x0] =	wrdreg $0xFFFFFFFF;
	(pc) =	sbr.abs _section_cstart, $3  }
0xc0: {  	[dreg:$0x1] =	wrdreg $0xFFFFFFFF  }
0xc1: {  	_ =	task.clear_ibuf [dreg:s6], $0x2FFFF;
	_ =	strace $0x9FFFFFFF  }
0xc2: {  	(tm) =	ssettm $0x7FFFFFFF  }
0xc3: {  	_ =	shalt  }
tec
execute0_lowered:
.L_overlay_start_1:
0x0: {  	(tag) =	ssettag $0x1  }
0x1: {  	s0 =	rddreg [dreg:$0x0]  }
0x2: {  	s2 =	rddreg [dreg:$0x1]  }
0x3: {  	s1 =	simm.s32 $0x0;
	s3 =	srdreg.scid;
	s6 =	stileid.u32  }
0x4: {  	[smem:$0x7FF] =	sst s1;
	s3 =	sand.u32 $0x1, s3;
	s4 =	sadd.s32 $0x1AE000, s0  }
0x5: {  	s5 =	sadd.s32 $0x36E000, s0;
	_ =	strace $0x80000047;
	[dreg:$0x3] =	wrdreg s4  }
0x6: {  	s30 =	sshll.u32 s6, $0x10;
	s7 =	sadd.s32 $0x1AF800, s0;
	[dreg:$0x4] =	wrdreg s5  }
0x7: {  	s31 =	sshll.u32 s6, $0xD;
	s8 =	sadd.s32 $0x1AF000, s0;
	[dreg:$0x7] =	wrdreg s7  }
0x8: {  	s11 =	sadd.s32 $0x36E800, s0;
	s12 =	sadd.s32 $0x36F000, s0;
	[dreg:$0x8] =	wrdreg s8  }
0x9: {  	s26 =	ssub.s32 $0x2, s3;
	s3 =	sshll.u32 s3, $0x11;
	[dreg:$0x9] =	wrdreg s11  }
0xa: {  	s5 =	sadd.s32 s30, s2;
	[dreg:$0xa] =	wrdreg s12;
	s2 =	sor.u32 s31, s3  }
0xb: {  	s3 =	sadd.s32 $0x1AE800, s0;
	[dreg:$0x5] =	wrdreg s2  }
0xc: {  	s0 =	sadd.s32 $0x36F800, s0;
	[dreg:$0x6] =	wrdreg s3  }
0xd: {  	s14 =	sadd.s32 $0x800, s5;
	[dreg:$0xb] =	wrdreg s0  }
0xe: {  	s15 =	sadd.s32 $0x1000, s5;
	[dreg:$0xd] =	wrdreg s14  }
0xf: {  	s28 =	simm.s32 $0x0;
	s16 =	sadd.s32 $0x1800, s5;
	[dreg:$0xe] =	wrdreg s15  }
0x10: {  	s25 =	sshll.u32 s6, $0xA;
	s17 =	sadd.s32 $0x2000, s5;
	[dreg:$0xf] =	wrdreg s16  }
0x11: {  	s29 =	sshrl.u32 s26, $0x1;
	s18 =	sadd.s32 $0x2800, s5;
	[dreg:$0x10] =	wrdreg s17  }
0x12: {  	s6 =	sadd.s32 $0x4000, s5;
	s19 =	sadd.s32 $0x3000, s5;
	[dreg:$0x11] =	wrdreg s18  }
0x13: {  	s9 =	sadd.s32 $0x8000, s5;
	s20 =	sadd.s32 $0x3800, s5;
	[dreg:$0x12] =	wrdreg s19  }
0x14: {  	s10 =	sadd.s32 $0xC000, s5;
	s21 =	sadd.s32 $0x4800, s5;
	[dreg:$0x13] =	wrdreg s20  }
0x15: {  	s22 =	sadd.s32 $0x5000, s5;
	s23 =	sadd.s32 $0x5800, s5;
	[dreg:$0x14] =	wrdreg s21  }
0x16: {  	s24 =	sadd.s32 $0x6000, s5;
	s30 =	sadd.s32 $0x7800, s5;
	[dreg:$0x15] =	wrdreg s22  }
0x17: {  	s31 =	sadd.s32 $0x8800, s5;
	s8 =	sadd.s32 $0xB000, s5;
	[dreg:$0x16] =	wrdreg s23  }
0x18: {  	s11 =	sadd.s32 $0xB800, s5;
	s12 =	sadd.s32 $0xC800, s5;
	[dreg:$0x17] =	wrdreg s24  }
0x19: {  	s7 =	sadd.s32 $0xE800, s5;
	s4 =	ssub.s32 s26, s29;
	[dreg:$0x1a] =	wrdreg s30  }
0x1a: {  	s26 =	sadd.s32 $0x6800, s5;
	s29 =	sadd.s32 $0x7000, s5;
	[dreg:$0x1b] =	wrdreg s31  }
0x1b: {  	v0 =	vlaneseq.u32;
	s2 =	sadd.s32 $0x9000, s5;
	s16 =	sadd.s32 $0x9800, s5;
	s3 =	sadd.s32 $0xA000, s5  }
0x1c: {  	v0 =	vmul.u32 $0x20040, v0;
	s14 =	sadd.s32 $0xD800, s5;
	s15 =	sadd.s32 $0xE000, s5;
	s17 =	sadd.s32 $0xF000, s5  }
0x1d: {  	s18 =	sadd.s32 $0xF800, s5;
	s19 =	simm.s32 $0xB380;
	s20 =	simm.s32 $0x3  }
0x1e: {  	v0 =	vor.u32 $0x40000000, v0;
	s21 =	simm.s32 $0x3380;
	s22 =	simm.s32 $0x7380;
	s23 =	simm.s32 $0x1  }
0x1f: {  	s24 =	simm.s32 $0x4;
	v0 =	vor.u32 s25, v0;
	s25 =	simm.s32 $0x2;
	[dreg:$0x18] =	wrdreg s26  }
0x20: {  	s13 =	smax.u32 s4, $0x1;
	[dreg:$0x19] =	wrdreg s29;
	s4 =	sadd.s32 $0xA800, s5  }
0x21: {  	v1 =	vimm.f32 $0.0e+00;
	s26 =	simm.s32 $0x5;
	[dreg:$0xc] =	wrdreg s13;
	s13 =	sadd.s32 $0xD000, s5  }
.LBB2_1:
0x22: {  	[dreg:$0x1c] =	wrdreg s28;
	s0 =	simm.s32 $0x0;
	s28 =	simm.s32 $0x0  }
.LBB2_2:
0x23: {  	p0 =	sne.s32 s28, $0x1FC0  }
.Ltmp0:
0x24: {  	_ = 	snop;
	(pc) =	sbr.rel @p0 .LBB2_2-.Ltmp0, $4  }
0x25: {  	s29 =	sand.u32 $0x1E00, s28  }
0x26: {  	s30 =	sand.u32 $0x70, s0;
	s29 =	sshrl.u32 s29, $0x2  }
0x27: {  	s29 =	sor.u32 s30, s29  }
0x28: {  	s0 =	sadd.s32 $0x10, s0;
	s28 =	sadd.s32 $0x40, s28;
	[tilespmem:s29+$0xB380] =	vst v1  }
0x29: {  	s29 =	simm.s32 $0x0  }
.LBB2_4:
0x2a: {  	[spmem:s5] =	stream.linear.scatter [tilespmem:s19], [sflag:$0x3], $0x800, $0x38;
	[tilespmem:$0x1BC00] =	vst v63  }
0x2b: {  	s0 =	rddreg [dreg:$0xd]  }
0x2c: {  	[spmem:s0] =	stream.linear.scatter [tilespmem:s19], [sflag:$0x3], $0x800, $0x38;
	[tilespmem:$0x1BC00] =	vst v63  }
0x2d: {  	s0 =	rddreg [dreg:$0xe]  }
0x2e: {  	[spmem:s0] =	stream.linear.scatter [tilespmem:s19], [sflag:$0x3], $0x800, $0x38;
	[tilespmem:$0x1BC00] =	vst v63  }
0x2f: {  	s0 =	rddreg [dreg:$0xf]  }
0x30: {  	[spmem:s0] =	stream.linear.scatter [tilespmem:s19], [sflag:$0x3], $0x800, $0x38;
	[tilespmem:$0x1BC00] =	vst v63  }
0x31: {  	s0 =	rddreg [dreg:$0x10]  }
0x32: {  	[spmem:s0] =	stream.linear.scatter [tilespmem:s19], [sflag:$0x3], $0x800, $0x38;
	[tilespmem:$0x1BC00] =	vst v63  }
0x33: {  	s0 =	rddreg [dreg:$0x11]  }
0x34: {  	[spmem:s0] =	stream.linear.scatter [tilespmem:s19], [sflag:$0x3], $0x800, $0x38;
	[tilespmem:$0x1BC00] =	vst v63  }
0x35: {  	s0 =	rddreg [dreg:$0x12]  }
0x36: {  	[spmem:s0] =	stream.linear.scatter [tilespmem:s19], [sflag:$0x3], $0x800, $0x38;
	[tilespmem:$0x1BC00] =	vst v63  }
0x37: {  	s0 =	rddreg [dreg:$0x13]  }
0x38: {  	[spmem:s0] =	stream.linear.scatter [tilespmem:s19], [sflag:$0x3], $0x800, $0x38;
	[tilespmem:$0x1BC00] =	vst v63  }
0x39: {  	_ = 	snop  }
0x3a: {  	[spmem:s6] =	stream.linear.scatter [tilespmem:s19], [sflag:$0x3], $0x800, $0x38;
	[tilespmem:$0x1BC00] =	vst v63  }
0x3b: {  	s0 =	rddreg [dreg:$0x14]  }
0x3c: {  	[spmem:s0] =	stream.linear.scatter [tilespmem:s19], [sflag:$0x3], $0x800, $0x38;
	[tilespmem:$0x1BC00] =	vst v63  }
0x3d: {  	s0 =	rddreg [dreg:$0x15]  }
0x3e: {  	[spmem:s0] =	stream.linear.scatter [tilespmem:s19], [sflag:$0x3], $0x800, $0x38;
	[tilespmem:$0x1BC00] =	vst v63  }
0x3f: {  	s0 =	rddreg [dreg:$0x16]  }
0x40: {  	[spmem:s0] =	stream.linear.scatter [tilespmem:s19], [sflag:$0x3], $0x800, $0x38;
	[tilespmem:$0x1BC00] =	vst v63  }
0x41: {  	s0 =	rddreg [dreg:$0x17]  }
0x42: {  	[spmem:s0] =	stream.linear.scatter [tilespmem:s19], [sflag:$0x3], $0x800, $0x38;
	[tilespmem:$0x1BC00] =	vst v63  }
0x43: {  	s0 =	rddreg [dreg:$0x18]  }
0x44: {  	[spmem:s0] =	stream.linear.scatter [tilespmem:s19], [sflag:$0x3], $0x800, $0x38;
	[tilespmem:$0x1BC00] =	vst v63  }
0x45: {  	s0 =	rddreg [dreg:$0x19]  }
0x46: {  	[spmem:s0] =	stream.linear.scatter [tilespmem:s19], [sflag:$0x3], $0x800, $0x38;
	[tilespmem:$0x1BC00] =	vst v63  }
0x47: {  	s0 =	rddreg [dreg:$0x1a]  }
0x48: {  	[spmem:s0] =	stream.linear.scatter [tilespmem:s19], [sflag:$0x3], $0x800, $0x38;
	[tilespmem:$0x1BC00] =	vst v63  }
0x49: {  	_ = 	snop  }
0x4a: {  	[spmem:s9] =	stream.linear.scatter [tilespmem:s19], [sflag:$0x3], $0x800, $0x38;
	[tilespmem:$0x1BC00] =	vst v63  }
0x4b: {  	s0 =	rddreg [dreg:$0x1b]  }
0x4c: {  	[spmem:s0] =	stream.linear.scatter [tilespmem:s19], [sflag:$0x3], $0x800, $0x38;
	[tilespmem:$0x1BC00] =	vst v63  }
0x4d: {  	_ = 	snop  }
0x4e: {  	[spmem:s2] =	stream.linear.scatter [tilespmem:s19], [sflag:$0x3], $0x800, $0x38;
	[tilespmem:$0x1BC00] =	vst v63  }
0x4f: {  	_ = 	snop  }
0x50: {  	[spmem:s16] =	stream.linear.scatter [tilespmem:s19], [sflag:$0x3], $0x800, $0x38;
	[tilespmem:$0x1BC00] =	vst v63  }
0x51: {  	_ = 	snop  }
0x52: {  	[spmem:s3] =	stream.linear.scatter [tilespmem:s19], [sflag:$0x3], $0x800, $0x38;
	[tilespmem:$0x1BC00] =	vst v63  }
0x53: {  	_ = 	snop  }
0x54: {  	[spmem:s4] =	stream.linear.scatter [tilespmem:s19], [sflag:$0x3], $0x800, $0x38;
	[tilespmem:$0x1BC00] =	vst v63  }
0x55: {  	_ = 	snop  }
0x56: {  	[spmem:s8] =	stream.linear.scatter [tilespmem:s19], [sflag:$0x3], $0x800, $0x38;
	[tilespmem:$0x1BC00] =	vst v63  }
0x57: {  	_ = 	snop  }
0x58: {  	[spmem:s11] =	stream.linear.scatter [tilespmem:s19], [sflag:$0x3], $0x800, $0x38;
	[tilespmem:$0x1BC00] =	vst v63  }
0x59: {  	_ = 	snop  }
0x5a: {  	[spmem:s10] =	stream.linear.scatter [tilespmem:s19], [sflag:$0x3], $0x800, $0x38;
	[tilespmem:$0x1BC00] =	vst v63  }
0x5b: {  	_ = 	snop  }
0x5c: {  	[spmem:s12] =	stream.linear.scatter [tilespmem:s19], [sflag:$0x3], $0x800, $0x38;
	[tilespmem:$0x1BC00] =	vst v63  }
0x5d: {  	_ = 	snop  }
0x5e: {  	[spmem:s13] =	stream.linear.scatter [tilespmem:s19], [sflag:$0x3], $0x800, $0x38;
	[tilespmem:$0x1BC00] =	vst v63  }
0x5f: {  	_ = 	snop  }
0x60: {  	[spmem:s14] =	stream.linear.scatter [tilespmem:s19], [sflag:$0x3], $0x800, $0x38;
	[tilespmem:$0x1BC00] =	vst v63  }
0x61: {  	_ = 	snop  }
0x62: {  	[spmem:s15] =	stream.linear.scatter [tilespmem:s19], [sflag:$0x3], $0x800, $0x38;
	[tilespmem:$0x1BC00] =	vst v63  }
0x63: {  	_ = 	snop  }
0x64: {  	[spmem:s7] =	stream.linear.scatter [tilespmem:s19], [sflag:$0x3], $0x800, $0x38;
	[tilespmem:$0x1BC00] =	vst v63  }
0x65: {  	_ = 	snop  }
0x66: {  	[spmem:s17] =	stream.linear.scatter [tilespmem:s19], [sflag:$0x3], $0x800, $0x38;
	[tilespmem:$0x1BC00] =	vst v63  }
0x67: {  	_ = 	snop  }
0x68: {  	[spmem:s18] =	stream.linear.scatter [tilespmem:s19], [sflag:$0x3], $0x800, $0x38;
	[tilespmem:$0x1BC00] =	vst v63  }
0x69: {  	_ =	swait.ge [sflag:s20], $0x800  }
0x6a: {  	[sflag:s20] =	ssyncset.done $0x0  }
0x6b: {  	[sflag:s20] =	ssyncadd.s32 $0xFFFFF800  }
0x6c: {  	_ =	swait.ge [sflag:s20], $0x800  }
0x6d: {  	[sflag:s20] =	ssyncset.done $0x0  }
0x6e: {  	[sflag:s20] =	ssyncadd.s32 $0xFFFFF800  }
0x6f: {  	_ =	swait.ge [sflag:s20], $0x800  }
0x70: {  	[sflag:s20] =	ssyncset.done $0x0  }
0x71: {  	[sflag:s20] =	ssyncadd.s32 $0xFFFFF800  }
0x72: {  	_ =	swait.ge [sflag:s20], $0x800  }
0x73: {  	[sflag:s20] =	ssyncset.done $0x0  }
0x74: {  	[sflag:s20] =	ssyncadd.s32 $0xFFFFF800  }
0x75: {  	_ =	swait.ge [sflag:s20], $0x800  }
0x76: {  	[sflag:s20] =	ssyncset.done $0x0  }
0x77: {  	[sflag:s20] =	ssyncadd.s32 $0xFFFFF800  }
0x78: {  	_ =	swait.ge [sflag:s20], $0x800  }
0x79: {  	[sflag:s20] =	ssyncset.done $0x0  }
0x7a: {  	[sflag:s20] =	ssyncadd.s32 $0xFFFFF800  }
0x7b: {  	_ =	swait.ge [sflag:s20], $0x800  }
0x7c: {  	[sflag:s20] =	ssyncset.done $0x0  }
0x7d: {  	[sflag:s20] =	ssyncadd.s32 $0xFFFFF800  }
0x7e: {  	_ =	swait.ge [sflag:s20], $0x800  }
0x7f: {  	[sflag:s20] =	ssyncset.done $0x0  }
0x80: {  	[sflag:s20] =	ssyncadd.s32 $0xFFFFF800  }
0x81: {  	_ =	swait.ge [sflag:s20], $0x800  }
0x82: {  	[sflag:s20] =	ssyncset.done $0x0  }
0x83: {  	[sflag:s20] =	ssyncadd.s32 $0xFFFFF800  }
0x84: {  	_ =	swait.ge [sflag:s20], $0x800  }
0x85: {  	[sflag:s20] =	ssyncset.done $0x0  }
0x86: {  	[sflag:s20] =	ssyncadd.s32 $0xFFFFF800  }
0x87: {  	_ =	swait.ge [sflag:s20], $0x800  }
0x88: {  	[sflag:s20] =	ssyncset.done $0x0  }
0x89: {  	[sflag:s20] =	ssyncadd.s32 $0xFFFFF800  }
0x8a: {  	_ =	swait.ge [sflag:s20], $0x800  }
0x8b: {  	[sflag:s20] =	ssyncset.done $0x0  }
0x8c: {  	[sflag:s20] =	ssyncadd.s32 $0xFFFFF800  }
0x8d: {  	_ =	swait.ge [sflag:s20], $0x800  }
0x8e: {  	[sflag:s20] =	ssyncset.done $0x0  }
0x8f: {  	[sflag:s20] =	ssyncadd.s32 $0xFFFFF800  }
0x90: {  	_ =	swait.ge [sflag:s20], $0x800  }
0x91: {  	[sflag:s20] =	ssyncset.done $0x0  }
0x92: {  	[sflag:s20] =	ssyncadd.s32 $0xFFFFF800  }
0x93: {  	_ =	swait.ge [sflag:s20], $0x800  }
0x94: {  	[sflag:s20] =	ssyncset.done $0x0  }
0x95: {  	[sflag:s20] =	ssyncadd.s32 $0xFFFFF800  }
0x96: {  	_ =	swait.ge [sflag:s20], $0x800  }
0x97: {  	[sflag:s20] =	ssyncset.done $0x0  }
0x98: {  	[sflag:s20] =	ssyncadd.s32 $0xFFFFF800  }
0x99: {  	_ =	swait.ge [sflag:s20], $0x800  }
0x9a: {  	[sflag:s20] =	ssyncset.done $0x0  }
0x9b: {  	[sflag:s20] =	ssyncadd.s32 $0xFFFFF800  }
0x9c: {  	_ =	swait.ge [sflag:s20], $0x800  }
0x9d: {  	[sflag:s20] =	ssyncset.done $0x0  }
0x9e: {  	[sflag:s20] =	ssyncadd.s32 $0xFFFFF800  }
0x9f: {  	_ =	swait.ge [sflag:s20], $0x800  }
0xa0: {  	[sflag:s20] =	ssyncset.done $0x0  }
0xa1: {  	[sflag:s20] =	ssyncadd.s32 $0xFFFFF800  }
0xa2: {  	_ =	swait.ge [sflag:s20], $0x800  }
0xa3: {  	[sflag:s20] =	ssyncset.done $0x0  }
0xa4: {  	[sflag:s20] =	ssyncadd.s32 $0xFFFFF800  }
0xa5: {  	_ =	swait.ge [sflag:s20], $0x800  }
0xa6: {  	[sflag:s20] =	ssyncset.done $0x0  }
0xa7: {  	[sflag:s20] =	ssyncadd.s32 $0xFFFFF800  }
0xa8: {  	_ =	swait.ge [sflag:s20], $0x800  }
0xa9: {  	[sflag:s20] =	ssyncset.done $0x0  }
0xaa: {  	[sflag:s20] =	ssyncadd.s32 $0xFFFFF800  }
0xab: {  	_ =	swait.ge [sflag:s20], $0x800  }
0xac: {  	[sflag:s20] =	ssyncset.done $0x0  }
0xad: {  	[sflag:s20] =	ssyncadd.s32 $0xFFFFF800  }
0xae: {  	_ =	swait.ge [sflag:s20], $0x800  }
0xaf: {  	[sflag:s20] =	ssyncset.done $0x0  }
0xb0: {  	[sflag:s20] =	ssyncadd.s32 $0xFFFFF800  }
0xb1: {  	_ =	swait.ge [sflag:s20], $0x800  }
0xb2: {  	[sflag:s20] =	ssyncset.done $0x0  }
0xb3: {  	[sflag:s20] =	ssyncadd.s32 $0xFFFFF800  }
0xb4: {  	_ =	swait.ge [sflag:s20], $0x800  }
0xb5: {  	[sflag:s20] =	ssyncset.done $0x0  }
0xb6: {  	[sflag:s20] =	ssyncadd.s32 $0xFFFFF800  }
0xb7: {  	_ =	swait.ge [sflag:s20], $0x800  }
0xb8: {  	[sflag:s20] =	ssyncset.done $0x0  }
0xb9: {  	[sflag:s20] =	ssyncadd.s32 $0xFFFFF800  }
0xba: {  	_ =	swait.ge [sflag:s20], $0x800  }
0xbb: {  	[sflag:s20] =	ssyncset.done $0x0  }
0xbc: {  	[sflag:s20] =	ssyncadd.s32 $0xFFFFF800  }
0xbd: {  	_ =	swait.ge [sflag:s20], $0x800  }
0xbe: {  	[sflag:s20] =	ssyncset.done $0x0  }
0xbf: {  	[sflag:s20] =	ssyncadd.s32 $0xFFFFF800  }
0xc0: {  	_ =	swait.ge [sflag:s20], $0x800  }
0xc1: {  	[sflag:s20] =	ssyncset.done $0x0  }
0xc2: {  	[sflag:s20] =	ssyncadd.s32 $0xFFFFF800  }
0xc3: {  	_ =	swait.ge [sflag:s20], $0x800  }
0xc4: {  	[sflag:s20] =	ssyncset.done $0x0  }
0xc5: {  	[sflag:s20] =	ssyncadd.s32 $0xFFFFF800  }
0xc6: {  	_ =	swait.ge [sflag:s20], $0x800  }
0xc7: {  	[sflag:s20] =	ssyncset.done $0x0  }
0xc8: {  	[sflag:s20] =	ssyncadd.s32 $0xFFFFF800  }
0xc9: {  	[bflag:$0x0] =	sbarrier.arrive $0xFFFF  }
0xca: {  	[tilespmem:$0x0] =	vst v0  }
0xcb: {  	[tilespmem:$0x10] =	vst v0  }
0xcc: {  	[tilespmem:$0x20] =	vst v0  }
0xcd: {  	[tilespmem:$0x30] =	vst v0  }
0xce: {  	[tilespmem:$0x40] =	vst v0  }
0xcf: {  	[tilespmem:$0x50] =	vst v0  }
0xd0: {  	[tilespmem:$0x60] =	vst v0  }
0xd1: {  	[tilespmem:$0x70] =	vst v0  }
0xd2: {  	[tilespmem:$0x80] =	vst v0  }
0xd3: {  	[tilespmem:$0x90] =	vst v0  }
0xd4: {  	[tilespmem:$0xA0] =	vst v0  }
0xd5: {  	[tilespmem:$0xB0] =	vst v0  }
0xd6: {  	[tilespmem:$0xC0] =	vst v0  }
0xd7: {  	[tilespmem:$0xD0] =	vst v0  }
0xd8: {  	[tilespmem:$0xE0] =	vst v0  }
0xd9: {  	[tilespmem:$0xF0] =	vst v0  }
0xda: {  	[bflag:$0x0] =	sbarrier.arrive $0xFFFF  }
0xdb: {  	[tilespmem:s21], [sflag:$0x1] =	stream.linear.gather [spmem:s5], $0x4000, $0x38;
	[tilespmem:$0x1BC00] =	vst v63  }
0xdc: {  	_ = 	snop  }
0xdd: {  	[tilespmem:s22], [sflag:$0x2] =	stream.linear.gather [spmem:s6], $0x4000, $0x38;
	[tilespmem:$0x1BC00] =	vst v63  }
0xde: {  	_ =	swait.ge [sflag:s23], $0x4000  }
0xdf: {  	[sflag:s23] =	ssyncset.done $0x0  }
0xe0: {  	s30 =	simm.s32 $0x3400;
	[sflag:s23] =	ssyncadd.s32 $0xFFFFC000  }
0xe1: {  	v2 =	vld [tilespmem:s30+$0xFFFFFF80]  }
0xe2: {  	v3 =	vld [tilespmem:s30+$0xFFFFFF90]  }
0xe3: {  	v4 =	vld [tilespmem:s30+$0xFFFFFFA0]  }
0xe4: {  	v5 =	vld [tilespmem:s30+$0xFFFFFFB0]  }
0xe5: {  	v6 =	vld [tilespmem:s30+$0xFFFFFFC0]  }
0xe6: {  	v7 =	vld [tilespmem:s30+$0xFFFFFFD0];
	v2 =	vmax.f32 v2, $0.0e+00  }
0xe7: {  	[tilespmem:s30+$0xFFFFFF80] =	vst v2;
	v2 =	vmax.f32 v3, $0.0e+00;
	v3 =	vld [tilespmem:s30+$0xFFFFFFE0]  }
0xe8: {  	[tilespmem:s30+$0xFFFFFF90] =	vst v2;
	v2 =	vmax.f32 v4, $0.0e+00;
	v4 =	vld [tilespmem:s30+$0x0]  }
0xe9: {  	[tilespmem:s30+$0xFFFFFFA0] =	vst v2;
	v2 =	vmax.f32 v5, $0.0e+00;
	v5 =	vld [tilespmem:s30+$0x10]  }
0xea: {  	[tilespmem:s30+$0xFFFFFFB0] =	vst v2;
	v2 =	vmax.f32 v6, $0.0e+00;
	v6 =	vld [tilespmem:s30+$0x20]  }
0xeb: {  	[tilespmem:s30+$0xFFFFFFC0] =	vst v2;
	v2 =	vmax.f32 v7, $0.0e+00;
	v7 =	vld [tilespmem:s30+$0x30]  }
0xec: {  	[tilespmem:s30+$0xFFFFFFD0] =	vst v2;
	v3 =	vmax.f32 v3, $0.0e+00;
	v2 =	vld [tilespmem:s30+$0x40]  }
0xed: {  	[tilespmem:s30+$0xFFFFFFE0] =	vst v3;
	v4 =	vmax.f32 v4, $0.0e+00;
	v3 =	vld [tilespmem:s30+$0x50]  }
0xee: {  	[tilespmem:s30+$0x0] =	vst v4;
	v4 =	vmax.f32 v5, $0.0e+00;
	v5 =	vld [tilespmem:s30+$0x60]  }
0xef: {  	[tilespmem:s30+$0x10] =	vst v4;
	v8 =	vmax.f32 v6, $0.0e+00;
	v6 =	vld [tilespmem:s30+$0x70]  }
0xf0: {  	s28 =	simm.s32 $0x0;
	s31 =	simm.s32 $0x3500;
	v4 =	vld [tilespmem:s30+$0xFFFFFFF0];
	[tilespmem:s30+$0x20] =	vst v8;
	v7 =	vmax.f32 v7, $0.0e+00  }
.LBB2_5:
0xf1: {  	v8 =	vld [tilespmem:s31+$0xFFFFFF80];
	[tilespmem:s30+$0x30] =	vst v7;
	v2 =	vmax.f32 v2, $0.0e+00  }
0xf2: {  	v7 =	vld [tilespmem:s31+$0xFFFFFF90];
	[tilespmem:s30+$0x40] =	vst v2;
	v2 =	vmax.f32 v3, $0.0e+00  }
0xf3: {  	v3 =	vld [tilespmem:s31+$0xFFFFFFA0];
	[tilespmem:s30+$0x50] =	vst v2;
	v2 =	vmax.f32 v5, $0.0e+00  }
0xf4: {  	v5 =	vld [tilespmem:s31+$0xFFFFFFB0];
	[tilespmem:s30+$0x60] =	vst v2;
	v2 =	vmax.f32 v6, $0.0e+00  }
0xf5: {  	v6 =	vld [tilespmem:s31+$0xFFFFFFC0];
	v4 =	vmax.f32 v4, $0.0e+00;
	[tilespmem:s30+$0x70] =	vst v2  }
0xf6: {  	v2 =	vmax.f32 v8, $0.0e+00;
	v8 =	vld [tilespmem:s31+$0xFFFFFFD0];
	[tilespmem:s30+$0xFFFFFFF0] =	vst v4;
	s30 =	smov.u32 s31  }
0xf7: {  	[tilespmem:s31+$0xFFFFFF80] =	vst v2;
	v2 =	vmax.f32 v7, $0.0e+00;
	v4 =	vld [tilespmem:s31+$0xFFFFFFE0]  }
0xf8: {  	[tilespmem:s31+$0xFFFFFF90] =	vst v2;
	v2 =	vmax.f32 v3, $0.0e+00;
	v3 =	vld [tilespmem:s31+$0x0]  }
0xf9: {  	[tilespmem:s31+$0xFFFFFFA0] =	vst v2;
	v2 =	vmax.f32 v5, $0.0e+00;
	v5 =	vld [tilespmem:s31+$0x10]  }
0xfa: {  	s28 =	sadd.s32 $0x2, s28;
	[tilespmem:s31+$0xFFFFFFB0] =	vst v2;
	v2 =	vmax.f32 v6, $0.0e+00;
	v6 =	vld [tilespmem:s31+$0x20]  }
0xfb: {  	p0 =	slt.u32 s28, $0x7E;
	[tilespmem:s31+$0xFFFFFFC0] =	vst v2;
	v2 =	vmax.f32 v8, $0.0e+00;
	v7 =	vld [tilespmem:s31+$0x30]  }
.Ltmp1:
0xfc: {  	[tilespmem:s31+$0xFFFFFFD0] =	vst v2;
	v4 =	vmax.f32 v4, $0.0e+00;
	v2 =	vld [tilespmem:s31+$0x40];
	(pc) =	sbr.rel @p0 .LBB2_5-.Ltmp1, $4  }
0xfd: {  	[tilespmem:s31+$0xFFFFFFE0] =	vst v4;
	v4 =	vmax.f32 v3, $0.0e+00;
	v3 =	vld [tilespmem:s31+$0x50]  }
0xfe: {  	[tilespmem:s31+$0x0] =	vst v4;
	v4 =	vmax.f32 v5, $0.0e+00;
	v5 =	vld [tilespmem:s31+$0x60]  }
0xff: {  	[tilespmem:s31+$0x10] =	vst v4;
	v8 =	vmax.f32 v6, $0.0e+00;
	v6 =	vld [tilespmem:s31+$0x70]  }
0x100: {  	s31 =	sadd.s32 $0x100, s31;
	v4 =	vld [tilespmem:s30+$0xFFFFFFF0];
	[tilespmem:s30+$0x20] =	vst v8;
	v7 =	vmax.f32 v7, $0.0e+00  }
0x101: {  	[tilespmem:s30+$0x30] =	vst v7;
	v2 =	vmax.f32 v2, $0.0e+00  }
0x102: {  	[tilespmem:s30+$0x40] =	vst v2;
	v2 =	vmax.f32 v3, $0.0e+00  }
0x103: {  	[tilespmem:s30+$0x50] =	vst v2;
	v2 =	vmax.f32 v5, $0.0e+00  }
0x104: {  	s0 =	sshll.u32 s29, $0x12;
	s28 =	rddreg [dreg:$0x5];
	[tilespmem:s30+$0x60] =	vst v2;
	v2 =	vmax.f32 v6, $0.0e+00  }
0x105: {  	s28 =	sor.u32 s28, s0;
	s0 =	rddreg [dreg:$0x3];
	v3 =	vmax.f32 v4, $0.0e+00;
	[tilespmem:s30+$0x70] =	vst v2  }
0x106: {  	s0 =	sadd.s32 s0, s28;
	[tilespmem:s30+$0xFFFFFFF0] =	vst v3  }
0x107: {  	[hbm4b:s0+s1] =	stream.linear.scatter [tilespmem:s21], [sflag:$0x4], $0x4000, $0x38;
	[tilespmem:$0x1BC00] =	vst v63  }
0x108: {  	_ =	swait.ge [sflag:s24], $0x4000  }
0x109: {  	[sflag:s24] =	ssyncset.done $0x0  }
0x10a: {  	[sflag:s24] =	ssyncadd.s32 $0xFFFFC000  }
0x10b: {  	[tilespmem:s21], [sflag:$0x1] =	stream.linear.gather [spmem:s9], $0x4000, $0x38;
	[tilespmem:$0x1BC00] =	vst v63  }
0x10c: {  	_ =	swait.ge [sflag:s25], $0x4000  }
0x10d: {  	[sflag:s25] =	ssyncset.done $0x0  }
0x10e: {  	s30 =	simm.s32 $0x7400;
	[sflag:s25] =	ssyncadd.s32 $0xFFFFC000  }
0x10f: {  	v2 =	vld [tilespmem:s30+$0xFFFFFF80]  }
0x110: {  	v3 =	vld [tilespmem:s30+$0xFFFFFF90]  }
0x111: {  	v4 =	vld [tilespmem:s30+$0xFFFFFFA0]  }
0x112: {  	v5 =	vld [tilespmem:s30+$0xFFFFFFB0]  }
0x113: {  	v6 =	vld [tilespmem:s30+$0xFFFFFFC0]  }
0x114: {  	v7 =	vld [tilespmem:s30+$0xFFFFFFD0];
	v2 =	vmax.f32 v2, $0.0e+00  }
0x115: {  	[tilespmem:s30+$0xFFFFFF80] =	vst v2;
	v2 =	vmax.f32 v3, $0.0e+00;
	v3 =	vld [tilespmem:s30+$0xFFFFFFE0]  }
0x116: {  	[tilespmem:s30+$0xFFFFFF90] =	vst v2;
	v2 =	vmax.f32 v4, $0.0e+00;
	v4 =	vld [tilespmem:s30+$0x0]  }
0x117: {  	[tilespmem:s30+$0xFFFFFFA0] =	vst v2;
	v2 =	vmax.f32 v5, $0.0e+00;
	v5 =	vld [tilespmem:s30+$0x10]  }
0x118: {  	[tilespmem:s30+$0xFFFFFFB0] =	vst v2;
	v2 =	vmax.f32 v6, $0.0e+00;
	v6 =	vld [tilespmem:s30+$0x20]  }
0x119: {  	[tilespmem:s30+$0xFFFFFFC0] =	vst v2;
	v2 =	vmax.f32 v7, $0.0e+00;
	v7 =	vld [tilespmem:s30+$0x30]  }
0x11a: {  	[tilespmem:s30+$0xFFFFFFD0] =	vst v2;
	v3 =	vmax.f32 v3, $0.0e+00;
	v2 =	vld [tilespmem:s30+$0x40]  }
0x11b: {  	[tilespmem:s30+$0xFFFFFFE0] =	vst v3;
	v4 =	vmax.f32 v4, $0.0e+00;
	v3 =	vld [tilespmem:s30+$0x50]  }
0x11c: {  	[tilespmem:s30+$0x0] =	vst v4;
	v5 =	vmax.f32 v5, $0.0e+00;
	v4 =	vld [tilespmem:s30+$0x60]  }
0x11d: {  	[tilespmem:s30+$0x10] =	vst v5;
	v8 =	vmax.f32 v6, $0.0e+00;
	v6 =	vld [tilespmem:s30+$0x70]  }
0x11e: {  	s31 =	simm.s32 $0x0;
	s0 =	simm.s32 $0x7500;
	v5 =	vld [tilespmem:s30+$0xFFFFFFF0];
	[tilespmem:s30+$0x20] =	vst v8;
	v7 =	vmax.f32 v7, $0.0e+00  }
.LBB2_7:
0x11f: {  	v8 =	vld [tilespmem:s0+$0xFFFFFF80];
	[tilespmem:s30+$0x30] =	vst v7;
	v2 =	vmax.f32 v2, $0.0e+00  }
0x120: {  	v7 =	vld [tilespmem:s0+$0xFFFFFF90];
	[tilespmem:s30+$0x40] =	vst v2;
	v2 =	vmax.f32 v3, $0.0e+00  }
0x121: {  	v3 =	vld [tilespmem:s0+$0xFFFFFFA0];
	[tilespmem:s30+$0x50] =	vst v2;
	v2 =	vmax.f32 v4, $0.0e+00  }
0x122: {  	v4 =	vld [tilespmem:s0+$0xFFFFFFB0];
	[tilespmem:s30+$0x60] =	vst v2;
	v2 =	vmax.f32 v6, $0.0e+00  }
0x123: {  	v6 =	vld [tilespmem:s0+$0xFFFFFFC0];
	v5 =	vmax.f32 v5, $0.0e+00;
	[tilespmem:s30+$0x70] =	vst v2  }
0x124: {  	v2 =	vmax.f32 v8, $0.0e+00;
	v8 =	vld [tilespmem:s0+$0xFFFFFFD0];
	[tilespmem:s30+$0xFFFFFFF0] =	vst v5;
	s30 =	smov.u32 s0  }
0x125: {  	[tilespmem:s0+$0xFFFFFF80] =	vst v2;
	v2 =	vmax.f32 v7, $0.0e+00;
	v5 =	vld [tilespmem:s0+$0xFFFFFFE0]  }
0x126: {  	[tilespmem:s0+$0xFFFFFF90] =	vst v2;
	v2 =	vmax.f32 v3, $0.0e+00;
	v3 =	vld [tilespmem:s0+$0x0]  }
0x127: {  	[tilespmem:s0+$0xFFFFFFA0] =	vst v2;
	v2 =	vmax.f32 v4, $0.0e+00;
	v4 =	vld [tilespmem:s0+$0x10]  }
0x128: {  	s31 =	sadd.s32 $0x2, s31;
	[tilespmem:s0+$0xFFFFFFB0] =	vst v2;
	v2 =	vmax.f32 v6, $0.0e+00;
	v6 =	vld [tilespmem:s0+$0x20]  }
0x129: {  	p0 =	slt.u32 s31, $0x7E;
	[tilespmem:s0+$0xFFFFFFC0] =	vst v2;
	v2 =	vmax.f32 v8, $0.0e+00;
	v7 =	vld [tilespmem:s0+$0x30]  }
.Ltmp2:
0x12a: {  	[tilespmem:s0+$0xFFFFFFD0] =	vst v2;
	v5 =	vmax.f32 v5, $0.0e+00;
	v2 =	vld [tilespmem:s0+$0x40];
	(pc) =	sbr.rel @p0 .LBB2_7-.Ltmp2, $4  }
0x12b: {  	[tilespmem:s0+$0xFFFFFFE0] =	vst v5;
	v5 =	vmax.f32 v3, $0.0e+00;
	v3 =	vld [tilespmem:s0+$0x50]  }
0x12c: {  	[tilespmem:s0+$0x0] =	vst v5;
	v5 =	vmax.f32 v4, $0.0e+00;
	v4 =	vld [tilespmem:s0+$0x60]  }
0x12d: {  	[tilespmem:s0+$0x10] =	vst v5;
	v8 =	vmax.f32 v6, $0.0e+00;
	v6 =	vld [tilespmem:s0+$0x70]  }
0x12e: {  	s0 =	sadd.s32 $0x100, s0;
	v5 =	vld [tilespmem:s30+$0xFFFFFFF0];
	[tilespmem:s30+$0x20] =	vst v8;
	v7 =	vmax.f32 v7, $0.0e+00  }
0x12f: {  	[tilespmem:s30+$0x30] =	vst v7;
	v2 =	vmax.f32 v2, $0.0e+00  }
0x130: {  	[tilespmem:s30+$0x40] =	vst v2;
	v2 =	vmax.f32 v3, $0.0e+00  }
0x131: {  	[tilespmem:s30+$0x50] =	vst v2;
	v2 =	vmax.f32 v4, $0.0e+00  }
0x132: {  	[tilespmem:s30+$0x60] =	vst v2;
	v2 =	vmax.f32 v6, $0.0e+00  }
0x133: {  	s0 =	rddreg [dreg:$0x6];
	v3 =	vmax.f32 v5, $0.0e+00;
	[tilespmem:s30+$0x70] =	vst v2  }
0x134: {  	s0 =	sadd.s32 s28, s0;
	[tilespmem:s30+$0xFFFFFFF0] =	vst v3  }
0x135: {  	[hbm4b:s0+s1] =	stream.linear.scatter [tilespmem:s22], [sflag:$0x5], $0x4000, $0x38;
	[tilespmem:$0x1BC00] =	vst v63  }
0x136: {  	_ =	swait.ge [sflag:s26], $0x4000  }
0x137: {  	[sflag:s26] =	ssyncset.done $0x0  }
0x138: {  	[sflag:s26] =	ssyncadd.s32 $0xFFFFC000  }
0x139: {  	[tilespmem:s22], [sflag:$0x2] =	stream.linear.gather [spmem:s10], $0x4000, $0x38;
	[tilespmem:$0x1BC00] =	vst v63  }
0x13a: {  	_ =	swait.ge [sflag:s23], $0x4000  }
0x13b: {  	[sflag:s23] =	ssyncset.done $0x0  }
0x13c: {  	s30 =	simm.s32 $0x3400;
	[sflag:s23] =	ssyncadd.s32 $0xFFFFC000  }
0x13d: {  	v2 =	vld [tilespmem:s30+$0xFFFFFF80]  }
0x13e: {  	v3 =	vld [tilespmem:s30+$0xFFFFFF90]  }
0x13f: {  	v4 =	vld [tilespmem:s30+$0xFFFFFFA0]  }
0x140: {  	v5 =	vld [tilespmem:s30+$0xFFFFFFB0]  }
0x141: {  	v6 =	vld [tilespmem:s30+$0xFFFFFFC0]  }
0x142: {  	v7 =	vld [tilespmem:s30+$0xFFFFFFD0];
	v2 =	vmax.f32 v2, $0.0e+00  }
0x143: {  	[tilespmem:s30+$0xFFFFFF80] =	vst v2;
	v2 =	vmax.f32 v3, $0.0e+00;
	v3 =	vld [tilespmem:s30+$0xFFFFFFE0]  }
0x144: {  	[tilespmem:s30+$0xFFFFFF90] =	vst v2;
	v2 =	vmax.f32 v4, $0.0e+00;
	v4 =	vld [tilespmem:s30+$0x0]  }
0x145: {  	[tilespmem:s30+$0xFFFFFFA0] =	vst v2;
	v2 =	vmax.f32 v5, $0.0e+00;
	v5 =	vld [tilespmem:s30+$0x10]  }
0x146: {  	[tilespmem:s30+$0xFFFFFFB0] =	vst v2;
	v2 =	vmax.f32 v6, $0.0e+00;
	v6 =	vld [tilespmem:s30+$0x20]  }
0x147: {  	[tilespmem:s30+$0xFFFFFFC0] =	vst v2;
	v2 =	vmax.f32 v7, $0.0e+00;
	v7 =	vld [tilespmem:s30+$0x30]  }
0x148: {  	[tilespmem:s30+$0xFFFFFFD0] =	vst v2;
	v3 =	vmax.f32 v3, $0.0e+00;
	v2 =	vld [tilespmem:s30+$0x40]  }
0x149: {  	[tilespmem:s30+$0xFFFFFFE0] =	vst v3;
	v4 =	vmax.f32 v4, $0.0e+00;
	v3 =	vld [tilespmem:s30+$0x50]  }
0x14a: {  	[tilespmem:s30+$0x0] =	vst v4;
	v5 =	vmax.f32 v5, $0.0e+00;
	v4 =	vld [tilespmem:s30+$0x60]  }
0x14b: {  	[tilespmem:s30+$0x10] =	vst v5;
	v8 =	vmax.f32 v6, $0.0e+00;
	v6 =	vld [tilespmem:s30+$0x70]  }
0x14c: {  	s31 =	simm.s32 $0x0;
	s0 =	simm.s32 $0x3500;
	v5 =	vld [tilespmem:s30+$0xFFFFFFF0];
	[tilespmem:s30+$0x20] =	vst v8;
	v7 =	vmax.f32 v7, $0.0e+00  }
.LBB2_9:
0x14d: {  	v8 =	vld [tilespmem:s0+$0xFFFFFF80];
	[tilespmem:s30+$0x30] =	vst v7;
	v2 =	vmax.f32 v2, $0.0e+00  }
0x14e: {  	v7 =	vld [tilespmem:s0+$0xFFFFFF90];
	[tilespmem:s30+$0x40] =	vst v2;
	v2 =	vmax.f32 v3, $0.0e+00  }
0x14f: {  	v3 =	vld [tilespmem:s0+$0xFFFFFFA0];
	[tilespmem:s30+$0x50] =	vst v2;
	v2 =	vmax.f32 v4, $0.0e+00  }
0x150: {  	v4 =	vld [tilespmem:s0+$0xFFFFFFB0];
	[tilespmem:s30+$0x60] =	vst v2;
	v2 =	vmax.f32 v6, $0.0e+00  }
0x151: {  	v6 =	vld [tilespmem:s0+$0xFFFFFFC0];
	v5 =	vmax.f32 v5, $0.0e+00;
	[tilespmem:s30+$0x70] =	vst v2  }
0x152: {  	v2 =	vmax.f32 v8, $0.0e+00;
	v8 =	vld [tilespmem:s0+$0xFFFFFFD0];
	[tilespmem:s30+$0xFFFFFFF0] =	vst v5;
	s30 =	smov.u32 s0  }
0x153: {  	[tilespmem:s0+$0xFFFFFF80] =	vst v2;
	v2 =	vmax.f32 v7, $0.0e+00;
	v5 =	vld [tilespmem:s0+$0xFFFFFFE0]  }
0x154: {  	[tilespmem:s0+$0xFFFFFF90] =	vst v2;
	v2 =	vmax.f32 v3, $0.0e+00;
	v3 =	vld [tilespmem:s0+$0x0]  }
0x155: {  	[tilespmem:s0+$0xFFFFFFA0] =	vst v2;
	v2 =	vmax.f32 v4, $0.0e+00;
	v4 =	vld [tilespmem:s0+$0x10]  }
0x156: {  	s31 =	sadd.s32 $0x2, s31;
	[tilespmem:s0+$0xFFFFFFB0] =	vst v2;
	v2 =	vmax.f32 v6, $0.0e+00;
	v6 =	vld [tilespmem:s0+$0x20]  }
0x157: {  	p0 =	slt.u32 s31, $0x7E;
	[tilespmem:s0+$0xFFFFFFC0] =	vst v2;
	v2 =	vmax.f32 v8, $0.0e+00;
	v7 =	vld [tilespmem:s0+$0x30]  }
.Ltmp3:
0x158: {  	[tilespmem:s0+$0xFFFFFFD0] =	vst v2;
	v5 =	vmax.f32 v5, $0.0e+00;
	v2 =	vld [tilespmem:s0+$0x40];
	(pc) =	sbr.rel @p0 .LBB2_9-.Ltmp3, $4  }
0x159: {  	[tilespmem:s0+$0xFFFFFFE0] =	vst v5;
	v5 =	vmax.f32 v3, $0.0e+00;
	v3 =	vld [tilespmem:s0+$0x50]  }
0x15a: {  	[tilespmem:s0+$0x0] =	vst v5;
	v5 =	vmax.f32 v4, $0.0e+00;
	v4 =	vld [tilespmem:s0+$0x60]  }
0x15b: {  	[tilespmem:s0+$0x10] =	vst v5;
	v8 =	vmax.f32 v6, $0.0e+00;
	v6 =	vld [tilespmem:s0+$0x70]  }
0x15c: {  	s0 =	sadd.s32 $0x100, s0;
	v5 =	vld [tilespmem:s30+$0xFFFFFFF0];
	[tilespmem:s30+$0x20] =	vst v8;
	v7 =	vmax.f32 v7, $0.0e+00  }
0x15d: {  	[tilespmem:s30+$0x30] =	vst v7;
	v2 =	vmax.f32 v2, $0.0e+00  }
0x15e: {  	[tilespmem:s30+$0x40] =	vst v2;
	v2 =	vmax.f32 v3, $0.0e+00  }
0x15f: {  	[tilespmem:s30+$0x50] =	vst v2;
	v2 =	vmax.f32 v4, $0.0e+00  }
0x160: {  	[tilespmem:s30+$0x60] =	vst v2;
	v2 =	vmax.f32 v6, $0.0e+00  }
0x161: {  	s0 =	rddreg [dreg:$0x8];
	v3 =	vmax.f32 v5, $0.0e+00;
	[tilespmem:s30+$0x70] =	vst v2  }
0x162: {  	s0 =	sadd.s32 s28, s0;
	[tilespmem:s30+$0xFFFFFFF0] =	vst v3  }
0x163: {  	[hbm4b:s0+s1] =	stream.linear.scatter [tilespmem:s21], [sflag:$0x4], $0x4000, $0x38;
	[tilespmem:$0x1BC00] =	vst v63  }
0x164: {  	_ =	swait.ge [sflag:s25], $0x4000  }
0x165: {  	[sflag:s25] =	ssyncset.done $0x0  }
0x166: {  	s30 =	simm.s32 $0x7400;
	[sflag:s25] =	ssyncadd.s32 $0xFFFFC000  }
0x167: {  	v2 =	vld [tilespmem:s30+$0xFFFFFF80]  }
0x168: {  	v3 =	vld [tilespmem:s30+$0xFFFFFF90]  }
0x169: {  	v4 =	vld [tilespmem:s30+$0xFFFFFFA0]  }
0x16a: {  	v5 =	vld [tilespmem:s30+$0xFFFFFFB0]  }
0x16b: {  	v6 =	vld [tilespmem:s30+$0xFFFFFFC0]  }
0x16c: {  	v7 =	vld [tilespmem:s30+$0xFFFFFFD0];
	v2 =	vmax.f32 v2, $0.0e+00  }
0x16d: {  	[tilespmem:s30+$0xFFFFFF80] =	vst v2;
	v2 =	vmax.f32 v3, $0.0e+00;
	v3 =	vld [tilespmem:s30+$0xFFFFFFE0]  }
0x16e: {  	[tilespmem:s30+$0xFFFFFF90] =	vst v2;
	v2 =	vmax.f32 v4, $0.0e+00;
	v4 =	vld [tilespmem:s30+$0x0]  }
0x16f: {  	[tilespmem:s30+$0xFFFFFFA0] =	vst v2;
	v2 =	vmax.f32 v5, $0.0e+00;
	v5 =	vld [tilespmem:s30+$0x10]  }
0x170: {  	[tilespmem:s30+$0xFFFFFFB0] =	vst v2;
	v2 =	vmax.f32 v6, $0.0e+00;
	v6 =	vld [tilespmem:s30+$0x20]  }
0x171: {  	[tilespmem:s30+$0xFFFFFFC0] =	vst v2;
	v2 =	vmax.f32 v7, $0.0e+00;
	v7 =	vld [tilespmem:s30+$0x30]  }
0x172: {  	[tilespmem:s30+$0xFFFFFFD0] =	vst v2;
	v3 =	vmax.f32 v3, $0.0e+00;
	v2 =	vld [tilespmem:s30+$0x40]  }
0x173: {  	[tilespmem:s30+$0xFFFFFFE0] =	vst v3;
	v4 =	vmax.f32 v4, $0.0e+00;
	v3 =	vld [tilespmem:s30+$0x50]  }
0x174: {  	[tilespmem:s30+$0x0] =	vst v4;
	v5 =	vmax.f32 v5, $0.0e+00;
	v4 =	vld [tilespmem:s30+$0x60]  }
0x175: {  	[tilespmem:s30+$0x10] =	vst v5;
	v8 =	vmax.f32 v6, $0.0e+00;
	v6 =	vld [tilespmem:s30+$0x70]  }
0x176: {  	s31 =	simm.s32 $0x0;
	s0 =	simm.s32 $0x7500;
	v5 =	vld [tilespmem:s30+$0xFFFFFFF0];
	[tilespmem:s30+$0x20] =	vst v8;
	v7 =	vmax.f32 v7, $0.0e+00  }
.LBB2_11:
0x177: {  	v8 =	vld [tilespmem:s0+$0xFFFFFF80];
	[tilespmem:s30+$0x30] =	vst v7;
	v2 =	vmax.f32 v2, $0.0e+00  }
0x178: {  	v7 =	vld [tilespmem:s0+$0xFFFFFF90];
	[tilespmem:s30+$0x40] =	vst v2;
	v2 =	vmax.f32 v3, $0.0e+00  }
0x179: {  	v3 =	vld [tilespmem:s0+$0xFFFFFFA0];
	[tilespmem:s30+$0x50] =	vst v2;
	v2 =	vmax.f32 v4, $0.0e+00  }
0x17a: {  	v4 =	vld [tilespmem:s0+$0xFFFFFFB0];
	[tilespmem:s30+$0x60] =	vst v2;
	v2 =	vmax.f32 v6, $0.0e+00  }
0x17b: {  	v6 =	vld [tilespmem:s0+$0xFFFFFFC0];
	v5 =	vmax.f32 v5, $0.0e+00;
	[tilespmem:s30+$0x70] =	vst v2  }
0x17c: {  	v2 =	vmax.f32 v8, $0.0e+00;
	v8 =	vld [tilespmem:s0+$0xFFFFFFD0];
	[tilespmem:s30+$0xFFFFFFF0] =	vst v5;
	s30 =	smov.u32 s0  }
0x17d: {  	[tilespmem:s0+$0xFFFFFF80] =	vst v2;
	v2 =	vmax.f32 v7, $0.0e+00;
	v5 =	vld [tilespmem:s0+$0xFFFFFFE0]  }
0x17e: {  	[tilespmem:s0+$0xFFFFFF90] =	vst v2;
	v2 =	vmax.f32 v3, $0.0e+00;
	v3 =	vld [tilespmem:s0+$0x0]  }
0x17f: {  	[tilespmem:s0+$0xFFFFFFA0] =	vst v2;
	v2 =	vmax.f32 v4, $0.0e+00;
	v4 =	vld [tilespmem:s0+$0x10]  }
0x180: {  	s31 =	sadd.s32 $0x2, s31;
	[tilespmem:s0+$0xFFFFFFB0] =	vst v2;
	v2 =	vmax.f32 v6, $0.0e+00;
	v6 =	vld [tilespmem:s0+$0x20]  }
0x181: {  	p0 =	slt.u32 s31, $0x7E;
	[tilespmem:s0+$0xFFFFFFC0] =	vst v2;
	v2 =	vmax.f32 v8, $0.0e+00;
	v7 =	vld [tilespmem:s0+$0x30]  }
.Ltmp4:
0x182: {  	[tilespmem:s0+$0xFFFFFFD0] =	vst v2;
	v5 =	vmax.f32 v5, $0.0e+00;
	v2 =	vld [tilespmem:s0+$0x40];
	(pc) =	sbr.rel @p0 .LBB2_11-.Ltmp4, $4  }
0x183: {  	[tilespmem:s0+$0xFFFFFFE0] =	vst v5;
	v5 =	vmax.f32 v3, $0.0e+00;
	v3 =	vld [tilespmem:s0+$0x50]  }
0x184: {  	[tilespmem:s0+$0x0] =	vst v5;
	v5 =	vmax.f32 v4, $0.0e+00;
	v4 =	vld [tilespmem:s0+$0x60]  }
0x185: {  	[tilespmem:s0+$0x10] =	vst v5;
	v8 =	vmax.f32 v6, $0.0e+00;
	v6 =	vld [tilespmem:s0+$0x70]  }
0x186: {  	s0 =	sadd.s32 $0x100, s0;
	v5 =	vld [tilespmem:s30+$0xFFFFFFF0];
	[tilespmem:s30+$0x20] =	vst v8;
	v7 =	vmax.f32 v7, $0.0e+00  }
0x187: {  	[tilespmem:s30+$0x30] =	vst v7;
	v2 =	vmax.f32 v2, $0.0e+00  }
0x188: {  	[tilespmem:s30+$0x40] =	vst v2;
	v2 =	vmax.f32 v3, $0.0e+00  }
0x189: {  	[tilespmem:s30+$0x50] =	vst v2;
	v2 =	vmax.f32 v4, $0.0e+00  }
0x18a: {  	[tilespmem:s30+$0x60] =	vst v2;
	v2 =	vmax.f32 v6, $0.0e+00  }
0x18b: {  	s0 =	rddreg [dreg:$0x7];
	v3 =	vmax.f32 v5, $0.0e+00;
	[tilespmem:s30+$0x70] =	vst v2  }
0x18c: {  	s29 =	sadd.s32 $0x1, s29;
	s0 =	sadd.s32 s28, s0;
	s28 =	simm.s32 $0x0;
	[tilespmem:s30+$0xFFFFFFF0] =	vst v3  }
0x18d: {  	[hbm4b:s0+s28] =	stream.linear.scatter [tilespmem:s22], [sflag:$0x5], $0x4000, $0x38;
	[tilespmem:$0x1BC00] =	vst v63  }
0x18e: {  	p0 =	sne.s32 s29, $0x7;
	_ =	swait.ge [sflag:s24], $0x4000  }
.Ltmp5:
0x18f: {  	[sflag:s24] =	ssyncset.done $0x0;
	(pc) =	sbr.rel @p0 .LBB2_4-.Ltmp5, $4  }
0x190: {  	[sflag:s24] =	ssyncadd.s32 $0xFFFFC000  }
0x191: {  	_ =	swait.ge [sflag:s26], $0x4000  }
0x192: {  	[sflag:s26] =	ssyncset.done $0x0  }
0x193: {  	[sflag:s26] =	ssyncadd.s32 $0xFFFFC000  }
.LBB2_13:
0x194: {  	[spmem:s5] =	stream.linear.scatter [tilespmem:s19], [sflag:$0x3], $0x800, $0x38;
	[tilespmem:$0x1BC00] =	vst v63  }
0x195: {  	s0 =	rddreg [dreg:$0xd]  }
0x196: {  	[spmem:s0] =	stream.linear.scatter [tilespmem:s19], [sflag:$0x3], $0x800, $0x38;
	[tilespmem:$0x1BC00] =	vst v63  }
0x197: {  	s31 =	rddreg [dreg:$0xe]  }
0x198: {  	[spmem:s31] =	stream.linear.scatter [tilespmem:s19], [sflag:$0x3], $0x800, $0x38;
	[tilespmem:$0x1BC00] =	vst v63  }
0x199: {  	s31 =	rddreg [dreg:$0xf]  }
0x19a: {  	[spmem:s31] =	stream.linear.scatter [tilespmem:s19], [sflag:$0x3], $0x800, $0x38;
	[tilespmem:$0x1BC00] =	vst v63  }
0x19b: {  	s31 =	rddreg [dreg:$0x10]  }
0x19c: {  	[spmem:s31] =	stream.linear.scatter [tilespmem:s19], [sflag:$0x3], $0x800, $0x38;
	[tilespmem:$0x1BC00] =	vst v63  }
0x19d: {  	s31 =	rddreg [dreg:$0x11]  }
0x19e: {  	[spmem:s31] =	stream.linear.scatter [tilespmem:s19], [sflag:$0x3], $0x800, $0x38;
	[tilespmem:$0x1BC00] =	vst v63  }
0x19f: {  	s31 =	rddreg [dreg:$0x12]  }
0x1a0: {  	[spmem:s31] =	stream.linear.scatter [tilespmem:s19], [sflag:$0x3], $0x800, $0x38;
	[tilespmem:$0x1BC00] =	vst v63  }
0x1a1: {  	s31 =	rddreg [dreg:$0x13]  }
0x1a2: {  	[spmem:s31] =	stream.linear.scatter [tilespmem:s19], [sflag:$0x3], $0x800, $0x38;
	[tilespmem:$0x1BC00] =	vst v63  }
0x1a3: {  	_ = 	snop  }
0x1a4: {  	[spmem:s6] =	stream.linear.scatter [tilespmem:s19], [sflag:$0x3], $0x800, $0x38;
	[tilespmem:$0x1BC00] =	vst v63  }
0x1a5: {  	s31 =	rddreg [dreg:$0x14]  }
0x1a6: {  	[spmem:s31] =	stream.linear.scatter [tilespmem:s19], [sflag:$0x3], $0x800, $0x38;
	[tilespmem:$0x1BC00] =	vst v63  }
0x1a7: {  	s31 =	rddreg [dreg:$0x15]  }
0x1a8: {  	[spmem:s31] =	stream.linear.scatter [tilespmem:s19], [sflag:$0x3], $0x800, $0x38;
	[tilespmem:$0x1BC00] =	vst v63  }
0x1a9: {  	s31 =	rddreg [dreg:$0x16]  }
0x1aa: {  	[spmem:s31] =	stream.linear.scatter [tilespmem:s19], [sflag:$0x3], $0x800, $0x38;
	[tilespmem:$0x1BC00] =	vst v63  }
0x1ab: {  	s31 =	rddreg [dreg:$0x17]  }
0x1ac: {  	[spmem:s31] =	stream.linear.scatter [tilespmem:s19], [sflag:$0x3], $0x800, $0x38;
	[tilespmem:$0x1BC00] =	vst v63  }
0x1ad: {  	s31 =	rddreg [dreg:$0x18]  }
0x1ae: {  	[spmem:s31] =	stream.linear.scatter [tilespmem:s19], [sflag:$0x3], $0x800, $0x38;
	[tilespmem:$0x1BC00] =	vst v63  }
0x1af: {  	s31 =	rddreg [dreg:$0x19]  }
0x1b0: {  	[spmem:s31] =	stream.linear.scatter [tilespmem:s19], [sflag:$0x3], $0x800, $0x38;
	[tilespmem:$0x1BC00] =	vst v63  }
0x1b1: {  	s31 =	rddreg [dreg:$0x1a]  }
0x1b2: {  	[spmem:s31] =	stream.linear.scatter [tilespmem:s19], [sflag:$0x3], $0x800, $0x38;
	[tilespmem:$0x1BC00] =	vst v63  }
0x1b3: {  	_ = 	snop  }
0x1b4: {  	[spmem:s9] =	stream.linear.scatter [tilespmem:s19], [sflag:$0x3], $0x800, $0x38;
	[tilespmem:$0x1BC00] =	vst v63  }
0x1b5: {  	s31 =	rddreg [dreg:$0x1b]  }
0x1b6: {  	[spmem:s31] =	stream.linear.scatter [tilespmem:s19], [sflag:$0x3], $0x800, $0x38;
	[tilespmem:$0x1BC00] =	vst v63  }
0x1b7: {  	_ = 	snop  }
0x1b8: {  	[spmem:s2] =	stream.linear.scatter [tilespmem:s19], [sflag:$0x3], $0x800, $0x38;
	[tilespmem:$0x1BC00] =	vst v63  }
0x1b9: {  	_ = 	snop  }
0x1ba: {  	[spmem:s16] =	stream.linear.scatter [tilespmem:s19], [sflag:$0x3], $0x800, $0x38;
	[tilespmem:$0x1BC00] =	vst v63  }
0x1bb: {  	_ = 	snop  }
0x1bc: {  	[spmem:s3] =	stream.linear.scatter [tilespmem:s19], [sflag:$0x3], $0x800, $0x38;
	[tilespmem:$0x1BC00] =	vst v63  }
0x1bd: {  	_ = 	snop  }
0x1be: {  	[spmem:s4] =	stream.linear.scatter [tilespmem:s19], [sflag:$0x3], $0x800, $0x38;
	[tilespmem:$0x1BC00] =	vst v63  }
0x1bf: {  	_ = 	snop  }
0x1c0: {  	[spmem:s8] =	stream.linear.scatter [tilespmem:s19], [sflag:$0x3], $0x800, $0x38;
	[tilespmem:$0x1BC00] =	vst v63  }
0x1c1: {  	_ = 	snop  }
0x1c2: {  	[spmem:s11] =	stream.linear.scatter [tilespmem:s19], [sflag:$0x3], $0x800, $0x38;
	[tilespmem:$0x1BC00] =	vst v63  }
0x1c3: {  	_ = 	snop  }
0x1c4: {  	[spmem:s10] =	stream.linear.scatter [tilespmem:s19], [sflag:$0x3], $0x800, $0x38;
	[tilespmem:$0x1BC00] =	vst v63  }
0x1c5: {  	_ = 	snop  }
0x1c6: {  	[spmem:s12] =	stream.linear.scatter [tilespmem:s19], [sflag:$0x3], $0x800, $0x38;
	[tilespmem:$0x1BC00] =	vst v63  }
0x1c7: {  	_ = 	snop  }
0x1c8: {  	[spmem:s13] =	stream.linear.scatter [tilespmem:s19], [sflag:$0x3], $0x800, $0x38;
	[tilespmem:$0x1BC00] =	vst v63  }
0x1c9: {  	_ = 	snop  }
0x1ca: {  	[spmem:s14] =	stream.linear.scatter [tilespmem:s19], [sflag:$0x3], $0x800, $0x38;
	[tilespmem:$0x1BC00] =	vst v63  }
0x1cb: {  	_ = 	snop  }
0x1cc: {  	[spmem:s15] =	stream.linear.scatter [tilespmem:s19], [sflag:$0x3], $0x800, $0x38;
	[tilespmem:$0x1BC00] =	vst v63  }
0x1cd: {  	_ = 	snop  }
0x1ce: {  	[spmem:s7] =	stream.linear.scatter [tilespmem:s19], [sflag:$0x3], $0x800, $0x38;
	[tilespmem:$0x1BC00] =	vst v63  }
0x1cf: {  	_ = 	snop  }
0x1d0: {  	[spmem:s17] =	stream.linear.scatter [tilespmem:s19], [sflag:$0x3], $0x800, $0x38;
	[tilespmem:$0x1BC00] =	vst v63  }
0x1d1: {  	_ = 	snop  }
0x1d2: {  	[spmem:s18] =	stream.linear.scatter [tilespmem:s19], [sflag:$0x3], $0x800, $0x38;
	[tilespmem:$0x1BC00] =	vst v63  }
0x1d3: {  	_ =	swait.ge [sflag:s20], $0x800  }
0x1d4: {  	[sflag:s20] =	ssyncset.done $0x0  }
0x1d5: {  	[sflag:s20] =	ssyncadd.s32 $0xFFFFF800  }
0x1d6: {  	_ =	swait.ge [sflag:s20], $0x800  }
0x1d7: {  	[sflag:s20] =	ssyncset.done $0x0  }
0x1d8: {  	[sflag:s20] =	ssyncadd.s32 $0xFFFFF800  }
0x1d9: {  	_ =	swait.ge [sflag:s20], $0x800  }
0x1da: {  	[sflag:s20] =	ssyncset.done $0x0  }
0x1db: {  	[sflag:s20] =	ssyncadd.s32 $0xFFFFF800  }
0x1dc: {  	_ =	swait.ge [sflag:s20], $0x800  }
0x1dd: {  	[sflag:s20] =	ssyncset.done $0x0  }
0x1de: {  	[sflag:s20] =	ssyncadd.s32 $0xFFFFF800  }
0x1df: {  	_ =	swait.ge [sflag:s20], $0x800  }
0x1e0: {  	[sflag:s20] =	ssyncset.done $0x0  }
0x1e1: {  	[sflag:s20] =	ssyncadd.s32 $0xFFFFF800  }
0x1e2: {  	_ =	swait.ge [sflag:s20], $0x800  }
0x1e3: {  	[sflag:s20] =	ssyncset.done $0x0  }
0x1e4: {  	[sflag:s20] =	ssyncadd.s32 $0xFFFFF800  }
0x1e5: {  	_ =	swait.ge [sflag:s20], $0x800  }
0x1e6: {  	[sflag:s20] =	ssyncset.done $0x0  }
0x1e7: {  	[sflag:s20] =	ssyncadd.s32 $0xFFFFF800  }
0x1e8: {  	_ =	swait.ge [sflag:s20], $0x800  }
0x1e9: {  	[sflag:s20] =	ssyncset.done $0x0  }
0x1ea: {  	[sflag:s20] =	ssyncadd.s32 $0xFFFFF800  }
0x1eb: {  	_ =	swait.ge [sflag:s20], $0x800  }
0x1ec: {  	[sflag:s20] =	ssyncset.done $0x0  }
0x1ed: {  	[sflag:s20] =	ssyncadd.s32 $0xFFFFF800  }
0x1ee: {  	_ =	swait.ge [sflag:s20], $0x800  }
0x1ef: {  	[sflag:s20] =	ssyncset.done $0x0  }
0x1f0: {  	[sflag:s20] =	ssyncadd.s32 $0xFFFFF800  }
0x1f1: {  	_ =	swait.ge [sflag:s20], $0x800  }
0x1f2: {  	[sflag:s20] =	ssyncset.done $0x0  }
0x1f3: {  	[sflag:s20] =	ssyncadd.s32 $0xFFFFF800  }
0x1f4: {  	_ =	swait.ge [sflag:s20], $0x800  }
0x1f5: {  	[sflag:s20] =	ssyncset.done $0x0  }
0x1f6: {  	[sflag:s20] =	ssyncadd.s32 $0xFFFFF800  }
0x1f7: {  	_ =	swait.ge [sflag:s20], $0x800  }
0x1f8: {  	[sflag:s20] =	ssyncset.done $0x0  }
0x1f9: {  	[sflag:s20] =	ssyncadd.s32 $0xFFFFF800  }
0x1fa: {  	_ =	swait.ge [sflag:s20], $0x800  }
0x1fb: {  	[sflag:s20] =	ssyncset.done $0x0  }
0x1fc: {  	[sflag:s20] =	ssyncadd.s32 $0xFFFFF800  }
0x1fd: {  	_ =	swait.ge [sflag:s20], $0x800  }
0x1fe: {  	[sflag:s20] =	ssyncset.done $0x0  }
0x1ff: {  	[sflag:s20] =	ssyncadd.s32 $0xFFFFF800  }
0x200: {  	_ =	swait.ge [sflag:s20], $0x800  }
0x201: {  	[sflag:s20] =	ssyncset.done $0x0  }
0x202: {  	[sflag:s20] =	ssyncadd.s32 $0xFFFFF800  }
0x203: {  	_ =	swait.ge [sflag:s20], $0x800  }
0x204: {  	[sflag:s20] =	ssyncset.done $0x0  }
0x205: {  	[sflag:s20] =	ssyncadd.s32 $0xFFFFF800  }
0x206: {  	_ =	swait.ge [sflag:s20], $0x800  }
0x207: {  	[sflag:s20] =	ssyncset.done $0x0  }
0x208: {  	[sflag:s20] =	ssyncadd.s32 $0xFFFFF800  }
0x209: {  	_ =	swait.ge [sflag:s20], $0x800  }
0x20a: {  	[sflag:s20] =	ssyncset.done $0x0  }
0x20b: {  	[sflag:s20] =	ssyncadd.s32 $0xFFFFF800  }
0x20c: {  	_ =	swait.ge [sflag:s20], $0x800  }
0x20d: {  	[sflag:s20] =	ssyncset.done $0x0  }
0x20e: {  	[sflag:s20] =	ssyncadd.s32 $0xFFFFF800  }
0x20f: {  	_ =	swait.ge [sflag:s20], $0x800  }
0x210: {  	[sflag:s20] =	ssyncset.done $0x0  }
0x211: {  	[sflag:s20] =	ssyncadd.s32 $0xFFFFF800  }
0x212: {  	_ =	swait.ge [sflag:s20], $0x800  }
0x213: {  	[sflag:s20] =	ssyncset.done $0x0  }
0x214: {  	[sflag:s20] =	ssyncadd.s32 $0xFFFFF800  }
0x215: {  	_ =	swait.ge [sflag:s20], $0x800  }
0x216: {  	[sflag:s20] =	ssyncset.done $0x0  }
0x217: {  	[sflag:s20] =	ssyncadd.s32 $0xFFFFF800  }
0x218: {  	_ =	swait.ge [sflag:s20], $0x800  }
0x219: {  	[sflag:s20] =	ssyncset.done $0x0  }
0x21a: {  	[sflag:s20] =	ssyncadd.s32 $0xFFFFF800  }
0x21b: {  	_ =	swait.ge [sflag:s20], $0x800  }
0x21c: {  	[sflag:s20] =	ssyncset.done $0x0  }
0x21d: {  	[sflag:s20] =	ssyncadd.s32 $0xFFFFF800  }
0x21e: {  	_ =	swait.ge [sflag:s20], $0x800  }
0x21f: {  	[sflag:s20] =	ssyncset.done $0x0  }
0x220: {  	[sflag:s20] =	ssyncadd.s32 $0xFFFFF800  }
0x221: {  	_ =	swait.ge [sflag:s20], $0x800  }
0x222: {  	[sflag:s20] =	ssyncset.done $0x0  }
0x223: {  	[sflag:s20] =	ssyncadd.s32 $0xFFFFF800  }
0x224: {  	_ =	swait.ge [sflag:s20], $0x800  }
0x225: {  	[sflag:s20] =	ssyncset.done $0x0  }
0x226: {  	[sflag:s20] =	ssyncadd.s32 $0xFFFFF800  }
0x227: {  	_ =	swait.ge [sflag:s20], $0x800  }
0x228: {  	[sflag:s20] =	ssyncset.done $0x0  }
0x229: {  	[sflag:s20] =	ssyncadd.s32 $0xFFFFF800  }
0x22a: {  	_ =	swait.ge [sflag:s20], $0x800  }
0x22b: {  	[sflag:s20] =	ssyncset.done $0x0  }
0x22c: {  	[sflag:s20] =	ssyncadd.s32 $0xFFFFF800  }
0x22d: {  	_ =	swait.ge [sflag:s20], $0x800  }
0x22e: {  	[sflag:s20] =	ssyncset.done $0x0  }
0x22f: {  	[sflag:s20] =	ssyncadd.s32 $0xFFFFF800  }
0x230: {  	_ =	swait.ge [sflag:s20], $0x800  }
0x231: {  	[sflag:s20] =	ssyncset.done $0x0  }
0x232: {  	[sflag:s20] =	ssyncadd.s32 $0xFFFFF800  }
0x233: {  	[bflag:$0x0] =	sbarrier.arrive $0xFFFF  }
0x234: {  	[tilespmem:$0x0] =	vst v0  }
0x235: {  	[tilespmem:$0x10] =	vst v0  }
0x236: {  	[tilespmem:$0x20] =	vst v0  }
0x237: {  	[tilespmem:$0x30] =	vst v0  }
0x238: {  	[tilespmem:$0x40] =	vst v0  }
0x239: {  	[tilespmem:$0x50] =	vst v0  }
0x23a: {  	[tilespmem:$0x60] =	vst v0  }
0x23b: {  	[tilespmem:$0x70] =	vst v0  }
0x23c: {  	[tilespmem:$0x80] =	vst v0  }
0x23d: {  	[tilespmem:$0x90] =	vst v0  }
0x23e: {  	[tilespmem:$0xA0] =	vst v0  }
0x23f: {  	[tilespmem:$0xB0] =	vst v0  }
0x240: {  	[tilespmem:$0xC0] =	vst v0  }
0x241: {  	[tilespmem:$0xD0] =	vst v0  }
0x242: {  	[tilespmem:$0xE0] =	vst v0  }
0x243: {  	[tilespmem:$0xF0] =	vst v0  }
0x244: {  	[bflag:$0x0] =	sbarrier.arrive $0xFFFF  }
0x245: {  	[tilespmem:s21], [sflag:$0x1] =	stream.linear.gather [spmem:s5], $0x4000, $0x38;
	[tilespmem:$0x1BC00] =	vst v63  }
0x246: {  	_ = 	snop  }
0x247: {  	[tilespmem:s22], [sflag:$0x2] =	stream.linear.gather [spmem:s6], $0x4000, $0x38;
	[tilespmem:$0x1BC00] =	vst v63  }
0x248: {  	_ =	swait.ge [sflag:s23], $0x4000  }
0x249: {  	[sflag:s23] =	ssyncset.done $0x0  }
0x24a: {  	s30 =	simm.s32 $0x3400;
	[sflag:s23] =	ssyncadd.s32 $0xFFFFC000  }
0x24b: {  	v2 =	vld [tilespmem:s30+$0xFFFFFF80]  }
0x24c: {  	v3 =	vld [tilespmem:s30+$0xFFFFFF90]  }
0x24d: {  	v4 =	vld [tilespmem:s30+$0xFFFFFFA0]  }
0x24e: {  	v5 =	vld [tilespmem:s30+$0xFFFFFFB0]  }
0x24f: {  	v6 =	vld [tilespmem:s30+$0xFFFFFFC0]  }
0x250: {  	v7 =	vld [tilespmem:s30+$0xFFFFFFD0];
	v2 =	vmax.f32 v2, $0.0e+00  }
0x251: {  	[tilespmem:s30+$0xFFFFFF80] =	vst v2;
	v2 =	vmax.f32 v3, $0.0e+00;
	v3 =	vld [tilespmem:s30+$0xFFFFFFE0]  }
0x252: {  	[tilespmem:s30+$0xFFFFFF90] =	vst v2;
	v2 =	vmax.f32 v4, $0.0e+00;
	v4 =	vld [tilespmem:s30+$0x0]  }
0x253: {  	[tilespmem:s30+$0xFFFFFFA0] =	vst v2;
	v2 =	vmax.f32 v5, $0.0e+00;
	v5 =	vld [tilespmem:s30+$0x10]  }
0x254: {  	[tilespmem:s30+$0xFFFFFFB0] =	vst v2;
	v2 =	vmax.f32 v6, $0.0e+00;
	v6 =	vld [tilespmem:s30+$0x20]  }
0x255: {  	[tilespmem:s30+$0xFFFFFFC0] =	vst v2;
	v2 =	vmax.f32 v7, $0.0e+00;
	v7 =	vld [tilespmem:s30+$0x30]  }
0x256: {  	[tilespmem:s30+$0xFFFFFFD0] =	vst v2;
	v3 =	vmax.f32 v3, $0.0e+00;
	v2 =	vld [tilespmem:s30+$0x40]  }
0x257: {  	[tilespmem:s30+$0xFFFFFFE0] =	vst v3;
	v4 =	vmax.f32 v4, $0.0e+00;
	v3 =	vld [tilespmem:s30+$0x50]  }
0x258: {  	[tilespmem:s30+$0x0] =	vst v4;
	v4 =	vmax.f32 v5, $0.0e+00;
	v5 =	vld [tilespmem:s30+$0x60]  }
0x259: {  	[tilespmem:s30+$0x10] =	vst v4;
	v8 =	vmax.f32 v6, $0.0e+00;
	v6 =	vld [tilespmem:s30+$0x70]  }
0x25a: {  	s29 =	simm.s32 $0x0;
	s0 =	simm.s32 $0x3500;
	v4 =	vld [tilespmem:s30+$0xFFFFFFF0];
	[tilespmem:s30+$0x20] =	vst v8;
	v7 =	vmax.f32 v7, $0.0e+00  }
.LBB2_14:
0x25b: {  	v8 =	vld [tilespmem:s0+$0xFFFFFF80];
	[tilespmem:s30+$0x30] =	vst v7;
	v2 =	vmax.f32 v2, $0.0e+00  }
0x25c: {  	v7 =	vld [tilespmem:s0+$0xFFFFFF90];
	[tilespmem:s30+$0x40] =	vst v2;
	v2 =	vmax.f32 v3, $0.0e+00  }
0x25d: {  	v3 =	vld [tilespmem:s0+$0xFFFFFFA0];
	[tilespmem:s30+$0x50] =	vst v2;
	v2 =	vmax.f32 v5, $0.0e+00  }
0x25e: {  	v5 =	vld [tilespmem:s0+$0xFFFFFFB0];
	[tilespmem:s30+$0x60] =	vst v2;
	v2 =	vmax.f32 v6, $0.0e+00  }
0x25f: {  	v6 =	vld [tilespmem:s0+$0xFFFFFFC0];
	v4 =	vmax.f32 v4, $0.0e+00;
	[tilespmem:s30+$0x70] =	vst v2  }
0x260: {  	v2 =	vmax.f32 v8, $0.0e+00;
	v8 =	vld [tilespmem:s0+$0xFFFFFFD0];
	[tilespmem:s30+$0xFFFFFFF0] =	vst v4;
	s30 =	smov.u32 s0  }
0x261: {  	[tilespmem:s0+$0xFFFFFF80] =	vst v2;
	v2 =	vmax.f32 v7, $0.0e+00;
	v4 =	vld [tilespmem:s0+$0xFFFFFFE0]  }
0x262: {  	[tilespmem:s0+$0xFFFFFF90] =	vst v2;
	v2 =	vmax.f32 v3, $0.0e+00;
	v3 =	vld [tilespmem:s0+$0x0]  }
0x263: {  	[tilespmem:s0+$0xFFFFFFA0] =	vst v2;
	v2 =	vmax.f32 v5, $0.0e+00;
	v5 =	vld [tilespmem:s0+$0x10]  }
0x264: {  	s29 =	sadd.s32 $0x2, s29;
	[tilespmem:s0+$0xFFFFFFB0] =	vst v2;
	v2 =	vmax.f32 v6, $0.0e+00;
	v6 =	vld [tilespmem:s0+$0x20]  }
0x265: {  	p0 =	slt.u32 s29, $0x7E;
	[tilespmem:s0+$0xFFFFFFC0] =	vst v2;
	v2 =	vmax.f32 v8, $0.0e+00;
	v7 =	vld [tilespmem:s0+$0x30]  }
.Ltmp6:
0x266: {  	[tilespmem:s0+$0xFFFFFFD0] =	vst v2;
	v4 =	vmax.f32 v4, $0.0e+00;
	v2 =	vld [tilespmem:s0+$0x40];
	(pc) =	sbr.rel @p0 .LBB2_14-.Ltmp6, $4  }
0x267: {  	[tilespmem:s0+$0xFFFFFFE0] =	vst v4;
	v4 =	vmax.f32 v3, $0.0e+00;
	v3 =	vld [tilespmem:s0+$0x50]  }
0x268: {  	[tilespmem:s0+$0x0] =	vst v4;
	v4 =	vmax.f32 v5, $0.0e+00;
	v5 =	vld [tilespmem:s0+$0x60]  }
0x269: {  	[tilespmem:s0+$0x10] =	vst v4;
	v8 =	vmax.f32 v6, $0.0e+00;
	v6 =	vld [tilespmem:s0+$0x70]  }
0x26a: {  	s0 =	sadd.s32 $0x100, s0;
	v4 =	vld [tilespmem:s30+$0xFFFFFFF0];
	[tilespmem:s30+$0x20] =	vst v8;
	v7 =	vmax.f32 v7, $0.0e+00  }
0x26b: {  	[tilespmem:s30+$0x30] =	vst v7;
	v2 =	vmax.f32 v2, $0.0e+00  }
0x26c: {  	[tilespmem:s30+$0x40] =	vst v2;
	v2 =	vmax.f32 v3, $0.0e+00  }
0x26d: {  	[tilespmem:s30+$0x50] =	vst v2;
	v2 =	vmax.f32 v5, $0.0e+00  }
0x26e: {  	s0 =	sshll.u32 s28, $0x12;
	s29 =	rddreg [dreg:$0x5];
	[tilespmem:s30+$0x60] =	vst v2;
	v2 =	vmax.f32 v6, $0.0e+00  }
0x26f: {  	s29 =	sor.u32 s29, s0;
	s0 =	rddreg [dreg:$0x4];
	v3 =	vmax.f32 v4, $0.0e+00;
	[tilespmem:s30+$0x70] =	vst v2  }
0x270: {  	s0 =	sadd.s32 s0, s29;
	[tilespmem:s30+$0xFFFFFFF0] =	vst v3  }
0x271: {  	[hbm4b:s0+s1] =	stream.linear.scatter [tilespmem:s21], [sflag:$0x4], $0x4000, $0x38;
	[tilespmem:$0x1BC00] =	vst v63  }
0x272: {  	_ =	swait.ge [sflag:s24], $0x4000  }
0x273: {  	[sflag:s24] =	ssyncset.done $0x0  }
0x274: {  	[sflag:s24] =	ssyncadd.s32 $0xFFFFC000  }
0x275: {  	[tilespmem:s21], [sflag:$0x1] =	stream.linear.gather [spmem:s9], $0x4000, $0x38;
	[tilespmem:$0x1BC00] =	vst v63  }
0x276: {  	_ =	swait.ge [sflag:s25], $0x4000  }
0x277: {  	[sflag:s25] =	ssyncset.done $0x0  }
0x278: {  	s30 =	simm.s32 $0x7400;
	[sflag:s25] =	ssyncadd.s32 $0xFFFFC000  }
0x279: {  	v2 =	vld [tilespmem:s30+$0xFFFFFF80]  }
0x27a: {  	v3 =	vld [tilespmem:s30+$0xFFFFFF90]  }
0x27b: {  	v4 =	vld [tilespmem:s30+$0xFFFFFFA0]  }
0x27c: {  	v5 =	vld [tilespmem:s30+$0xFFFFFFB0]  }
0x27d: {  	v6 =	vld [tilespmem:s30+$0xFFFFFFC0]  }
0x27e: {  	v7 =	vld [tilespmem:s30+$0xFFFFFFD0];
	v2 =	vmax.f32 v2, $0.0e+00  }
0x27f: {  	[tilespmem:s30+$0xFFFFFF80] =	vst v2;
	v2 =	vmax.f32 v3, $0.0e+00;
	v3 =	vld [tilespmem:s30+$0xFFFFFFE0]  }
0x280: {  	[tilespmem:s30+$0xFFFFFF90] =	vst v2;
	v2 =	vmax.f32 v4, $0.0e+00;
	v4 =	vld [tilespmem:s30+$0x0]  }
0x281: {  	[tilespmem:s30+$0xFFFFFFA0] =	vst v2;
	v2 =	vmax.f32 v5, $0.0e+00;
	v5 =	vld [tilespmem:s30+$0x10]  }
0x282: {  	[tilespmem:s30+$0xFFFFFFB0] =	vst v2;
	v2 =	vmax.f32 v6, $0.0e+00;
	v6 =	vld [tilespmem:s30+$0x20]  }
0x283: {  	[tilespmem:s30+$0xFFFFFFC0] =	vst v2;
	v2 =	vmax.f32 v7, $0.0e+00;
	v7 =	vld [tilespmem:s30+$0x30]  }
0x284: {  	[tilespmem:s30+$0xFFFFFFD0] =	vst v2;
	v3 =	vmax.f32 v3, $0.0e+00;
	v2 =	vld [tilespmem:s30+$0x40]  }
0x285: {  	[tilespmem:s30+$0xFFFFFFE0] =	vst v3;
	v4 =	vmax.f32 v4, $0.0e+00;
	v3 =	vld [tilespmem:s30+$0x50]  }
0x286: {  	[tilespmem:s30+$0x0] =	vst v4;
	v5 =	vmax.f32 v5, $0.0e+00;
	v4 =	vld [tilespmem:s30+$0x60]  }
0x287: {  	[tilespmem:s30+$0x10] =	vst v5;
	v8 =	vmax.f32 v6, $0.0e+00;
	v6 =	vld [tilespmem:s30+$0x70]  }
0x288: {  	s31 =	simm.s32 $0x0;
	s0 =	simm.s32 $0x7500;
	v5 =	vld [tilespmem:s30+$0xFFFFFFF0];
	[tilespmem:s30+$0x20] =	vst v8;
	v7 =	vmax.f32 v7, $0.0e+00  }
.LBB2_16:
0x289: {  	v8 =	vld [tilespmem:s0+$0xFFFFFF80];
	[tilespmem:s30+$0x30] =	vst v7;
	v2 =	vmax.f32 v2, $0.0e+00  }
0x28a: {  	v7 =	vld [tilespmem:s0+$0xFFFFFF90];
	[tilespmem:s30+$0x40] =	vst v2;
	v2 =	vmax.f32 v3, $0.0e+00  }
0x28b: {  	v3 =	vld [tilespmem:s0+$0xFFFFFFA0];
	[tilespmem:s30+$0x50] =	vst v2;
	v2 =	vmax.f32 v4, $0.0e+00  }
0x28c: {  	v4 =	vld [tilespmem:s0+$0xFFFFFFB0];
	[tilespmem:s30+$0x60] =	vst v2;
	v2 =	vmax.f32 v6, $0.0e+00  }
0x28d: {  	v6 =	vld [tilespmem:s0+$0xFFFFFFC0];
	v5 =	vmax.f32 v5, $0.0e+00;
	[tilespmem:s30+$0x70] =	vst v2  }
0x28e: {  	v2 =	vmax.f32 v8, $0.0e+00;
	v8 =	vld [tilespmem:s0+$0xFFFFFFD0];
	[tilespmem:s30+$0xFFFFFFF0] =	vst v5;
	s30 =	smov.u32 s0  }
0x28f: {  	[tilespmem:s0+$0xFFFFFF80] =	vst v2;
	v2 =	vmax.f32 v7, $0.0e+00;
	v5 =	vld [tilespmem:s0+$0xFFFFFFE0]  }
0x290: {  	[tilespmem:s0+$0xFFFFFF90] =	vst v2;
	v2 =	vmax.f32 v3, $0.0e+00;
	v3 =	vld [tilespmem:s0+$0x0]  }
0x291: {  	[tilespmem:s0+$0xFFFFFFA0] =	vst v2;
	v2 =	vmax.f32 v4, $0.0e+00;
	v4 =	vld [tilespmem:s0+$0x10]  }
0x292: {  	s31 =	sadd.s32 $0x2, s31;
	[tilespmem:s0+$0xFFFFFFB0] =	vst v2;
	v2 =	vmax.f32 v6, $0.0e+00;
	v6 =	vld [tilespmem:s0+$0x20]  }
0x293: {  	p0 =	slt.u32 s31, $0x7E;
	[tilespmem:s0+$0xFFFFFFC0] =	vst v2;
	v2 =	vmax.f32 v8, $0.0e+00;
	v7 =	vld [tilespmem:s0+$0x30]  }
.Ltmp7:
0x294: {  	[tilespmem:s0+$0xFFFFFFD0] =	vst v2;
	v5 =	vmax.f32 v5, $0.0e+00;
	v2 =	vld [tilespmem:s0+$0x40];
	(pc) =	sbr.rel @p0 .LBB2_16-.Ltmp7, $4  }
0x295: {  	[tilespmem:s0+$0xFFFFFFE0] =	vst v5;
	v5 =	vmax.f32 v3, $0.0e+00;
	v3 =	vld [tilespmem:s0+$0x50]  }
0x296: {  	[tilespmem:s0+$0x0] =	vst v5;
	v5 =	vmax.f32 v4, $0.0e+00;
	v4 =	vld [tilespmem:s0+$0x60]  }
0x297: {  	[tilespmem:s0+$0x10] =	vst v5;
	v8 =	vmax.f32 v6, $0.0e+00;
	v6 =	vld [tilespmem:s0+$0x70]  }
0x298: {  	s0 =	sadd.s32 $0x100, s0;
	v5 =	vld [tilespmem:s30+$0xFFFFFFF0];
	[tilespmem:s30+$0x20] =	vst v8;
	v7 =	vmax.f32 v7, $0.0e+00  }
0x299: {  	[tilespmem:s30+$0x30] =	vst v7;
	v2 =	vmax.f32 v2, $0.0e+00  }
0x29a: {  	[tilespmem:s30+$0x40] =	vst v2;
	v2 =	vmax.f32 v3, $0.0e+00  }
0x29b: {  	[tilespmem:s30+$0x50] =	vst v2;
	v2 =	vmax.f32 v4, $0.0e+00  }
0x29c: {  	[tilespmem:s30+$0x60] =	vst v2;
	v2 =	vmax.f32 v6, $0.0e+00  }
0x29d: {  	s0 =	rddreg [dreg:$0x9];
	v3 =	vmax.f32 v5, $0.0e+00;
	[tilespmem:s30+$0x70] =	vst v2  }
0x29e: {  	s0 =	sadd.s32 s29, s0;
	[tilespmem:s30+$0xFFFFFFF0] =	vst v3  }
0x29f: {  	[hbm4b:s0+s1] =	stream.linear.scatter [tilespmem:s22], [sflag:$0x5], $0x4000, $0x38;
	[tilespmem:$0x1BC00] =	vst v63  }
0x2a0: {  	_ =	swait.ge [sflag:s26], $0x4000  }
0x2a1: {  	[sflag:s26] =	ssyncset.done $0x0  }
0x2a2: {  	[sflag:s26] =	ssyncadd.s32 $0xFFFFC000  }
0x2a3: {  	[tilespmem:s22], [sflag:$0x2] =	stream.linear.gather [spmem:s10], $0x4000, $0x38;
	[tilespmem:$0x1BC00] =	vst v63  }
0x2a4: {  	_ =	swait.ge [sflag:s23], $0x4000  }
0x2a5: {  	[sflag:s23] =	ssyncset.done $0x0  }
0x2a6: {  	s30 =	simm.s32 $0x3400;
	[sflag:s23] =	ssyncadd.s32 $0xFFFFC000  }
0x2a7: {  	v2 =	vld [tilespmem:s30+$0xFFFFFF80]  }
0x2a8: {  	v3 =	vld [tilespmem:s30+$0xFFFFFF90]  }
0x2a9: {  	v4 =	vld [tilespmem:s30+$0xFFFFFFA0]  }
0x2aa: {  	v5 =	vld [tilespmem:s30+$0xFFFFFFB0]  }
0x2ab: {  	v6 =	vld [tilespmem:s30+$0xFFFFFFC0]  }
0x2ac: {  	v7 =	vld [tilespmem:s30+$0xFFFFFFD0];
	v2 =	vmax.f32 v2, $0.0e+00  }
0x2ad: {  	[tilespmem:s30+$0xFFFFFF80] =	vst v2;
	v2 =	vmax.f32 v3, $0.0e+00;
	v3 =	vld [tilespmem:s30+$0xFFFFFFE0]  }
0x2ae: {  	[tilespmem:s30+$0xFFFFFF90] =	vst v2;
	v2 =	vmax.f32 v4, $0.0e+00;
	v4 =	vld [tilespmem:s30+$0x0]  }
0x2af: {  	[tilespmem:s30+$0xFFFFFFA0] =	vst v2;
	v2 =	vmax.f32 v5, $0.0e+00;
	v5 =	vld [tilespmem:s30+$0x10]  }
0x2b0: {  	[tilespmem:s30+$0xFFFFFFB0] =	vst v2;
	v2 =	vmax.f32 v6, $0.0e+00;
	v6 =	vld [tilespmem:s30+$0x20]  }
0x2b1: {  	[tilespmem:s30+$0xFFFFFFC0] =	vst v2;
	v2 =	vmax.f32 v7, $0.0e+00;
	v7 =	vld [tilespmem:s30+$0x30]  }
0x2b2: {  	[tilespmem:s30+$0xFFFFFFD0] =	vst v2;
	v3 =	vmax.f32 v3, $0.0e+00;
	v2 =	vld [tilespmem:s30+$0x40]  }
0x2b3: {  	[tilespmem:s30+$0xFFFFFFE0] =	vst v3;
	v4 =	vmax.f32 v4, $0.0e+00;
	v3 =	vld [tilespmem:s30+$0x50]  }
0x2b4: {  	[tilespmem:s30+$0x0] =	vst v4;
	v5 =	vmax.f32 v5, $0.0e+00;
	v4 =	vld [tilespmem:s30+$0x60]  }
0x2b5: {  	[tilespmem:s30+$0x10] =	vst v5;
	v8 =	vmax.f32 v6, $0.0e+00;
	v6 =	vld [tilespmem:s30+$0x70]  }
0x2b6: {  	s31 =	simm.s32 $0x0;
	s0 =	simm.s32 $0x3500;
	v5 =	vld [tilespmem:s30+$0xFFFFFFF0];
	[tilespmem:s30+$0x20] =	vst v8;
	v7 =	vmax.f32 v7, $0.0e+00  }
.LBB2_18:
0x2b7: {  	v8 =	vld [tilespmem:s0+$0xFFFFFF80];
	[tilespmem:s30+$0x30] =	vst v7;
	v2 =	vmax.f32 v2, $0.0e+00  }
0x2b8: {  	v7 =	vld [tilespmem:s0+$0xFFFFFF90];
	[tilespmem:s30+$0x40] =	vst v2;
	v2 =	vmax.f32 v3, $0.0e+00  }
0x2b9: {  	v3 =	vld [tilespmem:s0+$0xFFFFFFA0];
	[tilespmem:s30+$0x50] =	vst v2;
	v2 =	vmax.f32 v4, $0.0e+00  }
0x2ba: {  	v4 =	vld [tilespmem:s0+$0xFFFFFFB0];
	[tilespmem:s30+$0x60] =	vst v2;
	v2 =	vmax.f32 v6, $0.0e+00  }
0x2bb: {  	v6 =	vld [tilespmem:s0+$0xFFFFFFC0];
	v5 =	vmax.f32 v5, $0.0e+00;
	[tilespmem:s30+$0x70] =	vst v2  }
0x2bc: {  	v2 =	vmax.f32 v8, $0.0e+00;
	v8 =	vld [tilespmem:s0+$0xFFFFFFD0];
	[tilespmem:s30+$0xFFFFFFF0] =	vst v5;
	s30 =	smov.u32 s0  }
0x2bd: {  	[tilespmem:s0+$0xFFFFFF80] =	vst v2;
	v2 =	vmax.f32 v7, $0.0e+00;
	v5 =	vld [tilespmem:s0+$0xFFFFFFE0]  }
0x2be: {  	[tilespmem:s0+$0xFFFFFF90] =	vst v2;
	v2 =	vmax.f32 v3, $0.0e+00;
	v3 =	vld [tilespmem:s0+$0x0]  }
0x2bf: {  	[tilespmem:s0+$0xFFFFFFA0] =	vst v2;
	v2 =	vmax.f32 v4, $0.0e+00;
	v4 =	vld [tilespmem:s0+$0x10]  }
0x2c0: {  	s31 =	sadd.s32 $0x2, s31;
	[tilespmem:s0+$0xFFFFFFB0] =	vst v2;
	v2 =	vmax.f32 v6, $0.0e+00;
	v6 =	vld [tilespmem:s0+$0x20]  }
0x2c1: {  	p0 =	slt.u32 s31, $0x7E;
	[tilespmem:s0+$0xFFFFFFC0] =	vst v2;
	v2 =	vmax.f32 v8, $0.0e+00;
	v7 =	vld [tilespmem:s0+$0x30]  }
.Ltmp8:
0x2c2: {  	[tilespmem:s0+$0xFFFFFFD0] =	vst v2;
	v5 =	vmax.f32 v5, $0.0e+00;
	v2 =	vld [tilespmem:s0+$0x40];
	(pc) =	sbr.rel @p0 .LBB2_18-.Ltmp8, $4  }
0x2c3: {  	[tilespmem:s0+$0xFFFFFFE0] =	vst v5;
	v5 =	vmax.f32 v3, $0.0e+00;
	v3 =	vld [tilespmem:s0+$0x50]  }
0x2c4: {  	[tilespmem:s0+$0x0] =	vst v5;
	v5 =	vmax.f32 v4, $0.0e+00;
	v4 =	vld [tilespmem:s0+$0x60]  }
0x2c5: {  	[tilespmem:s0+$0x10] =	vst v5;
	v8 =	vmax.f32 v6, $0.0e+00;
	v6 =	vld [tilespmem:s0+$0x70]  }
0x2c6: {  	s0 =	sadd.s32 $0x100, s0;
	v5 =	vld [tilespmem:s30+$0xFFFFFFF0];
	[tilespmem:s30+$0x20] =	vst v8;
	v7 =	vmax.f32 v7, $0.0e+00  }
0x2c7: {  	[tilespmem:s30+$0x30] =	vst v7;
	v2 =	vmax.f32 v2, $0.0e+00  }
0x2c8: {  	[tilespmem:s30+$0x40] =	vst v2;
	v2 =	vmax.f32 v3, $0.0e+00  }
0x2c9: {  	[tilespmem:s30+$0x50] =	vst v2;
	v2 =	vmax.f32 v4, $0.0e+00  }
0x2ca: {  	[tilespmem:s30+$0x60] =	vst v2;
	v2 =	vmax.f32 v6, $0.0e+00  }
0x2cb: {  	s0 =	rddreg [dreg:$0xa];
	v3 =	vmax.f32 v5, $0.0e+00;
	[tilespmem:s30+$0x70] =	vst v2  }
0x2cc: {  	s0 =	sadd.s32 s29, s0;
	[tilespmem:s30+$0xFFFFFFF0] =	vst v3  }
0x2cd: {  	[hbm4b:s0+s1] =	stream.linear.scatter [tilespmem:s21], [sflag:$0x4], $0x4000, $0x38;
	[tilespmem:$0x1BC00] =	vst v63  }
0x2ce: {  	_ =	swait.ge [sflag:s25], $0x4000  }
0x2cf: {  	[sflag:s25] =	ssyncset.done $0x0  }
0x2d0: {  	s30 =	simm.s32 $0x7400;
	[sflag:s25] =	ssyncadd.s32 $0xFFFFC000  }
0x2d1: {  	v2 =	vld [tilespmem:s30+$0xFFFFFF80]  }
0x2d2: {  	v3 =	vld [tilespmem:s30+$0xFFFFFF90]  }
0x2d3: {  	v4 =	vld [tilespmem:s30+$0xFFFFFFA0]  }
0x2d4: {  	v5 =	vld [tilespmem:s30+$0xFFFFFFB0]  }
0x2d5: {  	v6 =	vld [tilespmem:s30+$0xFFFFFFC0]  }
0x2d6: {  	v7 =	vld [tilespmem:s30+$0xFFFFFFD0];
	v2 =	vmax.f32 v2, $0.0e+00  }
0x2d7: {  	[tilespmem:s30+$0xFFFFFF80] =	vst v2;
	v2 =	vmax.f32 v3, $0.0e+00;
	v3 =	vld [tilespmem:s30+$0xFFFFFFE0]  }
0x2d8: {  	[tilespmem:s30+$0xFFFFFF90] =	vst v2;
	v2 =	vmax.f32 v4, $0.0e+00;
	v4 =	vld [tilespmem:s30+$0x0]  }
0x2d9: {  	[tilespmem:s30+$0xFFFFFFA0] =	vst v2;
	v2 =	vmax.f32 v5, $0.0e+00;
	v5 =	vld [tilespmem:s30+$0x10]  }
0x2da: {  	[tilespmem:s30+$0xFFFFFFB0] =	vst v2;
	v2 =	vmax.f32 v6, $0.0e+00;
	v6 =	vld [tilespmem:s30+$0x20]  }
0x2db: {  	[tilespmem:s30+$0xFFFFFFC0] =	vst v2;
	v2 =	vmax.f32 v7, $0.0e+00;
	v7 =	vld [tilespmem:s30+$0x30]  }
0x2dc: {  	[tilespmem:s30+$0xFFFFFFD0] =	vst v2;
	v3 =	vmax.f32 v3, $0.0e+00;
	v2 =	vld [tilespmem:s30+$0x40]  }
0x2dd: {  	[tilespmem:s30+$0xFFFFFFE0] =	vst v3;
	v4 =	vmax.f32 v4, $0.0e+00;
	v3 =	vld [tilespmem:s30+$0x50]  }
0x2de: {  	[tilespmem:s30+$0x0] =	vst v4;
	v5 =	vmax.f32 v5, $0.0e+00;
	v4 =	vld [tilespmem:s30+$0x60]  }
0x2df: {  	[tilespmem:s30+$0x10] =	vst v5;
	v8 =	vmax.f32 v6, $0.0e+00;
	v6 =	vld [tilespmem:s30+$0x70]  }
0x2e0: {  	s31 =	simm.s32 $0x0;
	s0 =	simm.s32 $0x7500;
	v5 =	vld [tilespmem:s30+$0xFFFFFFF0];
	[tilespmem:s30+$0x20] =	vst v8;
	v7 =	vmax.f32 v7, $0.0e+00  }
.LBB2_20:
0x2e1: {  	v8 =	vld [tilespmem:s0+$0xFFFFFF80];
	[tilespmem:s30+$0x30] =	vst v7;
	v2 =	vmax.f32 v2, $0.0e+00  }
0x2e2: {  	v7 =	vld [tilespmem:s0+$0xFFFFFF90];
	[tilespmem:s30+$0x40] =	vst v2;
	v2 =	vmax.f32 v3, $0.0e+00  }
0x2e3: {  	v3 =	vld [tilespmem:s0+$0xFFFFFFA0];
	[tilespmem:s30+$0x50] =	vst v2;
	v2 =	vmax.f32 v4, $0.0e+00  }
0x2e4: {  	v4 =	vld [tilespmem:s0+$0xFFFFFFB0];
	[tilespmem:s30+$0x60] =	vst v2;
	v2 =	vmax.f32 v6, $0.0e+00  }
0x2e5: {  	v6 =	vld [tilespmem:s0+$0xFFFFFFC0];
	v5 =	vmax.f32 v5, $0.0e+00;
	[tilespmem:s30+$0x70] =	vst v2  }
0x2e6: {  	v2 =	vmax.f32 v8, $0.0e+00;
	v8 =	vld [tilespmem:s0+$0xFFFFFFD0];
	[tilespmem:s30+$0xFFFFFFF0] =	vst v5;
	s30 =	smov.u32 s0  }
0x2e7: {  	[tilespmem:s0+$0xFFFFFF80] =	vst v2;
	v2 =	vmax.f32 v7, $0.0e+00;
	v5 =	vld [tilespmem:s0+$0xFFFFFFE0]  }
0x2e8: {  	[tilespmem:s0+$0xFFFFFF90] =	vst v2;
	v2 =	vmax.f32 v3, $0.0e+00;
	v3 =	vld [tilespmem:s0+$0x0]  }
0x2e9: {  	[tilespmem:s0+$0xFFFFFFA0] =	vst v2;
	v2 =	vmax.f32 v4, $0.0e+00;
	v4 =	vld [tilespmem:s0+$0x10]  }
0x2ea: {  	s31 =	sadd.s32 $0x2, s31;
	[tilespmem:s0+$0xFFFFFFB0] =	vst v2;
	v2 =	vmax.f32 v6, $0.0e+00;
	v6 =	vld [tilespmem:s0+$0x20]  }
0x2eb: {  	p0 =	slt.u32 s31, $0x7E;
	[tilespmem:s0+$0xFFFFFFC0] =	vst v2;
	v2 =	vmax.f32 v8, $0.0e+00;
	v7 =	vld [tilespmem:s0+$0x30]  }
.Ltmp9:
0x2ec: {  	[tilespmem:s0+$0xFFFFFFD0] =	vst v2;
	v5 =	vmax.f32 v5, $0.0e+00;
	v2 =	vld [tilespmem:s0+$0x40];
	(pc) =	sbr.rel @p0 .LBB2_20-.Ltmp9, $4  }
0x2ed: {  	[tilespmem:s0+$0xFFFFFFE0] =	vst v5;
	v5 =	vmax.f32 v3, $0.0e+00;
	v3 =	vld [tilespmem:s0+$0x50]  }
0x2ee: {  	[tilespmem:s0+$0x0] =	vst v5;
	v5 =	vmax.f32 v4, $0.0e+00;
	v4 =	vld [tilespmem:s0+$0x60]  }
0x2ef: {  	[tilespmem:s0+$0x10] =	vst v5;
	v8 =	vmax.f32 v6, $0.0e+00;
	v6 =	vld [tilespmem:s0+$0x70]  }
0x2f0: {  	s0 =	sadd.s32 $0x100, s0;
	v5 =	vld [tilespmem:s30+$0xFFFFFFF0];
	[tilespmem:s30+$0x20] =	vst v8;
	v7 =	vmax.f32 v7, $0.0e+00  }
0x2f1: {  	[tilespmem:s30+$0x30] =	vst v7;
	v2 =	vmax.f32 v2, $0.0e+00  }
0x2f2: {  	[tilespmem:s30+$0x40] =	vst v2;
	v2 =	vmax.f32 v3, $0.0e+00  }
0x2f3: {  	[tilespmem:s30+$0x50] =	vst v2;
	v2 =	vmax.f32 v4, $0.0e+00  }
0x2f4: {  	[tilespmem:s30+$0x60] =	vst v2;
	v2 =	vmax.f32 v6, $0.0e+00  }
0x2f5: {  	s0 =	rddreg [dreg:$0xb];
	v3 =	vmax.f32 v5, $0.0e+00;
	[tilespmem:s30+$0x70] =	vst v2  }
0x2f6: {  	s28 =	sadd.s32 $0x1, s28;
	s0 =	sadd.s32 s29, s0;
	[tilespmem:s30+$0xFFFFFFF0] =	vst v3  }
0x2f7: {  	[hbm4b:s0+s1] =	stream.linear.scatter [tilespmem:s22], [sflag:$0x5], $0x4000, $0x38;
	[tilespmem:$0x1BC00] =	vst v63  }
0x2f8: {  	p0 =	sne.s32 s28, $0x7;
	_ =	swait.ge [sflag:s24], $0x4000  }
.Ltmp10:
0x2f9: {  	[sflag:s24] =	ssyncset.done $0x0;
	(pc) =	sbr.rel @p0 .LBB2_13-.Ltmp10, $4  }
0x2fa: {  	[sflag:s24] =	ssyncadd.s32 $0xFFFFC000  }
0x2fb: {  	_ =	swait.ge [sflag:s26], $0x4000  }
0x2fc: {  	[sflag:s26] =	ssyncset.done $0x0  }
0x2fd: {  	[sflag:s26] =	ssyncadd.s32 $0xFFFFC000  }
0x2fe: {  	s28 =	rddreg [dreg:$0x1c]  }
0x2ff: {  	s0 =	rddreg [dreg:$0xc];
	s28 =	sadd.s32 $0x1, s28  }
0x300: {  	p0 =	sne.s32 s28, s0  }
.Ltmp11:
0x301: {  	_ = 	snop;
	(pc) =	sbr.rel @p0 .LBB2_1-.Ltmp11, $1  }
0x302: {  	_ =	sdelay $0x3  }
0x303: {  	_ =	sfence.sel $0x180000  }
0x304: {  	[bflag:$0x0] =	sbarrier.arrive $0xFFFF  }
0x305: {  	_ =	strace $0x90000047  }
0x306: {  	s0 =	stileid.u32;
	[bflag:$0x2] =	sbarrier.arrive $0xFFFF  }
0x307: {  	p0 =	sne.s32 s0, $0x0;
	s0 =	rddreg [dreg:$0x2]  }
0x308: {  	s0 =	sadd.s32 @!p0 $0x100000, s0  }
0x309: {  	[sflag:s0] =	ssyncadd.tile.s32 @!p0 $0x1;
	_ =	shalt  }
.Lfunc_end2:
_tile_overlayer_lowered:
.L_overlay_start_2:
0x30a: {  	(tag) =	ssettag $0x2  }
0x30b: {  	s0 =	rddreg [dreg:$0x0];
	s2 =	stileid.u32  }
0x30c: {  	s1 =	rddreg [dreg:$0x1];
	p0 =	sne.s32 s2, $0x0  }
0x30d: {  	s3 =	rddreg [dreg:$0x2];
	[bflag:$0x3] =	sbarrier.arrive $0xFFFF;
	s2 =	simm.s32 @!p0 $0x1C06  }
0x30e: {  	[timem:s3], [sflag:s2] =	dma.local @!p0 [hbm:s0], s1  }
0x30f: {  	s0 =	simm.s32 @!p0 $0x6  }
0x310: {  	_ =	swait.ge @!p0 [sflag:s0], s1  }
0x311: {  	s1 =	ssub.s32 @!p0 $0x0, s1;
	[sflag:s0] =	ssyncset.done @!p0 $0x0  }
0x312: {  	[sflag:s0] =	ssyncadd.s32 @!p0 s1  }
0x313: {  	[bflag:$0x3] =	sbarrier.arrive $0xFFFF  }
0x314: {  	_ =	shalt  }

</sc_bundles>
